<compile_context>
chip_gen: v7x
topology: tpu7x:2x2x1
jax: 0.10.2.dev20260603
libtpu: 0.0.44.dev20260713+nightly
codegen_flags: <defaults>
</compile_context>

<pallas_src>
import functools

import jax
import jax.numpy as jnp
from jax import lax
from jax.experimental import pallas as pl
from jax.experimental.pallas import tpu as pltpu
from jax.experimental.pallas import tpu_sc as plsc

VOCAB = 1000000
HIDDEN = 64
OUT = 64
BATCH = 16384

NUM_CORES = 2
NUM_SUBCORES = 16
NUM_WORKERS = NUM_CORES * NUM_SUBCORES

TOTAL_IDX = 2 * BATCH
N_TCOLS = (VOCAB + 127) // 128
COLS_PER_W = (N_TCOLS + NUM_WORKERS - 1) // NUM_WORKERS
L = 16

CAP = 1792
NGROUPS = 16
GCAP = 192
NBUF = 4
RING = 8
SENTINEL = 0x7FFFFFFF


@functools.cache
def _sc_stream_gather():
    mesh = plsc.VectorSubcoreMesh(core_axis_name="c", subcore_axis_name="s")

    @functools.partial(
        pl.kernel,
        mesh=mesh,
        compiler_params=pltpu.CompilerParams(needs_layout_passes=False),
        out_type=jax.ShapeDtypeStruct((TOTAL_IDX * HIDDEN,), jnp.float32),
        scratch_types=[
            pltpu.VMEM((TOTAL_IDX,), jnp.int32),
            pltpu.VMEM((NBUF, HIDDEN, 128), jnp.float32),
            pltpu.VMEM((CAP,), jnp.int32),
            pltpu.VMEM((NGROUPS * GCAP,), jnp.int32),
            pltpu.VMEM((RING * HIDDEN,), jnp.float32),
            pltpu.VMEM((2 * L,), jnp.int32),
            pltpu.SemaphoreType.DMA,
            pltpu.SemaphoreType.DMA,
        ],
    )
    def gather(tableT_hbm, idx_hbm, out_hbm, idx_v, colbuf, lv, gl, rows_v,
               stg, sem_col, sem_out):
        wid = lax.axis_index("s") * NUM_CORES + lax.axis_index("c")
        c_lo = wid * COLS_PER_W
        n_cols = jnp.minimum(N_TCOLS - c_lo, COLS_PER_W)
        lanes = lax.iota(jnp.int32, L)

        pltpu.sync_copy(idx_hbm, idx_v)

        def scan_vec(i, off):
            va = idx_v[pl.ds(i * L, L)]
            tc = lax.shift_right_logical(va, 7)
            c_rel = tc - c_lo
            m = (c_rel >= 0) & (c_rel < n_cols)
            dest = i * L + lanes
            pack = (
                lax.shift_left(c_rel, 22)
                | lax.shift_left(dest, 7)
                | (va & 127)
            )
            pref = lax.cumsum(m.astype(jnp.int32))
            plsc.store_scatter(lv, [off + pref - 1], pack, mask=m)
            return off + pref[L - 1]

        n_match = lax.fori_loop(0, TOTAL_IDX // L, scan_vec, 0)

        def fill(i, x):
            gl[pl.ds(i * L, L)] = jnp.full((L,), SENTINEL, jnp.int32)
            return x

        lax.fori_loop(0, NGROUPS * GCAP // L, fill, 0)

        def split_vec(i, offs):
            pack = lv[pl.ds(i * L, L)]
            valid = (i * L + lanes) < n_match
            grp = lax.shift_right_logical(pack, 26)
            new_offs = []
            for g in range(NGROUPS):
                mg = valid & (grp == g)
                pref = lax.cumsum(mg.astype(jnp.int32))
                plsc.store_scatter(
                    gl, [g * GCAP + offs[g] + pref - 1], pack, mask=mg)
                new_offs.append(offs[g] + pref[L - 1])
            return tuple(new_offs)

        goffs = lax.fori_loop(
            0, lax.shift_right_logical(n_match + L - 1, 4), split_vec,
            (jnp.int32(0),) * NGROUPS)

        def fetch(c_rel):
            pltpu.make_async_copy(
                tableT_hbm.at[:, pl.ds((c_lo + c_rel) * 128, 128)],
                colbuf.at[lax.rem(c_rel, NBUF)], sem_col,
            ).start()

        for p in range(NBUF - 1):
            fetch(jnp.int32(p))

        def col_step(c_rel, n_out):
            buf = lax.rem(c_rel, NBUF)
            pltpu.make_async_copy(
                tableT_hbm.at[:, pl.ds(0, 128)], colbuf.at[buf], sem_col
            ).wait()

            @pl.when(c_rel + NBUF - 1 < n_cols)
            def _():
                fetch(c_rel + NBUF - 1)

            g = lax.shift_right_logical(c_rel, 4)
            cnt_g = goffs[NGROUPS - 1]
            for gg in range(NGROUPS - 1):
                cnt_g = jnp.where(g == gg, goffs[gg], cnt_g)

            def scan_bucket(i, n_out):
                pk16 = gl[pl.ds(g * GCAP + i * L, L)]
                m = lax.shift_right_logical(pk16, 22) == c_rel
                nm = plsc.all_reduce_population_count(m)[0]
                stg[pl.ds(0, L)] = pk16

                def extract_one(j, state):
                    m, n_out = state
                    lane0 = plsc.all_reduce_ffs(m)[0]

                    @pl.when(n_out >= RING)
                    def _():
                        pltpu.make_async_copy(
                            rows_v.at[pl.ds(0, HIDDEN)],
                            out_hbm.at[pl.ds(0, HIDDEN)], sem_out,
                        ).wait()

                    pk = stg[pl.ds(lane0, L)][0]
                    r = pk & 127
                    dest = lax.shift_right_logical(pk, 7) & 32767
                    slot = lax.rem(n_out, RING)
                    for k in range(HIDDEN // L):
                        seg = plsc.load_gather(
                            colbuf,
                            [jnp.full((L,), buf, jnp.int32),
                             lanes + k * L,
                             jnp.full((L,), r, jnp.int32)])
                        rows_v[pl.ds(slot * HIDDEN + k * L, L)] = seg
                    pltpu.make_async_copy(
                        rows_v.at[pl.ds(slot * HIDDEN, HIDDEN)],
                        out_hbm.at[pl.ds(dest * HIDDEN, HIDDEN)],
                        sem_out,
                    ).start()
                    return m & (lanes != lane0), n_out + 1

                m, n_out = lax.fori_loop(0, nm, extract_one, (m, n_out))
                return n_out

            return lax.fori_loop(
                0, lax.shift_right_logical(cnt_g + L - 1, 4),
                scan_bucket, n_out)

        n_out = lax.fori_loop(0, n_cols, col_step, 0)

        def drain(i, x):
            pltpu.make_async_copy(
                rows_v.at[pl.ds(0, HIDDEN)],
                out_hbm.at[pl.ds(0, HIDDEN)], sem_out,
            ).wait()
            return x

        lax.fori_loop(0, jnp.minimum(n_out, RING), drain, 0)

    return gather


def _tc_body(r1_ref, r2_ref, w_ref, b_ref, o_ref):
    rel = r1_ref[...] - r2_ref[...]
    o_ref[...] = (
        jnp.dot(rel, w_ref[...], preferred_element_type=jnp.float32)
        + b_ref[...]
    )


@functools.cache
def _tc_linear():
    grid = 16
    blk = BATCH // grid
    return pl.pallas_call(
        _tc_body,
        grid=(grid,),
        in_specs=[
            pl.BlockSpec((blk, HIDDEN), lambda i: (i, 0)),
            pl.BlockSpec((blk, HIDDEN), lambda i: (i + grid, 0)),
            pl.BlockSpec((HIDDEN, OUT), lambda i: (0, 0)),
            pl.BlockSpec((1, OUT), lambda i: (0, 0)),
        ],
        out_specs=pl.BlockSpec((blk, OUT), lambda i: (i, 0)),
        out_shape=jax.ShapeDtypeStruct((BATCH, OUT), jnp.float32),
    )


def kernel(sentences_seq, sentence_lengths, entity1_index, entity2_index,
           position_to_entity1_batch, position_to_entity2_batch,
           emb_table, W, b):
    idx = jnp.concatenate(
        [entity1_index.reshape(-1), entity2_index.reshape(-1)]
    ).astype(jnp.int32)
    flat = _sc_stream_gather()(emb_table.T, idx)
    rows = flat.reshape(TOTAL_IDX, HIDDEN)
    return _tc_linear()(rows, rows, W, b.reshape(1, OUT))

# --- scband reference (transcript-rebuilt; emitter-appended) ---
"""Pipeline reference for scband-re-52003464020364 (READ-ONLY COPY).

The authoritative reference and input builder live on the scoring server;
editing this copy changes nothing except your own understanding.
"""

import jax, jax.numpy as jnp
import numpy as np

VOCAB = 1000000
HIDDEN = 64
OUT = 64
BATCH = 16384
SEQ = 50


def setup_inputs(seed: int = 0) -> dict:
    key = jax.random.key(seed)
    ks = jax.random.split(key, 10)
    sentences_seq = jax.random.randint(ks[0], (BATCH, SEQ), 0, VOCAB, dtype=jnp.int64) if jax.config.jax_enable_x64 else jax.random.randint(ks[0], (BATCH, SEQ), 0, VOCAB, dtype=jnp.int32)
    sentence_lengths = jax.random.randint(ks[1], (BATCH,), 0, SEQ, dtype=jnp.int32)
    entity1_index = jax.random.randint(ks[2], (BATCH, 1), 0, VOCAB, dtype=jnp.int32)
    entity2_index = jax.random.randint(ks[3], (BATCH, 1), 0, VOCAB, dtype=jnp.int32)
    position_to_entity1_batch = jax.random.randint(ks[4], (BATCH, SEQ), 0, SEQ, dtype=jnp.int32)
    position_to_entity2_batch = jax.random.randint(ks[5], (BATCH, SEQ), 0, SEQ, dtype=jnp.int32)
    emb_table = jax.random.normal(ks[6], (VOCAB, HIDDEN), dtype=jnp.float32)
    W = jax.random.normal(ks[7], (HIDDEN, OUT), dtype=jnp.float32) * (1.0 / np.sqrt(HIDDEN))
    b = jax.random.normal(ks[8], (OUT,), dtype=jnp.float32) * 0.01
    return {
        "sentences_seq": sentences_seq,
        "sentence_lengths": sentence_lengths,
        "entity1_index": entity1_index,
        "entity2_index": entity2_index,
        "position_to_entity1_batch": position_to_entity1_batch,
        "position_to_entity2_batch": position_to_entity2_batch,
        "emb_table": emb_table,
        "W": W,
        "b": b,
    }


def reference(sentences_seq, sentence_lengths, entity1_index, entity2_index,
              position_to_entity1_batch, position_to_entity2_batch,
              emb_table, W, b):
    # embedded_entity1 = self.embedding(entity1_index)  -> [B, 1, H]
    embedded_entity1 = jnp.take(emb_table, entity1_index, axis=0)
    embedded_entity2 = jnp.take(emb_table, entity2_index, axis=0)
    embedded_relation = embedded_entity1 - embedded_entity2
    # squeeze(1): [B, 1, H] -> [B, H]; dropout p=0 is identity in eval
    rel = jnp.squeeze(embedded_relation, axis=1)
    out = rel @ W + b
    return out

if __name__ == "__main__":
    import jax
    _d = setup_inputs()
    print(jax.jit(kernel)(*tuple(_d.values())))

</pallas_src>

<mosaic_0001>
#map = affine_map<(d0, d1) -> (0, 0)>
#map1 = affine_map<(d0, d1) -> (0)>
module attributes {stable_mosaic.version = 14 : i64} {
  func.func @gather(%arg0: i32, %arg1: i32, %arg2: memref<64x1000000xf32, #tpu.memory_space<hbm>>, %arg3: memref<32768xi32, #tpu.memory_space<hbm>>, %arg4: memref<2097152xf32, #tpu.memory_space<hbm>>, %arg5: memref<32768xi32, #tpu.memory_space<vmem>>, %arg6: memref<4x64x128xf32, #tpu.memory_space<vmem>>, %arg7: memref<1792xi32, #tpu.memory_space<vmem>>, %arg8: memref<3072xi32, #tpu.memory_space<vmem>>, %arg9: memref<512xf32, #tpu.memory_space<vmem>>, %arg10: memref<32xi32, #tpu.memory_space<vmem>>, %arg11: memref<!tpu.dma_semaphore, #tpu.memory_space<semaphore_mem>>, %arg12: memref<!tpu.dma_semaphore, #tpu.memory_space<semaphore_mem>>) attributes {dimension_semantics = [#tpu.dimension_semantics<core_parallel>, #tpu.dimension_semantics<subcore_parallel>], iteration_bounds = array<i64: 2, 16>, scalar_prefetch = 0 : i64, scratch_operands = 8 : i64, tpu.core_type = #tpu.core_type<sc_vector_subcore>, window_params = [{transform_indices = #map}, {transform_indices = #map1}, {transform_indices = #map1}]} {
    %mul3A = arith.constant 2 : i32
    %mul3A_0 = arith.muli %arg1, %mul3A : i32
    %add3A = arith.addi %mul3A_0, %arg0 : i32
    %mul3A_1 = arith.constant 245 : i32
    %mul3A_2 = arith.muli %add3A, %mul3A_1 : i32
    %sub3A = arith.constant 7813 : i32
    %sub3A_3 = arith.subi %sub3A, %mul3A_2 : i32
    %min3A = arith.constant 245 : i32
    %min3A_4 = arith.minsi %sub3A_3, %min3A : i32
    %iota3A = tpu.iota {dimensions = array<i32: 0>} : vector<16xi32>
    "tpu.region"() ({
      %run_scoped3A = tpu.sem_alloc : memref<!tpu.dma_semaphore, #tpu.memory_space<semaphore_mem>>
      tpu.enqueue_dma source(%arg3 : memref<32768xi32, #tpu.memory_space<hbm>>) target(%arg5 : memref<32768xi32, #tpu.memory_space<vmem>>) target_semaphore(%run_scoped3A : memref<!tpu.dma_semaphore, #tpu.memory_space<semaphore_mem>>)
      tpu.wait_dma2 semaphore(%run_scoped3A : memref<!tpu.dma_semaphore, #tpu.memory_space<semaphore_mem>>) src(%arg3 : memref<32768xi32, #tpu.memory_space<hbm>>) dst(%arg5 : memref<32768xi32, #tpu.memory_space<vmem>>)
      tpu.yield
    }) : () -> ()
    %scan3A = arith.constant 0 : i32
    %scan3A_5 = arith.constant 0 : i32
    %scan3A_6 = arith.constant 2048 : i32
    %scan3A_7 = arith.addi %scan3A_5, %scan3A_6 : i32
    %scan3A_8 = arith.constant 1 : i32
    %scan3A_9 = scf.for %scan3A_127 = %scan3A_5 to %scan3A_7 step %scan3A_8 iter_args(%scan3A_128 = %scan3A) -> (i32)  : i32 {
      %mul3A_129 = arith.constant 16 : i32
      %mul3A_130 = arith.muli %scan3A_127, %mul3A_129 : i32
      %get3A = arith.index_cast %mul3A_130 : i32 to index
      %get3A_131 = tpu.vector_load %arg5[%get3A] {strides = array<i32>} : memref<32768xi32, #tpu.memory_space<vmem>>, vector<16xi32>,
      %shift_right_logical3A_132 = arith.constant 7 : i32
      %shift_right_logical3A_133 = vector.broadcast %shift_right_logical3A_132 : i32 to vector<16xi32>
      %shift_right_logical3A_134 = arith.shrui %get3A_131, %shift_right_logical3A_133 : vector<16xi32>
      %sub3A_135 = vector.broadcast %mul3A_2 : i32 to vector<16xi32>
      %sub3A_136 = arith.subi %shift_right_logical3A_134, %sub3A_135 : vector<16xi32>
      %ge3A = arith.constant 0 : i32
      %ge3A_137 = vector.broadcast %ge3A : i32 to vector<16xi32>
      %ge3A_138 = arith.cmpi sge, %sub3A_136, %ge3A_137 : vector<16xi32>
      %lt3A = vector.broadcast %min3A_4 : i32 to vector<16xi32>
      %lt3A_139 = arith.cmpi slt, %sub3A_136, %lt3A : vector<16xi32>
      %and3A = arith.andi %ge3A_138, %lt3A_139 : vector<16xi1>
      %mul3A_140 = arith.constant 16 : i32
      %mul3A_141 = arith.muli %scan3A_127, %mul3A_140 : i32
      %add3A_142 = vector.broadcast %mul3A_141 : i32 to vector<16xi32>
      %add3A_143 = arith.addi %add3A_142, %iota3A : vector<16xi32>
      %shift_left3A = arith.constant 22 : i32
      %shift_left3A_144 = vector.broadcast %shift_left3A : i32 to vector<16xi32>
      %shift_left3A_145 = arith.shli %sub3A_136, %shift_left3A_144 : vector<16xi32>
      %shift_left3A_146 = arith.constant 7 : i32
      %shift_left3A_147 = vector.broadcast %shift_left3A_146 : i32 to vector<16xi32>
      %shift_left3A_148 = arith.shli %add3A_143, %shift_left3A_147 : vector<16xi32>
      %or3A = arith.ori %shift_left3A_145, %shift_left3A_148 : vector<16xi32>
      %and3A_149 = arith.constant 127 : i32
      %and3A_150 = vector.broadcast %and3A_149 : i32 to vector<16xi32>
      %and3A_151 = arith.andi %get3A_131, %and3A_150 : vector<16xi32>
      %or3A_152 = arith.ori %or3A, %and3A_151 : vector<16xi32>
      %convert_element_type3A = arith.extui %and3A : vector<16xi1> to vector<16xi32>
      %cumsum3A = arith.constant true
      %cumsum3A_153 = vector.broadcast %cumsum3A : i1 to vector<16xi1>
      %cumsum3A_154 = tpu.scan <sum>, %convert_element_type3A masked %cumsum3A_153 : vector<16xi32>, vector<16xi1> -> vector<16xi32>
      %add3A_155 = vector.broadcast %scan3A_128 : i32 to vector<16xi32>
      %add3A_156 = arith.addi %add3A_155, %cumsum3A_154 : vector<16xi32>
      %sub3A_157 = arith.constant 1 : i32
      %sub3A_158 = vector.broadcast %sub3A_157 : i32 to vector<16xi32>
      %sub3A_159 = arith.subi %add3A_156, %sub3A_158 : vector<16xi32>
      tpu.vector_store_idx %arg7[%sub3A_159], %or3A_152 masked %and3A : memref<1792xi32, #tpu.memory_space<vmem>>[vector<16xi32>], vector<16xi32>, vector<16xi1>
      %slice3A = vector.extract_strided_slice %cumsum3A_154 {offsets = [15], sizes = [1], strides = [1]} : vector<16xi32> to vector<1xi32>
      %squeeze3A = vector.extract %slice3A[0] : i32 from vector<1xi32>
      %add3A_160 = arith.addi %scan3A_128, %squeeze3A : i32
      scf.yield %add3A_160 : i32
    }
    %scan3A_10 = arith.constant 2048 : i32
    %scan3A_11 = arith.constant 0 : i32
    %scan3A_12 = arith.constant 0 : i32
    %scan3A_13 = arith.constant 192 : i32
    %scan3A_14 = arith.addi %scan3A_12, %scan3A_13 : i32
    %scan3A_15 = arith.constant 1 : i32
    scf.for %scan3A_127 = %scan3A_12 to %scan3A_14 step %scan3A_15  : i32 {
      %broadcast_in_dim3A = arith.constant 2147483647 : i32
      %broadcast_in_dim3A_128 = vector.broadcast %broadcast_in_dim3A : i32 to vector<16xi32>
      %mul3A_129 = arith.constant 16 : i32
      %mul3A_130 = arith.muli %scan3A_127, %mul3A_129 : i32
      %swap3A = arith.index_cast %mul3A_130 : i32 to index
      %swap3A_131 = tpu.vector_load %arg8[%swap3A] {strides = array<i32>} : memref<3072xi32, #tpu.memory_space<vmem>>, vector<16xi32>,
      tpu.vector_store %arg8[%swap3A], %broadcast_in_dim3A_128 {strides = array<i32>} : memref<3072xi32, #tpu.memory_space<vmem>>, vector<16xi32>,
    }
    %scan3A_16 = arith.constant 192 : i32
    %add3A_17 = arith.constant 16 : i32
    %add3A_18 = arith.addi %scan3A_9, %add3A_17 : i32
    %sub3A_19 = arith.constant 1 : i32
    %sub3A_20 = arith.subi %add3A_18, %sub3A_19 : i32
    %shift_right_logical3A = arith.constant 4 : i32
    %shift_right_logical3A_21 = arith.shrui %sub3A_20, %shift_right_logical3A : i32
    %while3A = arith.constant 0 : i32
    %while3A_22 = arith.constant 0 : i32
    %while3A_23 = arith.constant 0 : i32
    %while3A_24 = arith.constant 0 : i32
    %while3A_25 = arith.constant 0 : i32
    %while3A_26 = arith.constant 0 : i32
    %while3A_27 = arith.constant 0 : i32
    %while3A_28 = arith.constant 0 : i32
    %while3A_29 = arith.constant 0 : i32
    %while3A_30 = arith.constant 0 : i32
    %while3A_31 = arith.constant 0 : i32
    %while3A_32 = arith.constant 0 : i32
    %while3A_33 = arith.constant 0 : i32
    %while3A_34 = arith.constant 0 : i32
    %while3A_35 = arith.constant 0 : i32
    %while3A_36 = arith.constant 0 : i32
    %while3A_37 = arith.constant 0 : i32
    %while3A_38 = arith.subi %shift_right_logical3A_21, %while3A : i32
    %while3A_39 = arith.addi %while3A, %while3A_38 : i32
    %while3A_40 = arith.constant 1 : i32
    %while3A_41 = arith.divsi %while3A_38, %while3A_40 : i32
    %while3A_42 = arith.muli %while3A_41, %while3A_40 : i32
    %while3A_43 = arith.addi %while3A, %while3A_42 : i32
    %while3A_44 = arith.constant 1 : i32
    %while3A_45:16 = scf.for %while3A_127 = %while3A to %while3A_43 step %while3A_44 iter_args(%while3A_128 = %while3A_22, %while3A_129 = %while3A_23, %while3A_130 = %while3A_24, %while3A_131 = %while3A_25, %while3A_132 = %while3A_26, %while3A_133 = %while3A_27, %while3A_134 = %while3A_28, %while3A_135 = %while3A_29, %while3A_136 = %while3A_30, %while3A_137 = %while3A_31, %while3A_138 = %while3A_32, %while3A_139 = %while3A_33, %while3A_140 = %while3A_34, %while3A_141 = %while3A_35, %while3A_142 = %while3A_36, %while3A_143 = %while3A_37) -> (i32, i32, i32, i32, i32, i32, i32, i32, i32, i32, i32, i32, i32, i32, i32, i32)  : i32 {
      %mul3A_144 = arith.constant 16 : i32
      %mul3A_145 = arith.muli %while3A_127, %mul3A_144 : i32
      %get3A = arith.index_cast %mul3A_145 : i32 to index
      %get3A_146 = tpu.vector_load %arg7[%get3A] {strides = array<i32>} : memref<1792xi32, #tpu.memory_space<vmem>>, vector<16xi32>,
      %mul3A_147 = arith.constant 16 : i32
      %mul3A_148 = arith.muli %while3A_127, %mul3A_147 : i32
      %add3A_149 = vector.broadcast %mul3A_148 : i32 to vector<16xi32>
      %add3A_150 = arith.addi %add3A_149, %iota3A : vector<16xi32>
      %lt3A = vector.broadcast %scan3A_9 : i32 to vector<16xi32>
      %lt3A_151 = arith.cmpi slt, %add3A_150, %lt3A : vector<16xi32>
      %shift_right_logical3A_152 = arith.constant 26 : i32
      %shift_right_logical3A_153 = vector.broadcast %shift_right_logical3A_152 : i32 to vector<16xi32>
      %shift_right_logical3A_154 = arith.shrui %get3A_146, %shift_right_logical3A_153 : vector<16xi32>
      %eq3A = arith.constant 0 : i32
      %eq3A_155 = vector.broadcast %eq3A : i32 to vector<16xi32>
      %eq3A_156 = arith.cmpi eq, %shift_right_logical3A_154, %eq3A_155 : vector<16xi32>
      %and3A = arith.andi %lt3A_151, %eq3A_156 : vector<16xi1>
      %convert_element_type3A = arith.extui %and3A : vector<16xi1> to vector<16xi32>
      %cumsum3A = arith.constant true
      %cumsum3A_157 = vector.broadcast %cumsum3A : i1 to vector<16xi1>
      %cumsum3A_158 = tpu.scan <sum>, %convert_element_type3A masked %cumsum3A_157 : vector<16xi32>, vector<16xi1> -> vector<16xi32>
      %add3A_159 = arith.constant 0 : i32
      %add3A_160 = arith.addi %add3A_159, %while3A_128 : i32
      %add3A_161 = vector.broadcast %add3A_160 : i32 to vector<16xi32>
      %add3A_162 = arith.addi %add3A_161, %cumsum3A_158 : vector<16xi32>
      %sub3A_163 = arith.constant 1 : i32
      %sub3A_164 = vector.broadcast %sub3A_163 : i32 to vector<16xi32>
      %sub3A_165 = arith.subi %add3A_162, %sub3A_164 : vector<16xi32>
      tpu.vector_store_idx %arg8[%sub3A_165], %get3A_146 masked %and3A : memref<3072xi32, #tpu.memory_space<vmem>>[vector<16xi32>], vector<16xi32>, vector<16xi1>
      %slice3A = vector.extract_strided_slice %cumsum3A_158 {offsets = [15], sizes = [1], strides = [1]} : vector<16xi32> to vector<1xi32>
      %squeeze3A = vector.extract %slice3A[0] : i32 from vector<1xi32>
      %add3A_166 = arith.addi %while3A_128, %squeeze3A : i32
      %eq3A_167 = arith.constant 1 : i32
      %eq3A_168 = vector.broadcast %eq3A_167 : i32 to vector<16xi32>
      %eq3A_169 = arith.cmpi eq, %shift_right_logical3A_154, %eq3A_168 : vector<16xi32>
      %and3A_170 = arith.andi %lt3A_151, %eq3A_169 : vector<16xi1>
      %convert_element_type3A_171 = arith.extui %and3A_170 : vector<16xi1> to vector<16xi32>
      %cumsum3A_172 = arith.constant true
      %cumsum3A_173 = vector.broadcast %cumsum3A_172 : i1 to vector<16xi1>
      %cumsum3A_174 = tpu.scan <sum>, %convert_element_type3A_171 masked %cumsum3A_173 : vector<16xi32>, vector<16xi1> -> vector<16xi32>
      %add3A_175 = arith.constant 192 : i32
      %add3A_176 = arith.addi %add3A_175, %while3A_129 : i32
      %add3A_177 = vector.broadcast %add3A_176 : i32 to vector<16xi32>
      %add3A_178 = arith.addi %add3A_177, %cumsum3A_174 : vector<16xi32>
      %sub3A_179 = arith.constant 1 : i32
      %sub3A_180 = vector.broadcast %sub3A_179 : i32 to vector<16xi32>
      %sub3A_181 = arith.subi %add3A_178, %sub3A_180 : vector<16xi32>
      tpu.vector_store_idx %arg8[%sub3A_181], %get3A_146 masked %and3A_170 : memref<3072xi32, #tpu.memory_space<vmem>>[vector<16xi32>], vector<16xi32>, vector<16xi1>
      %slice3A_182 = vector.extract_strided_slice %cumsum3A_174 {offsets = [15], sizes = [1], strides = [1]} : vector<16xi32> to vector<1xi32>
      %squeeze3A_183 = vector.extract %slice3A_182[0] : i32 from vector<1xi32>
      %add3A_184 = arith.addi %while3A_129, %squeeze3A_183 : i32
      %eq3A_185 = arith.constant 2 : i32
      %eq3A_186 = vector.broadcast %eq3A_185 : i32 to vector<16xi32>
      %eq3A_187 = arith.cmpi eq, %shift_right_logical3A_154, %eq3A_186 : vector<16xi32>
      %and3A_188 = arith.andi %lt3A_151, %eq3A_187 : vector<16xi1>
      %convert_element_type3A_189 = arith.extui %and3A_188 : vector<16xi1> to vector<16xi32>
      %cumsum3A_190 = arith.constant true
      %cumsum3A_191 = vector.broadcast %cumsum3A_190 : i1 to vector<16xi1>
      %cumsum3A_192 = tpu.scan <sum>, %convert_element_type3A_189 masked %cumsum3A_191 : vector<16xi32>, vector<16xi1> -> vector<16xi32>
      %add3A_193 = arith.constant 384 : i32
      %add3A_194 = arith.addi %add3A_193, %while3A_130 : i32
      %add3A_195 = vector.broadcast %add3A_194 : i32 to vector<16xi32>
      %add3A_196 = arith.addi %add3A_195, %cumsum3A_192 : vector<16xi32>
      %sub3A_197 = arith.constant 1 : i32
      %sub3A_198 = vector.broadcast %sub3A_197 : i32 to vector<16xi32>
      %sub3A_199 = arith.subi %add3A_196, %sub3A_198 : vector<16xi32>
      tpu.vector_store_idx %arg8[%sub3A_199], %get3A_146 masked %and3A_188 : memref<3072xi32, #tpu.memory_space<vmem>>[vector<16xi32>], vector<16xi32>, vector<16xi1>
      %slice3A_200 = vector.extract_strided_slice %cumsum3A_192 {offsets = [15], sizes = [1], strides = [1]} : vector<16xi32> to vector<1xi32>
      %squeeze3A_201 = vector.extract %slice3A_200[0] : i32 from vector<1xi32>
      %add3A_202 = arith.addi %while3A_130, %squeeze3A_201 : i32
      %eq3A_203 = arith.constant 3 : i32
      %eq3A_204 = vector.broadcast %eq3A_203 : i32 to vector<16xi32>
      %eq3A_205 = arith.cmpi eq, %shift_right_logical3A_154, %eq3A_204 : vector<16xi32>
      %and3A_206 = arith.andi %lt3A_151, %eq3A_205 : vector<16xi1>
      %convert_element_type3A_207 = arith.extui %and3A_206 : vector<16xi1> to vector<16xi32>
      %cumsum3A_208 = arith.constant true
      %cumsum3A_209 = vector.broadcast %cumsum3A_208 : i1 to vector<16xi1>
      %cumsum3A_210 = tpu.scan <sum>, %convert_element_type3A_207 masked %cumsum3A_209 : vector<16xi32>, vector<16xi1> -> vector<16xi32>
      %add3A_211 = arith.constant 576 : i32
      %add3A_212 = arith.addi %add3A_211, %while3A_131 : i32
      %add3A_213 = vector.broadcast %add3A_212 : i32 to vector<16xi32>
      %add3A_214 = arith.addi %add3A_213, %cumsum3A_210 : vector<16xi32>
      %sub3A_215 = arith.constant 1 : i32
      %sub3A_216 = vector.broadcast %sub3A_215 : i32 to vector<16xi32>
      %sub3A_217 = arith.subi %add3A_214, %sub3A_216 : vector<16xi32>
      tpu.vector_store_idx %arg8[%sub3A_217], %get3A_146 masked %and3A_206 : memref<3072xi32, #tpu.memory_space<vmem>>[vector<16xi32>], vector<16xi32>, vector<16xi1>
      %slice3A_218 = vector.extract_strided_slice %cumsum3A_210 {offsets = [15], sizes = [1], strides = [1]} : vector<16xi32> to vector<1xi32>
      %squeeze3A_219 = vector.extract %slice3A_218[0] : i32 from vector<1xi32>
      %add3A_220 = arith.addi %while3A_131, %squeeze3A_219 : i32
      %eq3A_221 = arith.constant 4 : i32
      %eq3A_222 = vector.broadcast %eq3A_221 : i32 to vector<16xi32>
      %eq3A_223 = arith.cmpi eq, %shift_right_logical3A_154, %eq3A_222 : vector<16xi32>
      %and3A_224 = arith.andi %lt3A_151, %eq3A_223 : vector<16xi1>
      %convert_element_type3A_225 = arith.extui %and3A_224 : vector<16xi1> to vector<16xi32>
      %cumsum3A_226 = arith.constant true
      %cumsum3A_227 = vector.broadcast %cumsum3A_226 : i1 to vector<16xi1>
      %cumsum3A_228 = tpu.scan <sum>, %convert_element_type3A_225 masked %cumsum3A_227 : vector<16xi32>, vector<16xi1> -> vector<16xi32>
      %add3A_229 = arith.constant 768 : i32
      %add3A_230 = arith.addi %add3A_229, %while3A_132 : i32
      %add3A_231 = vector.broadcast %add3A_230 : i32 to vector<16xi32>
      %add3A_232 = arith.addi %add3A_231, %cumsum3A_228 : vector<16xi32>
      %sub3A_233 = arith.constant 1 : i32
      %sub3A_234 = vector.broadcast %sub3A_233 : i32 to vector<16xi32>
      %sub3A_235 = arith.subi %add3A_232, %sub3A_234 : vector<16xi32>
      tpu.vector_store_idx %arg8[%sub3A_235], %get3A_146 masked %and3A_224 : memref<3072xi32, #tpu.memory_space<vmem>>[vector<16xi32>], vector<16xi32>, vector<16xi1>
      %slice3A_236 = vector.extract_strided_slice %cumsum3A_228 {offsets = [15], sizes = [1], strides = [1]} : vector<16xi32> to vector<1xi32>
      %squeeze3A_237 = vector.extract %slice3A_236[0] : i32 from vector<1xi32>
      %add3A_238 = arith.addi %while3A_132, %squeeze3A_237 : i32
      %eq3A_239 = arith.constant 5 : i32
      %eq3A_240 = vector.broadcast %eq3A_239 : i32 to vector<16xi32>
      %eq3A_241 = arith.cmpi eq, %shift_right_logical3A_154, %eq3A_240 : vector<16xi32>
      %and3A_242 = arith.andi %lt3A_151, %eq3A_241 : vector<16xi1>
      %convert_element_type3A_243 = arith.extui %and3A_242 : vector<16xi1> to vector<16xi32>
      %cumsum3A_244 = arith.constant true
      %cumsum3A_245 = vector.broadcast %cumsum3A_244 : i1 to vector<16xi1>
      %cumsum3A_246 = tpu.scan <sum>, %convert_element_type3A_243 masked %cumsum3A_245 : vector<16xi32>, vector<16xi1> -> vector<16xi32>
      %add3A_247 = arith.constant 960 : i32
      %add3A_248 = arith.addi %add3A_247, %while3A_133 : i32
      %add3A_249 = vector.broadcast %add3A_248 : i32 to vector<16xi32>
      %add3A_250 = arith.addi %add3A_249, %cumsum3A_246 : vector<16xi32>
      %sub3A_251 = arith.constant 1 : i32
      %sub3A_252 = vector.broadcast %sub3A_251 : i32 to vector<16xi32>
      %sub3A_253 = arith.subi %add3A_250, %sub3A_252 : vector<16xi32>
      tpu.vector_store_idx %arg8[%sub3A_253], %get3A_146 masked %and3A_242 : memref<3072xi32, #tpu.memory_space<vmem>>[vector<16xi32>], vector<16xi32>, vector<16xi1>
      %slice3A_254 = vector.extract_strided_slice %cumsum3A_246 {offsets = [15], sizes = [1], strides = [1]} : vector<16xi32> to vector<1xi32>
      %squeeze3A_255 = vector.extract %slice3A_254[0] : i32 from vector<1xi32>
      %add3A_256 = arith.addi %while3A_133, %squeeze3A_255 : i32
      %eq3A_257 = arith.constant 6 : i32
      %eq3A_258 = vector.broadcast %eq3A_257 : i32 to vector<16xi32>
      %eq3A_259 = arith.cmpi eq, %shift_right_logical3A_154, %eq3A_258 : vector<16xi32>
      %and3A_260 = arith.andi %lt3A_151, %eq3A_259 : vector<16xi1>
      %convert_element_type3A_261 = arith.extui %and3A_260 : vector<16xi1> to vector<16xi32>
      %cumsum3A_262 = arith.constant true
      %cumsum3A_263 = vector.broadcast %cumsum3A_262 : i1 to vector<16xi1>
      %cumsum3A_264 = tpu.scan <sum>, %convert_element_type3A_261 masked %cumsum3A_263 : vector<16xi32>, vector<16xi1> -> vector<16xi32>
      %add3A_265 = arith.constant 1152 : i32
      %add3A_266 = arith.addi %add3A_265, %while3A_134 : i32
      %add3A_267 = vector.broadcast %add3A_266 : i32 to vector<16xi32>
      %add3A_268 = arith.addi %add3A_267, %cumsum3A_264 : vector<16xi32>
      %sub3A_269 = arith.constant 1 : i32
      %sub3A_270 = vector.broadcast %sub3A_269 : i32 to vector<16xi32>
      %sub3A_271 = arith.subi %add3A_268, %sub3A_270 : vector<16xi32>
      tpu.vector_store_idx %arg8[%sub3A_271], %get3A_146 masked %and3A_260 : memref<3072xi32, #tpu.memory_space<vmem>>[vector<16xi32>], vector<16xi32>, vector<16xi1>
      %slice3A_272 = vector.extract_strided_slice %cumsum3A_264 {offsets = [15], sizes = [1], strides = [1]} : vector<16xi32> to vector<1xi32>
      %squeeze3A_273 = vector.extract %slice3A_272[0] : i32 from vector<1xi32>
      %add3A_274 = arith.addi %while3A_134, %squeeze3A_273 : i32
      %eq3A_275 = arith.constant 7 : i32
      %eq3A_276 = vector.broadcast %eq3A_275 : i32 to vector<16xi32>
      %eq3A_277 = arith.cmpi eq, %shift_right_logical3A_154, %eq3A_276 : vector<16xi32>
      %and3A_278 = arith.andi %lt3A_151, %eq3A_277 : vector<16xi1>
      %convert_element_type3A_279 = arith.extui %and3A_278 : vector<16xi1> to vector<16xi32>
      %cumsum3A_280 = arith.constant true
      %cumsum3A_281 = vector.broadcast %cumsum3A_280 : i1 to vector<16xi1>
      %cumsum3A_282 = tpu.scan <sum>, %convert_element_type3A_279 masked %cumsum3A_281 : vector<16xi32>, vector<16xi1> -> vector<16xi32>
      %add3A_283 = arith.constant 1344 : i32
      %add3A_284 = arith.addi %add3A_283, %while3A_135 : i32
      %add3A_285 = vector.broadcast %add3A_284 : i32 to vector<16xi32>
      %add3A_286 = arith.addi %add3A_285, %cumsum3A_282 : vector<16xi32>
      %sub3A_287 = arith.constant 1 : i32
      %sub3A_288 = vector.broadcast %sub3A_287 : i32 to vector<16xi32>
      %sub3A_289 = arith.subi %add3A_286, %sub3A_288 : vector<16xi32>
      tpu.vector_store_idx %arg8[%sub3A_289], %get3A_146 masked %and3A_278 : memref<3072xi32, #tpu.memory_space<vmem>>[vector<16xi32>], vector<16xi32>, vector<16xi1>
      %slice3A_290 = vector.extract_strided_slice %cumsum3A_282 {offsets = [15], sizes = [1], strides = [1]} : vector<16xi32> to vector<1xi32>
      %squeeze3A_291 = vector.extract %slice3A_290[0] : i32 from vector<1xi32>
      %add3A_292 = arith.addi %while3A_135, %squeeze3A_291 : i32
      %eq3A_293 = arith.constant 8 : i32
      %eq3A_294 = vector.broadcast %eq3A_293 : i32 to vector<16xi32>
      %eq3A_295 = arith.cmpi eq, %shift_right_logical3A_154, %eq3A_294 : vector<16xi32>
      %and3A_296 = arith.andi %lt3A_151, %eq3A_295 : vector<16xi1>
      %convert_element_type3A_297 = arith.extui %and3A_296 : vector<16xi1> to vector<16xi32>
      %cumsum3A_298 = arith.constant true
      %cumsum3A_299 = vector.broadcast %cumsum3A_298 : i1 to vector<16xi1>
      %cumsum3A_300 = tpu.scan <sum>, %convert_element_type3A_297 masked %cumsum3A_299 : vector<16xi32>, vector<16xi1> -> vector<16xi32>
      %add3A_301 = arith.constant 1536 : i32
      %add3A_302 = arith.addi %add3A_301, %while3A_136 : i32
      %add3A_303 = vector.broadcast %add3A_302 : i32 to vector<16xi32>
      %add3A_304 = arith.addi %add3A_303, %cumsum3A_300 : vector<16xi32>
      %sub3A_305 = arith.constant 1 : i32
      %sub3A_306 = vector.broadcast %sub3A_305 : i32 to vector<16xi32>
      %sub3A_307 = arith.subi %add3A_304, %sub3A_306 : vector<16xi32>
      tpu.vector_store_idx %arg8[%sub3A_307], %get3A_146 masked %and3A_296 : memref<3072xi32, #tpu.memory_space<vmem>>[vector<16xi32>], vector<16xi32>, vector<16xi1>
      %slice3A_308 = vector.extract_strided_slice %cumsum3A_300 {offsets = [15], sizes = [1], strides = [1]} : vector<16xi32> to vector<1xi32>
      %squeeze3A_309 = vector.extract %slice3A_308[0] : i32 from vector<1xi32>
      %add3A_310 = arith.addi %while3A_136, %squeeze3A_309 : i32
      %eq3A_311 = arith.constant 9 : i32
      %eq3A_312 = vector.broadcast %eq3A_311 : i32 to vector<16xi32>
      %eq3A_313 = arith.cmpi eq, %shift_right_logical3A_154, %eq3A_312 : vector<16xi32>
      %and3A_314 = arith.andi %lt3A_151, %eq3A_313 : vector<16xi1>
      %convert_element_type3A_315 = arith.extui %and3A_314 : vector<16xi1> to vector<16xi32>
      %cumsum3A_316 = arith.constant true
      %cumsum3A_317 = vector.broadcast %cumsum3A_316 : i1 to vector<16xi1>
      %cumsum3A_318 = tpu.scan <sum>, %convert_element_type3A_315 masked %cumsum3A_317 : vector<16xi32>, vector<16xi1> -> vector<16xi32>
      %add3A_319 = arith.constant 1728 : i32
      %add3A_320 = arith.addi %add3A_319, %while3A_137 : i32
      %add3A_321 = vector.broadcast %add3A_320 : i32 to vector<16xi32>
      %add3A_322 = arith.addi %add3A_321, %cumsum3A_318 : vector<16xi32>
      %sub3A_323 = arith.constant 1 : i32
      %sub3A_324 = vector.broadcast %sub3A_323 : i32 to vector<16xi32>
      %sub3A_325 = arith.subi %add3A_322, %sub3A_324 : vector<16xi32>
      tpu.vector_store_idx %arg8[%sub3A_325], %get3A_146 masked %and3A_314 : memref<3072xi32, #tpu.memory_space<vmem>>[vector<16xi32>], vector<16xi32>, vector<16xi1>
      %slice3A_326 = vector.extract_strided_slice %cumsum3A_318 {offsets = [15], sizes = [1], strides = [1]} : vector<16xi32> to vector<1xi32>
      %squeeze3A_327 = vector.extract %slice3A_326[0] : i32 from vector<1xi32>
      %add3A_328 = arith.addi %while3A_137, %squeeze3A_327 : i32
      %eq3A_329 = arith.constant 10 : i32
      %eq3A_330 = vector.broadcast %eq3A_329 : i32 to vector<16xi32>
      %eq3A_331 = arith.cmpi eq, %shift_right_logical3A_154, %eq3A_330 : vector<16xi32>
      %and3A_332 = arith.andi %lt3A_151, %eq3A_331 : vector<16xi1>
      %convert_element_type3A_333 = arith.extui %and3A_332 : vector<16xi1> to vector<16xi32>
      %cumsum3A_334 = arith.constant true
      %cumsum3A_335 = vector.broadcast %cumsum3A_334 : i1 to vector<16xi1>
      %cumsum3A_336 = tpu.scan <sum>, %convert_element_type3A_333 masked %cumsum3A_335 : vector<16xi32>, vector<16xi1> -> vector<16xi32>
      %add3A_337 = arith.constant 1920 : i32
      %add3A_338 = arith.addi %add3A_337, %while3A_138 : i32
      %add3A_339 = vector.broadcast %add3A_338 : i32 to vector<16xi32>
      %add3A_340 = arith.addi %add3A_339, %cumsum3A_336 : vector<16xi32>
      %sub3A_341 = arith.constant 1 : i32
      %sub3A_342 = vector.broadcast %sub3A_341 : i32 to vector<16xi32>
      %sub3A_343 = arith.subi %add3A_340, %sub3A_342 : vector<16xi32>
      tpu.vector_store_idx %arg8[%sub3A_343], %get3A_146 masked %and3A_332 : memref<3072xi32, #tpu.memory_space<vmem>>[vector<16xi32>], vector<16xi32>, vector<16xi1>
      %slice3A_344 = vector.extract_strided_slice %cumsum3A_336 {offsets = [15], sizes = [1], strides = [1]} : vector<16xi32> to vector<1xi32>
      %squeeze3A_345 = vector.extract %slice3A_344[0] : i32 from vector<1xi32>
      %add3A_346 = arith.addi %while3A_138, %squeeze3A_345 : i32
      %eq3A_347 = arith.constant 11 : i32
      %eq3A_348 = vector.broadcast %eq3A_347 : i32 to vector<16xi32>
      %eq3A_349 = arith.cmpi eq, %shift_right_logical3A_154, %eq3A_348 : vector<16xi32>
      %and3A_350 = arith.andi %lt3A_151, %eq3A_349 : vector<16xi1>
      %convert_element_type3A_351 = arith.extui %and3A_350 : vector<16xi1> to vector<16xi32>
      %cumsum3A_352 = arith.constant true
      %cumsum3A_353 = vector.broadcast %cumsum3A_352 : i1 to vector<16xi1>
      %cumsum3A_354 = tpu.scan <sum>, %convert_element_type3A_351 masked %cumsum3A_353 : vector<16xi32>, vector<16xi1> -> vector<16xi32>
      %add3A_355 = arith.constant 2112 : i32
      %add3A_356 = arith.addi %add3A_355, %while3A_139 : i32
      %add3A_357 = vector.broadcast %add3A_356 : i32 to vector<16xi32>
      %add3A_358 = arith.addi %add3A_357, %cumsum3A_354 : vector<16xi32>
      %sub3A_359 = arith.constant 1 : i32
      %sub3A_360 = vector.broadcast %sub3A_359 : i32 to vector<16xi32>
      %sub3A_361 = arith.subi %add3A_358, %sub3A_360 : vector<16xi32>
      tpu.vector_store_idx %arg8[%sub3A_361], %get3A_146 masked %and3A_350 : memref<3072xi32, #tpu.memory_space<vmem>>[vector<16xi32>], vector<16xi32>, vector<16xi1>
      %slice3A_362 = vector.extract_strided_slice %cumsum3A_354 {offsets = [15], sizes = [1], strides = [1]} : vector<16xi32> to vector<1xi32>
      %squeeze3A_363 = vector.extract %slice3A_362[0] : i32 from vector<1xi32>
      %add3A_364 = arith.addi %while3A_139, %squeeze3A_363 : i32
      %eq3A_365 = arith.constant 12 : i32
      %eq3A_366 = vector.broadcast %eq3A_365 : i32 to vector<16xi32>
      %eq3A_367 = arith.cmpi eq, %shift_right_logical3A_154, %eq3A_366 : vector<16xi32>
      %and3A_368 = arith.andi %lt3A_151, %eq3A_367 : vector<16xi1>
      %convert_element_type3A_369 = arith.extui %and3A_368 : vector<16xi1> to vector<16xi32>
      %cumsum3A_370 = arith.constant true
      %cumsum3A_371 = vector.broadcast %cumsum3A_370 : i1 to vector<16xi1>
      %cumsum3A_372 = tpu.scan <sum>, %convert_element_type3A_369 masked %cumsum3A_371 : vector<16xi32>, vector<16xi1> -> vector<16xi32>
      %add3A_373 = arith.constant 2304 : i32
      %add3A_374 = arith.addi %add3A_373, %while3A_140 : i32
      %add3A_375 = vector.broadcast %add3A_374 : i32 to vector<16xi32>
      %add3A_376 = arith.addi %add3A_375, %cumsum3A_372 : vector<16xi32>
      %sub3A_377 = arith.constant 1 : i32
      %sub3A_378 = vector.broadcast %sub3A_377 : i32 to vector<16xi32>
      %sub3A_379 = arith.subi %add3A_376, %sub3A_378 : vector<16xi32>
      tpu.vector_store_idx %arg8[%sub3A_379], %get3A_146 masked %and3A_368 : memref<3072xi32, #tpu.memory_space<vmem>>[vector<16xi32>], vector<16xi32>, vector<16xi1>
      %slice3A_380 = vector.extract_strided_slice %cumsum3A_372 {offsets = [15], sizes = [1], strides = [1]} : vector<16xi32> to vector<1xi32>
      %squeeze3A_381 = vector.extract %slice3A_380[0] : i32 from vector<1xi32>
      %add3A_382 = arith.addi %while3A_140, %squeeze3A_381 : i32
      %eq3A_383 = arith.constant 13 : i32
      %eq3A_384 = vector.broadcast %eq3A_383 : i32 to vector<16xi32>
      %eq3A_385 = arith.cmpi eq, %shift_right_logical3A_154, %eq3A_384 : vector<16xi32>
      %and3A_386 = arith.andi %lt3A_151, %eq3A_385 : vector<16xi1>
      %convert_element_type3A_387 = arith.extui %and3A_386 : vector<16xi1> to vector<16xi32>
      %cumsum3A_388 = arith.constant true
      %cumsum3A_389 = vector.broadcast %cumsum3A_388 : i1 to vector<16xi1>
      %cumsum3A_390 = tpu.scan <sum>, %convert_element_type3A_387 masked %cumsum3A_389 : vector<16xi32>, vector<16xi1> -> vector<16xi32>
      %add3A_391 = arith.constant 2496 : i32
      %add3A_392 = arith.addi %add3A_391, %while3A_141 : i32
      %add3A_393 = vector.broadcast %add3A_392 : i32 to vector<16xi32>
      %add3A_394 = arith.addi %add3A_393, %cumsum3A_390 : vector<16xi32>
      %sub3A_395 = arith.constant 1 : i32
      %sub3A_396 = vector.broadcast %sub3A_395 : i32 to vector<16xi32>
      %sub3A_397 = arith.subi %add3A_394, %sub3A_396 : vector<16xi32>
      tpu.vector_store_idx %arg8[%sub3A_397], %get3A_146 masked %and3A_386 : memref<3072xi32, #tpu.memory_space<vmem>>[vector<16xi32>], vector<16xi32>, vector<16xi1>
      %slice3A_398 = vector.extract_strided_slice %cumsum3A_390 {offsets = [15], sizes = [1], strides = [1]} : vector<16xi32> to vector<1xi32>
      %squeeze3A_399 = vector.extract %slice3A_398[0] : i32 from vector<1xi32>
      %add3A_400 = arith.addi %while3A_141, %squeeze3A_399 : i32
      %eq3A_401 = arith.constant 14 : i32
      %eq3A_402 = vector.broadcast %eq3A_401 : i32 to vector<16xi32>
      %eq3A_403 = arith.cmpi eq, %shift_right_logical3A_154, %eq3A_402 : vector<16xi32>
      %and3A_404 = arith.andi %lt3A_151, %eq3A_403 : vector<16xi1>
      %convert_element_type3A_405 = arith.extui %and3A_404 : vector<16xi1> to vector<16xi32>
      %cumsum3A_406 = arith.constant true
      %cumsum3A_407 = vector.broadcast %cumsum3A_406 : i1 to vector<16xi1>
      %cumsum3A_408 = tpu.scan <sum>, %convert_element_type3A_405 masked %cumsum3A_407 : vector<16xi32>, vector<16xi1> -> vector<16xi32>
      %add3A_409 = arith.constant 2688 : i32
      %add3A_410 = arith.addi %add3A_409, %while3A_142 : i32
      %add3A_411 = vector.broadcast %add3A_410 : i32 to vector<16xi32>
      %add3A_412 = arith.addi %add3A_411, %cumsum3A_408 : vector<16xi32>
      %sub3A_413 = arith.constant 1 : i32
      %sub3A_414 = vector.broadcast %sub3A_413 : i32 to vector<16xi32>
      %sub3A_415 = arith.subi %add3A_412, %sub3A_414 : vector<16xi32>
      tpu.vector_store_idx %arg8[%sub3A_415], %get3A_146 masked %and3A_404 : memref<3072xi32, #tpu.memory_space<vmem>>[vector<16xi32>], vector<16xi32>, vector<16xi1>
      %slice3A_416 = vector.extract_strided_slice %cumsum3A_408 {offsets = [15], sizes = [1], strides = [1]} : vector<16xi32> to vector<1xi32>
      %squeeze3A_417 = vector.extract %slice3A_416[0] : i32 from vector<1xi32>
      %add3A_418 = arith.addi %while3A_142, %squeeze3A_417 : i32
      %eq3A_419 = arith.constant 15 : i32
      %eq3A_420 = vector.broadcast %eq3A_419 : i32 to vector<16xi32>
      %eq3A_421 = arith.cmpi eq, %shift_right_logical3A_154, %eq3A_420 : vector<16xi32>
      %and3A_422 = arith.andi %lt3A_151, %eq3A_421 : vector<16xi1>
      %convert_element_type3A_423 = arith.extui %and3A_422 : vector<16xi1> to vector<16xi32>
      %cumsum3A_424 = arith.constant true
      %cumsum3A_425 = vector.broadcast %cumsum3A_424 : i1 to vector<16xi1>
      %cumsum3A_426 = tpu.scan <sum>, %convert_element_type3A_423 masked %cumsum3A_425 : vector<16xi32>, vector<16xi1> -> vector<16xi32>
      %add3A_427 = arith.constant 2880 : i32
      %add3A_428 = arith.addi %add3A_427, %while3A_143 : i32
      %add3A_429 = vector.broadcast %add3A_428 : i32 to vector<16xi32>
      %add3A_430 = arith.addi %add3A_429, %cumsum3A_426 : vector<16xi32>
      %sub3A_431 = arith.constant 1 : i32
      %sub3A_432 = vector.broadcast %sub3A_431 : i32 to vector<16xi32>
      %sub3A_433 = arith.subi %add3A_430, %sub3A_432 : vector<16xi32>
      tpu.vector_store_idx %arg8[%sub3A_433], %get3A_146 masked %and3A_422 : memref<3072xi32, #tpu.memory_space<vmem>>[vector<16xi32>], vector<16xi32>, vector<16xi1>
      %slice3A_434 = vector.extract_strided_slice %cumsum3A_426 {offsets = [15], sizes = [1], strides = [1]} : vector<16xi32> to vector<1xi32>
      %squeeze3A_435 = vector.extract %slice3A_434[0] : i32 from vector<1xi32>
      %add3A_436 = arith.addi %while3A_143, %squeeze3A_435 : i32
      scf.yield %add3A_166, %add3A_184, %add3A_202, %add3A_220, %add3A_238, %add3A_256, %add3A_274, %add3A_292, %add3A_310, %add3A_328, %add3A_346, %add3A_364, %add3A_382, %add3A_400, %add3A_418, %add3A_436 : i32, i32, i32, i32, i32, i32, i32, i32, i32, i32, i32, i32, i32, i32, i32, i32
    }
    %while3A_46 = arith.constant 1 : i32
    %while3A_47:16 = scf.for %while3A_127 = %while3A_43 to %while3A_39 step %while3A_46 iter_args(%while3A_128 = %while3A_45#0, %while3A_129 = %while3A_45#1, %while3A_130 = %while3A_45#2, %while3A_131 = %while3A_45#3, %while3A_132 = %while3A_45#4, %while3A_133 = %while3A_45#5, %while3A_134 = %while3A_45#6, %while3A_135 = %while3A_45#7, %while3A_136 = %while3A_45#8, %while3A_137 = %while3A_45#9, %while3A_138 = %while3A_45#10, %while3A_139 = %while3A_45#11, %while3A_140 = %while3A_45#12, %while3A_141 = %while3A_45#13, %while3A_142 = %while3A_45#14, %while3A_143 = %while3A_45#15) -> (i32, i32, i32, i32, i32, i32, i32, i32, i32, i32, i32, i32, i32, i32, i32, i32)  : i32 {
      %mul3A_144 = arith.constant 16 : i32
      %mul3A_145 = arith.muli %while3A_127, %mul3A_144 : i32
      %get3A = arith.index_cast %mul3A_145 : i32 to index
      %get3A_146 = tpu.vector_load %arg7[%get3A] {strides = array<i32>} : memref<1792xi32, #tpu.memory_space<vmem>>, vector<16xi32>,
      %mul3A_147 = arith.constant 16 : i32
      %mul3A_148 = arith.muli %while3A_127, %mul3A_147 : i32
      %add3A_149 = vector.broadcast %mul3A_148 : i32 to vector<16xi32>
      %add3A_150 = arith.addi %add3A_149, %iota3A : vector<16xi32>
      %lt3A = vector.broadcast %scan3A_9 : i32 to vector<16xi32>
      %lt3A_151 = arith.cmpi slt, %add3A_150, %lt3A : vector<16xi32>
      %shift_right_logical3A_152 = arith.constant 26 : i32
      %shift_right_logical3A_153 = vector.broadcast %shift_right_logical3A_152 : i32 to vector<16xi32>
      %shift_right_logical3A_154 = arith.shrui %get3A_146, %shift_right_logical3A_153 : vector<16xi32>
      %eq3A = arith.constant 0 : i32
      %eq3A_155 = vector.broadcast %eq3A : i32 to vector<16xi32>
      %eq3A_156 = arith.cmpi eq, %shift_right_logical3A_154, %eq3A_155 : vector<16xi32>
      %and3A = arith.andi %lt3A_151, %eq3A_156 : vector<16xi1>
      %convert_element_type3A = arith.extui %and3A : vector<16xi1> to vector<16xi32>
      %cumsum3A = arith.constant true
      %cumsum3A_157 = vector.broadcast %cumsum3A : i1 to vector<16xi1>
      %cumsum3A_158 = tpu.scan <sum>, %convert_element_type3A masked %cumsum3A_157 : vector<16xi32>, vector<16xi1> -> vector<16xi32>
      %add3A_159 = arith.constant 0 : i32
      %add3A_160 = arith.addi %add3A_159, %while3A_128 : i32
      %add3A_161 = vector.broadcast %add3A_160 : i32 to vector<16xi32>
      %add3A_162 = arith.addi %add3A_161, %cumsum3A_158 : vector<16xi32>
      %sub3A_163 = arith.constant 1 : i32
      %sub3A_164 = vector.broadcast %sub3A_163 : i32 to vector<16xi32>
      %sub3A_165 = arith.subi %add3A_162, %sub3A_164 : vector<16xi32>
      tpu.vector_store_idx %arg8[%sub3A_165], %get3A_146 masked %and3A : memref<3072xi32, #tpu.memory_space<vmem>>[vector<16xi32>], vector<16xi32>, vector<16xi1>
      %slice3A = vector.extract_strided_slice %cumsum3A_158 {offsets = [15], sizes = [1], strides = [1]} : vector<16xi32> to vector<1xi32>
      %squeeze3A = vector.extract %slice3A[0] : i32 from vector<1xi32>
      %add3A_166 = arith.addi %while3A_128, %squeeze3A : i32
      %eq3A_167 = arith.constant 1 : i32
      %eq3A_168 = vector.broadcast %eq3A_167 : i32 to vector<16xi32>
      %eq3A_169 = arith.cmpi eq, %shift_right_logical3A_154, %eq3A_168 : vector<16xi32>
      %and3A_170 = arith.andi %lt3A_151, %eq3A_169 : vector<16xi1>
      %convert_element_type3A_171 = arith.extui %and3A_170 : vector<16xi1> to vector<16xi32>
      %cumsum3A_172 = arith.constant true
      %cumsum3A_173 = vector.broadcast %cumsum3A_172 : i1 to vector<16xi1>
      %cumsum3A_174 = tpu.scan <sum>, %convert_element_type3A_171 masked %cumsum3A_173 : vector<16xi32>, vector<16xi1> -> vector<16xi32>
      %add3A_175 = arith.constant 192 : i32
      %add3A_176 = arith.addi %add3A_175, %while3A_129 : i32
      %add3A_177 = vector.broadcast %add3A_176 : i32 to vector<16xi32>
      %add3A_178 = arith.addi %add3A_177, %cumsum3A_174 : vector<16xi32>
      %sub3A_179 = arith.constant 1 : i32
      %sub3A_180 = vector.broadcast %sub3A_179 : i32 to vector<16xi32>
      %sub3A_181 = arith.subi %add3A_178, %sub3A_180 : vector<16xi32>
      tpu.vector_store_idx %arg8[%sub3A_181], %get3A_146 masked %and3A_170 : memref<3072xi32, #tpu.memory_space<vmem>>[vector<16xi32>], vector<16xi32>, vector<16xi1>
      %slice3A_182 = vector.extract_strided_slice %cumsum3A_174 {offsets = [15], sizes = [1], strides = [1]} : vector<16xi32> to vector<1xi32>
      %squeeze3A_183 = vector.extract %slice3A_182[0] : i32 from vector<1xi32>
      %add3A_184 = arith.addi %while3A_129, %squeeze3A_183 : i32
      %eq3A_185 = arith.constant 2 : i32
      %eq3A_186 = vector.broadcast %eq3A_185 : i32 to vector<16xi32>
      %eq3A_187 = arith.cmpi eq, %shift_right_logical3A_154, %eq3A_186 : vector<16xi32>
      %and3A_188 = arith.andi %lt3A_151, %eq3A_187 : vector<16xi1>
      %convert_element_type3A_189 = arith.extui %and3A_188 : vector<16xi1> to vector<16xi32>
      %cumsum3A_190 = arith.constant true
      %cumsum3A_191 = vector.broadcast %cumsum3A_190 : i1 to vector<16xi1>
      %cumsum3A_192 = tpu.scan <sum>, %convert_element_type3A_189 masked %cumsum3A_191 : vector<16xi32>, vector<16xi1> -> vector<16xi32>
      %add3A_193 = arith.constant 384 : i32
      %add3A_194 = arith.addi %add3A_193, %while3A_130 : i32
      %add3A_195 = vector.broadcast %add3A_194 : i32 to vector<16xi32>
      %add3A_196 = arith.addi %add3A_195, %cumsum3A_192 : vector<16xi32>
      %sub3A_197 = arith.constant 1 : i32
      %sub3A_198 = vector.broadcast %sub3A_197 : i32 to vector<16xi32>
      %sub3A_199 = arith.subi %add3A_196, %sub3A_198 : vector<16xi32>
      tpu.vector_store_idx %arg8[%sub3A_199], %get3A_146 masked %and3A_188 : memref<3072xi32, #tpu.memory_space<vmem>>[vector<16xi32>], vector<16xi32>, vector<16xi1>
      %slice3A_200 = vector.extract_strided_slice %cumsum3A_192 {offsets = [15], sizes = [1], strides = [1]} : vector<16xi32> to vector<1xi32>
      %squeeze3A_201 = vector.extract %slice3A_200[0] : i32 from vector<1xi32>
      %add3A_202 = arith.addi %while3A_130, %squeeze3A_201 : i32
      %eq3A_203 = arith.constant 3 : i32
      %eq3A_204 = vector.broadcast %eq3A_203 : i32 to vector<16xi32>
      %eq3A_205 = arith.cmpi eq, %shift_right_logical3A_154, %eq3A_204 : vector<16xi32>
      %and3A_206 = arith.andi %lt3A_151, %eq3A_205 : vector<16xi1>
      %convert_element_type3A_207 = arith.extui %and3A_206 : vector<16xi1> to vector<16xi32>
      %cumsum3A_208 = arith.constant true
      %cumsum3A_209 = vector.broadcast %cumsum3A_208 : i1 to vector<16xi1>
      %cumsum3A_210 = tpu.scan <sum>, %convert_element_type3A_207 masked %cumsum3A_209 : vector<16xi32>, vector<16xi1> -> vector<16xi32>
      %add3A_211 = arith.constant 576 : i32
      %add3A_212 = arith.addi %add3A_211, %while3A_131 : i32
      %add3A_213 = vector.broadcast %add3A_212 : i32 to vector<16xi32>
      %add3A_214 = arith.addi %add3A_213, %cumsum3A_210 : vector<16xi32>
      %sub3A_215 = arith.constant 1 : i32
      %sub3A_216 = vector.broadcast %sub3A_215 : i32 to vector<16xi32>
      %sub3A_217 = arith.subi %add3A_214, %sub3A_216 : vector<16xi32>
      tpu.vector_store_idx %arg8[%sub3A_217], %get3A_146 masked %and3A_206 : memref<3072xi32, #tpu.memory_space<vmem>>[vector<16xi32>], vector<16xi32>, vector<16xi1>
      %slice3A_218 = vector.extract_strided_slice %cumsum3A_210 {offsets = [15], sizes = [1], strides = [1]} : vector<16xi32> to vector<1xi32>
      %squeeze3A_219 = vector.extract %slice3A_218[0] : i32 from vector<1xi32>
      %add3A_220 = arith.addi %while3A_131, %squeeze3A_219 : i32
      %eq3A_221 = arith.constant 4 : i32
      %eq3A_222 = vector.broadcast %eq3A_221 : i32 to vector<16xi32>
      %eq3A_223 = arith.cmpi eq, %shift_right_logical3A_154, %eq3A_222 : vector<16xi32>
      %and3A_224 = arith.andi %lt3A_151, %eq3A_223 : vector<16xi1>
      %convert_element_type3A_225 = arith.extui %and3A_224 : vector<16xi1> to vector<16xi32>
      %cumsum3A_226 = arith.constant true
      %cumsum3A_227 = vector.broadcast %cumsum3A_226 : i1 to vector<16xi1>
      %cumsum3A_228 = tpu.scan <sum>, %convert_element_type3A_225 masked %cumsum3A_227 : vector<16xi32>, vector<16xi1> -> vector<16xi32>
      %add3A_229 = arith.constant 768 : i32
      %add3A_230 = arith.addi %add3A_229, %while3A_132 : i32
      %add3A_231 = vector.broadcast %add3A_230 : i32 to vector<16xi32>
      %add3A_232 = arith.addi %add3A_231, %cumsum3A_228 : vector<16xi32>
      %sub3A_233 = arith.constant 1 : i32
      %sub3A_234 = vector.broadcast %sub3A_233 : i32 to vector<16xi32>
      %sub3A_235 = arith.subi %add3A_232, %sub3A_234 : vector<16xi32>
      tpu.vector_store_idx %arg8[%sub3A_235], %get3A_146 masked %and3A_224 : memref<3072xi32, #tpu.memory_space<vmem>>[vector<16xi32>], vector<16xi32>, vector<16xi1>
      %slice3A_236 = vector.extract_strided_slice %cumsum3A_228 {offsets = [15], sizes = [1], strides = [1]} : vector<16xi32> to vector<1xi32>
      %squeeze3A_237 = vector.extract %slice3A_236[0] : i32 from vector<1xi32>
      %add3A_238 = arith.addi %while3A_132, %squeeze3A_237 : i32
      %eq3A_239 = arith.constant 5 : i32
      %eq3A_240 = vector.broadcast %eq3A_239 : i32 to vector<16xi32>
      %eq3A_241 = arith.cmpi eq, %shift_right_logical3A_154, %eq3A_240 : vector<16xi32>
      %and3A_242 = arith.andi %lt3A_151, %eq3A_241 : vector<16xi1>
      %convert_element_type3A_243 = arith.extui %and3A_242 : vector<16xi1> to vector<16xi32>
      %cumsum3A_244 = arith.constant true
      %cumsum3A_245 = vector.broadcast %cumsum3A_244 : i1 to vector<16xi1>
      %cumsum3A_246 = tpu.scan <sum>, %convert_element_type3A_243 masked %cumsum3A_245 : vector<16xi32>, vector<16xi1> -> vector<16xi32>
      %add3A_247 = arith.constant 960 : i32
      %add3A_248 = arith.addi %add3A_247, %while3A_133 : i32
      %add3A_249 = vector.broadcast %add3A_248 : i32 to vector<16xi32>
      %add3A_250 = arith.addi %add3A_249, %cumsum3A_246 : vector<16xi32>
      %sub3A_251 = arith.constant 1 : i32
      %sub3A_252 = vector.broadcast %sub3A_251 : i32 to vector<16xi32>
      %sub3A_253 = arith.subi %add3A_250, %sub3A_252 : vector<16xi32>
      tpu.vector_store_idx %arg8[%sub3A_253], %get3A_146 masked %and3A_242 : memref<3072xi32, #tpu.memory_space<vmem>>[vector<16xi32>], vector<16xi32>, vector<16xi1>
      %slice3A_254 = vector.extract_strided_slice %cumsum3A_246 {offsets = [15], sizes = [1], strides = [1]} : vector<16xi32> to vector<1xi32>
      %squeeze3A_255 = vector.extract %slice3A_254[0] : i32 from vector<1xi32>
      %add3A_256 = arith.addi %while3A_133, %squeeze3A_255 : i32
      %eq3A_257 = arith.constant 6 : i32
      %eq3A_258 = vector.broadcast %eq3A_257 : i32 to vector<16xi32>
      %eq3A_259 = arith.cmpi eq, %shift_right_logical3A_154, %eq3A_258 : vector<16xi32>
      %and3A_260 = arith.andi %lt3A_151, %eq3A_259 : vector<16xi1>
      %convert_element_type3A_261 = arith.extui %and3A_260 : vector<16xi1> to vector<16xi32>
      %cumsum3A_262 = arith.constant true
      %cumsum3A_263 = vector.broadcast %cumsum3A_262 : i1 to vector<16xi1>
      %cumsum3A_264 = tpu.scan <sum>, %convert_element_type3A_261 masked %cumsum3A_263 : vector<16xi32>, vector<16xi1> -> vector<16xi32>
      %add3A_265 = arith.constant 1152 : i32
      %add3A_266 = arith.addi %add3A_265, %while3A_134 : i32
      %add3A_267 = vector.broadcast %add3A_266 : i32 to vector<16xi32>
      %add3A_268 = arith.addi %add3A_267, %cumsum3A_264 : vector<16xi32>
      %sub3A_269 = arith.constant 1 : i32
      %sub3A_270 = vector.broadcast %sub3A_269 : i32 to vector<16xi32>
      %sub3A_271 = arith.subi %add3A_268, %sub3A_270 : vector<16xi32>
      tpu.vector_store_idx %arg8[%sub3A_271], %get3A_146 masked %and3A_260 : memref<3072xi32, #tpu.memory_space<vmem>>[vector<16xi32>], vector<16xi32>, vector<16xi1>
      %slice3A_272 = vector.extract_strided_slice %cumsum3A_264 {offsets = [15], sizes = [1], strides = [1]} : vector<16xi32> to vector<1xi32>
      %squeeze3A_273 = vector.extract %slice3A_272[0] : i32 from vector<1xi32>
      %add3A_274 = arith.addi %while3A_134, %squeeze3A_273 : i32
      %eq3A_275 = arith.constant 7 : i32
      %eq3A_276 = vector.broadcast %eq3A_275 : i32 to vector<16xi32>
      %eq3A_277 = arith.cmpi eq, %shift_right_logical3A_154, %eq3A_276 : vector<16xi32>
      %and3A_278 = arith.andi %lt3A_151, %eq3A_277 : vector<16xi1>
      %convert_element_type3A_279 = arith.extui %and3A_278 : vector<16xi1> to vector<16xi32>
      %cumsum3A_280 = arith.constant true
      %cumsum3A_281 = vector.broadcast %cumsum3A_280 : i1 to vector<16xi1>
      %cumsum3A_282 = tpu.scan <sum>, %convert_element_type3A_279 masked %cumsum3A_281 : vector<16xi32>, vector<16xi1> -> vector<16xi32>
      %add3A_283 = arith.constant 1344 : i32
      %add3A_284 = arith.addi %add3A_283, %while3A_135 : i32
      %add3A_285 = vector.broadcast %add3A_284 : i32 to vector<16xi32>
      %add3A_286 = arith.addi %add3A_285, %cumsum3A_282 : vector<16xi32>
      %sub3A_287 = arith.constant 1 : i32
      %sub3A_288 = vector.broadcast %sub3A_287 : i32 to vector<16xi32>
      %sub3A_289 = arith.subi %add3A_286, %sub3A_288 : vector<16xi32>
      tpu.vector_store_idx %arg8[%sub3A_289], %get3A_146 masked %and3A_278 : memref<3072xi32, #tpu.memory_space<vmem>>[vector<16xi32>], vector<16xi32>, vector<16xi1>
      %slice3A_290 = vector.extract_strided_slice %cumsum3A_282 {offsets = [15], sizes = [1], strides = [1]} : vector<16xi32> to vector<1xi32>
      %squeeze3A_291 = vector.extract %slice3A_290[0] : i32 from vector<1xi32>
      %add3A_292 = arith.addi %while3A_135, %squeeze3A_291 : i32
      %eq3A_293 = arith.constant 8 : i32
      %eq3A_294 = vector.broadcast %eq3A_293 : i32 to vector<16xi32>
      %eq3A_295 = arith.cmpi eq, %shift_right_logical3A_154, %eq3A_294 : vector<16xi32>
      %and3A_296 = arith.andi %lt3A_151, %eq3A_295 : vector<16xi1>
      %convert_element_type3A_297 = arith.extui %and3A_296 : vector<16xi1> to vector<16xi32>
      %cumsum3A_298 = arith.constant true
      %cumsum3A_299 = vector.broadcast %cumsum3A_298 : i1 to vector<16xi1>
      %cumsum3A_300 = tpu.scan <sum>, %convert_element_type3A_297 masked %cumsum3A_299 : vector<16xi32>, vector<16xi1> -> vector<16xi32>
      %add3A_301 = arith.constant 1536 : i32
      %add3A_302 = arith.addi %add3A_301, %while3A_136 : i32
      %add3A_303 = vector.broadcast %add3A_302 : i32 to vector<16xi32>
      %add3A_304 = arith.addi %add3A_303, %cumsum3A_300 : vector<16xi32>
      %sub3A_305 = arith.constant 1 : i32
      %sub3A_306 = vector.broadcast %sub3A_305 : i32 to vector<16xi32>
      %sub3A_307 = arith.subi %add3A_304, %sub3A_306 : vector<16xi32>
      tpu.vector_store_idx %arg8[%sub3A_307], %get3A_146 masked %and3A_296 : memref<3072xi32, #tpu.memory_space<vmem>>[vector<16xi32>], vector<16xi32>, vector<16xi1>
      %slice3A_308 = vector.extract_strided_slice %cumsum3A_300 {offsets = [15], sizes = [1], strides = [1]} : vector<16xi32> to vector<1xi32>
      %squeeze3A_309 = vector.extract %slice3A_308[0] : i32 from vector<1xi32>
      %add3A_310 = arith.addi %while3A_136, %squeeze3A_309 : i32
      %eq3A_311 = arith.constant 9 : i32
      %eq3A_312 = vector.broadcast %eq3A_311 : i32 to vector<16xi32>
      %eq3A_313 = arith.cmpi eq, %shift_right_logical3A_154, %eq3A_312 : vector<16xi32>
      %and3A_314 = arith.andi %lt3A_151, %eq3A_313 : vector<16xi1>
      %convert_element_type3A_315 = arith.extui %and3A_314 : vector<16xi1> to vector<16xi32>
      %cumsum3A_316 = arith.constant true
      %cumsum3A_317 = vector.broadcast %cumsum3A_316 : i1 to vector<16xi1>
      %cumsum3A_318 = tpu.scan <sum>, %convert_element_type3A_315 masked %cumsum3A_317 : vector<16xi32>, vector<16xi1> -> vector<16xi32>
      %add3A_319 = arith.constant 1728 : i32
      %add3A_320 = arith.addi %add3A_319, %while3A_137 : i32
      %add3A_321 = vector.broadcast %add3A_320 : i32 to vector<16xi32>
      %add3A_322 = arith.addi %add3A_321, %cumsum3A_318 : vector<16xi32>
      %sub3A_323 = arith.constant 1 : i32
      %sub3A_324 = vector.broadcast %sub3A_323 : i32 to vector<16xi32>
      %sub3A_325 = arith.subi %add3A_322, %sub3A_324 : vector<16xi32>
      tpu.vector_store_idx %arg8[%sub3A_325], %get3A_146 masked %and3A_314 : memref<3072xi32, #tpu.memory_space<vmem>>[vector<16xi32>], vector<16xi32>, vector<16xi1>
      %slice3A_326 = vector.extract_strided_slice %cumsum3A_318 {offsets = [15], sizes = [1], strides = [1]} : vector<16xi32> to vector<1xi32>
      %squeeze3A_327 = vector.extract %slice3A_326[0] : i32 from vector<1xi32>
      %add3A_328 = arith.addi %while3A_137, %squeeze3A_327 : i32
      %eq3A_329 = arith.constant 10 : i32
      %eq3A_330 = vector.broadcast %eq3A_329 : i32 to vector<16xi32>
      %eq3A_331 = arith.cmpi eq, %shift_right_logical3A_154, %eq3A_330 : vector<16xi32>
      %and3A_332 = arith.andi %lt3A_151, %eq3A_331 : vector<16xi1>
      %convert_element_type3A_333 = arith.extui %and3A_332 : vector<16xi1> to vector<16xi32>
      %cumsum3A_334 = arith.constant true
      %cumsum3A_335 = vector.broadcast %cumsum3A_334 : i1 to vector<16xi1>
      %cumsum3A_336 = tpu.scan <sum>, %convert_element_type3A_333 masked %cumsum3A_335 : vector<16xi32>, vector<16xi1> -> vector<16xi32>
      %add3A_337 = arith.constant 1920 : i32
      %add3A_338 = arith.addi %add3A_337, %while3A_138 : i32
      %add3A_339 = vector.broadcast %add3A_338 : i32 to vector<16xi32>
      %add3A_340 = arith.addi %add3A_339, %cumsum3A_336 : vector<16xi32>
      %sub3A_341 = arith.constant 1 : i32
      %sub3A_342 = vector.broadcast %sub3A_341 : i32 to vector<16xi32>
      %sub3A_343 = arith.subi %add3A_340, %sub3A_342 : vector<16xi32>
      tpu.vector_store_idx %arg8[%sub3A_343], %get3A_146 masked %and3A_332 : memref<3072xi32, #tpu.memory_space<vmem>>[vector<16xi32>], vector<16xi32>, vector<16xi1>
      %slice3A_344 = vector.extract_strided_slice %cumsum3A_336 {offsets = [15], sizes = [1], strides = [1]} : vector<16xi32> to vector<1xi32>
      %squeeze3A_345 = vector.extract %slice3A_344[0] : i32 from vector<1xi32>
      %add3A_346 = arith.addi %while3A_138, %squeeze3A_345 : i32
      %eq3A_347 = arith.constant 11 : i32
      %eq3A_348 = vector.broadcast %eq3A_347 : i32 to vector<16xi32>
      %eq3A_349 = arith.cmpi eq, %shift_right_logical3A_154, %eq3A_348 : vector<16xi32>
      %and3A_350 = arith.andi %lt3A_151, %eq3A_349 : vector<16xi1>
      %convert_element_type3A_351 = arith.extui %and3A_350 : vector<16xi1> to vector<16xi32>
      %cumsum3A_352 = arith.constant true
      %cumsum3A_353 = vector.broadcast %cumsum3A_352 : i1 to vector<16xi1>
      %cumsum3A_354 = tpu.scan <sum>, %convert_element_type3A_351 masked %cumsum3A_353 : vector<16xi32>, vector<16xi1> -> vector<16xi32>
      %add3A_355 = arith.constant 2112 : i32
      %add3A_356 = arith.addi %add3A_355, %while3A_139 : i32
      %add3A_357 = vector.broadcast %add3A_356 : i32 to vector<16xi32>
      %add3A_358 = arith.addi %add3A_357, %cumsum3A_354 : vector<16xi32>
      %sub3A_359 = arith.constant 1 : i32
      %sub3A_360 = vector.broadcast %sub3A_359 : i32 to vector<16xi32>
      %sub3A_361 = arith.subi %add3A_358, %sub3A_360 : vector<16xi32>
      tpu.vector_store_idx %arg8[%sub3A_361], %get3A_146 masked %and3A_350 : memref<3072xi32, #tpu.memory_space<vmem>>[vector<16xi32>], vector<16xi32>, vector<16xi1>
      %slice3A_362 = vector.extract_strided_slice %cumsum3A_354 {offsets = [15], sizes = [1], strides = [1]} : vector<16xi32> to vector<1xi32>
      %squeeze3A_363 = vector.extract %slice3A_362[0] : i32 from vector<1xi32>
      %add3A_364 = arith.addi %while3A_139, %squeeze3A_363 : i32
      %eq3A_365 = arith.constant 12 : i32
      %eq3A_366 = vector.broadcast %eq3A_365 : i32 to vector<16xi32>
      %eq3A_367 = arith.cmpi eq, %shift_right_logical3A_154, %eq3A_366 : vector<16xi32>
      %and3A_368 = arith.andi %lt3A_151, %eq3A_367 : vector<16xi1>
      %convert_element_type3A_369 = arith.extui %and3A_368 : vector<16xi1> to vector<16xi32>
      %cumsum3A_370 = arith.constant true
      %cumsum3A_371 = vector.broadcast %cumsum3A_370 : i1 to vector<16xi1>
      %cumsum3A_372 = tpu.scan <sum>, %convert_element_type3A_369 masked %cumsum3A_371 : vector<16xi32>, vector<16xi1> -> vector<16xi32>
      %add3A_373 = arith.constant 2304 : i32
      %add3A_374 = arith.addi %add3A_373, %while3A_140 : i32
      %add3A_375 = vector.broadcast %add3A_374 : i32 to vector<16xi32>
      %add3A_376 = arith.addi %add3A_375, %cumsum3A_372 : vector<16xi32>
      %sub3A_377 = arith.constant 1 : i32
      %sub3A_378 = vector.broadcast %sub3A_377 : i32 to vector<16xi32>
      %sub3A_379 = arith.subi %add3A_376, %sub3A_378 : vector<16xi32>
      tpu.vector_store_idx %arg8[%sub3A_379], %get3A_146 masked %and3A_368 : memref<3072xi32, #tpu.memory_space<vmem>>[vector<16xi32>], vector<16xi32>, vector<16xi1>
      %slice3A_380 = vector.extract_strided_slice %cumsum3A_372 {offsets = [15], sizes = [1], strides = [1]} : vector<16xi32> to vector<1xi32>
      %squeeze3A_381 = vector.extract %slice3A_380[0] : i32 from vector<1xi32>
      %add3A_382 = arith.addi %while3A_140, %squeeze3A_381 : i32
      %eq3A_383 = arith.constant 13 : i32
      %eq3A_384 = vector.broadcast %eq3A_383 : i32 to vector<16xi32>
      %eq3A_385 = arith.cmpi eq, %shift_right_logical3A_154, %eq3A_384 : vector<16xi32>
      %and3A_386 = arith.andi %lt3A_151, %eq3A_385 : vector<16xi1>
      %convert_element_type3A_387 = arith.extui %and3A_386 : vector<16xi1> to vector<16xi32>
      %cumsum3A_388 = arith.constant true
      %cumsum3A_389 = vector.broadcast %cumsum3A_388 : i1 to vector<16xi1>
      %cumsum3A_390 = tpu.scan <sum>, %convert_element_type3A_387 masked %cumsum3A_389 : vector<16xi32>, vector<16xi1> -> vector<16xi32>
      %add3A_391 = arith.constant 2496 : i32
      %add3A_392 = arith.addi %add3A_391, %while3A_141 : i32
      %add3A_393 = vector.broadcast %add3A_392 : i32 to vector<16xi32>
      %add3A_394 = arith.addi %add3A_393, %cumsum3A_390 : vector<16xi32>
      %sub3A_395 = arith.constant 1 : i32
      %sub3A_396 = vector.broadcast %sub3A_395 : i32 to vector<16xi32>
      %sub3A_397 = arith.subi %add3A_394, %sub3A_396 : vector<16xi32>
      tpu.vector_store_idx %arg8[%sub3A_397], %get3A_146 masked %and3A_386 : memref<3072xi32, #tpu.memory_space<vmem>>[vector<16xi32>], vector<16xi32>, vector<16xi1>
      %slice3A_398 = vector.extract_strided_slice %cumsum3A_390 {offsets = [15], sizes = [1], strides = [1]} : vector<16xi32> to vector<1xi32>
      %squeeze3A_399 = vector.extract %slice3A_398[0] : i32 from vector<1xi32>
      %add3A_400 = arith.addi %while3A_141, %squeeze3A_399 : i32
      %eq3A_401 = arith.constant 14 : i32
      %eq3A_402 = vector.broadcast %eq3A_401 : i32 to vector<16xi32>
      %eq3A_403 = arith.cmpi eq, %shift_right_logical3A_154, %eq3A_402 : vector<16xi32>
      %and3A_404 = arith.andi %lt3A_151, %eq3A_403 : vector<16xi1>
      %convert_element_type3A_405 = arith.extui %and3A_404 : vector<16xi1> to vector<16xi32>
      %cumsum3A_406 = arith.constant true
      %cumsum3A_407 = vector.broadcast %cumsum3A_406 : i1 to vector<16xi1>
      %cumsum3A_408 = tpu.scan <sum>, %convert_element_type3A_405 masked %cumsum3A_407 : vector<16xi32>, vector<16xi1> -> vector<16xi32>
      %add3A_409 = arith.constant 2688 : i32
      %add3A_410 = arith.addi %add3A_409, %while3A_142 : i32
      %add3A_411 = vector.broadcast %add3A_410 : i32 to vector<16xi32>
      %add3A_412 = arith.addi %add3A_411, %cumsum3A_408 : vector<16xi32>
      %sub3A_413 = arith.constant 1 : i32
      %sub3A_414 = vector.broadcast %sub3A_413 : i32 to vector<16xi32>
      %sub3A_415 = arith.subi %add3A_412, %sub3A_414 : vector<16xi32>
      tpu.vector_store_idx %arg8[%sub3A_415], %get3A_146 masked %and3A_404 : memref<3072xi32, #tpu.memory_space<vmem>>[vector<16xi32>], vector<16xi32>, vector<16xi1>
      %slice3A_416 = vector.extract_strided_slice %cumsum3A_408 {offsets = [15], sizes = [1], strides = [1]} : vector<16xi32> to vector<1xi32>
      %squeeze3A_417 = vector.extract %slice3A_416[0] : i32 from vector<1xi32>
      %add3A_418 = arith.addi %while3A_142, %squeeze3A_417 : i32
      %eq3A_419 = arith.constant 15 : i32
      %eq3A_420 = vector.broadcast %eq3A_419 : i32 to vector<16xi32>
      %eq3A_421 = arith.cmpi eq, %shift_right_logical3A_154, %eq3A_420 : vector<16xi32>
      %and3A_422 = arith.andi %lt3A_151, %eq3A_421 : vector<16xi1>
      %convert_element_type3A_423 = arith.extui %and3A_422 : vector<16xi1> to vector<16xi32>
      %cumsum3A_424 = arith.constant true
      %cumsum3A_425 = vector.broadcast %cumsum3A_424 : i1 to vector<16xi1>
      %cumsum3A_426 = tpu.scan <sum>, %convert_element_type3A_423 masked %cumsum3A_425 : vector<16xi32>, vector<16xi1> -> vector<16xi32>
      %add3A_427 = arith.constant 2880 : i32
      %add3A_428 = arith.addi %add3A_427, %while3A_143 : i32
      %add3A_429 = vector.broadcast %add3A_428 : i32 to vector<16xi32>
      %add3A_430 = arith.addi %add3A_429, %cumsum3A_426 : vector<16xi32>
      %sub3A_431 = arith.constant 1 : i32
      %sub3A_432 = vector.broadcast %sub3A_431 : i32 to vector<16xi32>
      %sub3A_433 = arith.subi %add3A_430, %sub3A_432 : vector<16xi32>
      tpu.vector_store_idx %arg8[%sub3A_433], %get3A_146 masked %and3A_422 : memref<3072xi32, #tpu.memory_space<vmem>>[vector<16xi32>], vector<16xi32>, vector<16xi1>
      %slice3A_434 = vector.extract_strided_slice %cumsum3A_426 {offsets = [15], sizes = [1], strides = [1]} : vector<16xi32> to vector<1xi32>
      %squeeze3A_435 = vector.extract %slice3A_434[0] : i32 from vector<1xi32>
      %add3A_436 = arith.addi %while3A_143, %squeeze3A_435 : i32
      scf.yield %add3A_166, %add3A_184, %add3A_202, %add3A_220, %add3A_238, %add3A_256, %add3A_274, %add3A_292, %add3A_310, %add3A_328, %add3A_346, %add3A_364, %add3A_382, %add3A_400, %add3A_418, %add3A_436 : i32, i32, i32, i32, i32, i32, i32, i32, i32, i32, i32, i32, i32, i32, i32, i32
    }
    %add3A_48 = arith.constant 0 : i32
    %add3A_49 = arith.addi %mul3A_2, %add3A_48 : i32
    %mul3A_50 = arith.constant 128 : i32
    %mul3A_51 = arith.muli %add3A_49, %mul3A_50 : i32
    %rem3A = arith.constant 0 : i32
    %rem3A_52 = arith.constant 4 : i32
    %rem3A_53 = arith.remsi %rem3A, %rem3A_52 : i32
    %dma_start3A = arith.constant 0 : i32
    %dma_start3A_54 = arith.constant 0 : i32
    %dma_start3A_55 = tpu.memref_slice %arg6[%rem3A_53, %dma_start3A, %dma_start3A_54] : memref<4x64x128xf32, #tpu.memory_space<vmem>> -> memref<1x64x128xf32, #tpu.memory_space<vmem>>
    %dma_start3A_56 = tpu.memref_squeeze %dma_start3A_55 : memref<1x64x128xf32, #tpu.memory_space<vmem>> -> memref<64x128xf32, #tpu.memory_space<vmem>>
    %dma_start3A_57 = arith.constant 0 : i32
    %dma_start3A_58 = tpu.memref_slice %arg2[%dma_start3A_57, %mul3A_51] : memref<64x1000000xf32, #tpu.memory_space<hbm>> -> memref<64x128xf32, #tpu.memory_space<hbm>>
    %dma_start3A_59 = arith.constant 0 : i32
    %dma_start3A_60 = arith.constant 0 : i32
    %dma_start3A_61 = tpu.memref_slice %arg6[%rem3A_53, %dma_start3A_59, %dma_start3A_60] : memref<4x64x128xf32, #tpu.memory_space<vmem>> -> memref<1x64x128xf32, #tpu.memory_space<vmem>>
    %dma_start3A_62 = tpu.memref_squeeze %dma_start3A_61 : memref<1x64x128xf32, #tpu.memory_space<vmem>> -> memref<64x128xf32, #tpu.memory_space<vmem>>
    %dma_start3A_63 = arith.constant 0 : i32
    %dma_start3A_64 = tpu.memref_slice %arg2[%dma_start3A_63, %mul3A_51] : memref<64x1000000xf32, #tpu.memory_space<hbm>> -> memref<64x128xf32, #tpu.memory_space<hbm>>
    tpu.enqueue_dma source(%dma_start3A_64 : memref<64x128xf32, #tpu.memory_space<hbm>>) target(%dma_start3A_62 : memref<64x128xf32, #tpu.memory_space<vmem>>) target_semaphore(%arg11 : memref<!tpu.dma_semaphore, #tpu.memory_space<semaphore_mem>>)
    %add3A_65 = arith.constant 1 : i32
    %add3A_66 = arith.addi %mul3A_2, %add3A_65 : i32
    %mul3A_67 = arith.constant 128 : i32
    %mul3A_68 = arith.muli %add3A_66, %mul3A_67 : i32
    %rem3A_69 = arith.constant 1 : i32
    %rem3A_70 = arith.constant 4 : i32
    %rem3A_71 = arith.remsi %rem3A_69, %rem3A_70 : i32
    %dma_start3A_72 = arith.constant 0 : i32
    %dma_start3A_73 = arith.constant 0 : i32
    %dma_start3A_74 = tpu.memref_slice %arg6[%rem3A_71, %dma_start3A_72, %dma_start3A_73] : memref<4x64x128xf32, #tpu.memory_space<vmem>> -> memref<1x64x128xf32, #tpu.memory_space<vmem>>
    %dma_start3A_75 = tpu.memref_squeeze %dma_start3A_74 : memref<1x64x128xf32, #tpu.memory_space<vmem>> -> memref<64x128xf32, #tpu.memory_space<vmem>>
    %dma_start3A_76 = arith.constant 0 : i32
    %dma_start3A_77 = tpu.memref_slice %arg2[%dma_start3A_76, %mul3A_68] : memref<64x1000000xf32, #tpu.memory_space<hbm>> -> memref<64x128xf32, #tpu.memory_space<hbm>>
    %dma_start3A_78 = arith.constant 0 : i32
    %dma_start3A_79 = arith.constant 0 : i32
    %dma_start3A_80 = tpu.memref_slice %arg6[%rem3A_71, %dma_start3A_78, %dma_start3A_79] : memref<4x64x128xf32, #tpu.memory_space<vmem>> -> memref<1x64x128xf32, #tpu.memory_space<vmem>>
    %dma_start3A_81 = tpu.memref_squeeze %dma_start3A_80 : memref<1x64x128xf32, #tpu.memory_space<vmem>> -> memref<64x128xf32, #tpu.memory_space<vmem>>
    %dma_start3A_82 = arith.constant 0 : i32
    %dma_start3A_83 = tpu.memref_slice %arg2[%dma_start3A_82, %mul3A_68] : memref<64x1000000xf32, #tpu.memory_space<hbm>> -> memref<64x128xf32, #tpu.memory_space<hbm>>
    tpu.enqueue_dma source(%dma_start3A_83 : memref<64x128xf32, #tpu.memory_space<hbm>>) target(%dma_start3A_81 : memref<64x128xf32, #tpu.memory_space<vmem>>) target_semaphore(%arg11 : memref<!tpu.dma_semaphore, #tpu.memory_space<semaphore_mem>>)
    %add3A_84 = arith.constant 2 : i32
    %add3A_85 = arith.addi %mul3A_2, %add3A_84 : i32
    %mul3A_86 = arith.constant 128 : i32
    %mul3A_87 = arith.muli %add3A_85, %mul3A_86 : i32
    %rem3A_88 = arith.constant 2 : i32
    %rem3A_89 = arith.constant 4 : i32
    %rem3A_90 = arith.remsi %rem3A_88, %rem3A_89 : i32
    %dma_start3A_91 = arith.constant 0 : i32
    %dma_start3A_92 = arith.constant 0 : i32
    %dma_start3A_93 = tpu.memref_slice %arg6[%rem3A_90, %dma_start3A_91, %dma_start3A_92] : memref<4x64x128xf32, #tpu.memory_space<vmem>> -> memref<1x64x128xf32, #tpu.memory_space<vmem>>
    %dma_start3A_94 = tpu.memref_squeeze %dma_start3A_93 : memref<1x64x128xf32, #tpu.memory_space<vmem>> -> memref<64x128xf32, #tpu.memory_space<vmem>>
    %dma_start3A_95 = arith.constant 0 : i32
    %dma_start3A_96 = tpu.memref_slice %arg2[%dma_start3A_95, %mul3A_87] : memref<64x1000000xf32, #tpu.memory_space<hbm>> -> memref<64x128xf32, #tpu.memory_space<hbm>>
    %dma_start3A_97 = arith.constant 0 : i32
    %dma_start3A_98 = arith.constant 0 : i32
    %dma_start3A_99 = tpu.memref_slice %arg6[%rem3A_90, %dma_start3A_97, %dma_start3A_98] : memref<4x64x128xf32, #tpu.memory_space<vmem>> -> memref<1x64x128xf32, #tpu.memory_space<vmem>>
    %dma_start3A_100 = tpu.memref_squeeze %dma_start3A_99 : memref<1x64x128xf32, #tpu.memory_space<vmem>> -> memref<64x128xf32, #tpu.memory_space<vmem>>
    %dma_start3A_101 = arith.constant 0 : i32
    %dma_start3A_102 = tpu.memref_slice %arg2[%dma_start3A_101, %mul3A_87] : memref<64x1000000xf32, #tpu.memory_space<hbm>> -> memref<64x128xf32, #tpu.memory_space<hbm>>
    tpu.enqueue_dma source(%dma_start3A_102 : memref<64x128xf32, #tpu.memory_space<hbm>>) target(%dma_start3A_100 : memref<64x128xf32, #tpu.memory_space<vmem>>) target_semaphore(%arg11 : memref<!tpu.dma_semaphore, #tpu.memory_space<semaphore_mem>>)
    %while3A_103 = arith.constant 0 : i32
    %while3A_104 = arith.constant 0 : i32
    %while3A_105 = arith.subi %min3A_4, %while3A_103 : i32
    %while3A_106 = arith.addi %while3A_103, %while3A_105 : i32
    %while3A_107 = arith.constant 1 : i32
    %while3A_108 = arith.divsi %while3A_105, %while3A_107 : i32
    %while3A_109 = arith.muli %while3A_108, %while3A_107 : i32
    %while3A_110 = arith.addi %while3A_103, %while3A_109 : i32
    %while3A_111 = arith.constant 1 : i32
    %while3A_112 = scf.for %while3A_127 = %while3A_103 to %while3A_110 step %while3A_111 iter_args(%while3A_128 = %while3A_104) -> (i32)  : i32 {
      %rem3A_129 = arith.constant 4 : i32
      %rem3A_130 = arith.remsi %while3A_127, %rem3A_129 : i32
      %dma_wait3A = arith.constant 0 : i32
      %dma_wait3A_131 = arith.constant 0 : i32
      %dma_wait3A_132 = tpu.memref_slice %arg6[%rem3A_130, %dma_wait3A, %dma_wait3A_131] : memref<4x64x128xf32, #tpu.memory_space<vmem>> -> memref<1x64x128xf32, #tpu.memory_space<vmem>>
      %dma_wait3A_133 = tpu.memref_squeeze %dma_wait3A_132 : memref<1x64x128xf32, #tpu.memory_space<vmem>> -> memref<64x128xf32, #tpu.memory_space<vmem>>
      %dma_wait3A_134 = arith.constant 0 : i32
      %dma_wait3A_135 = arith.constant 0 : i32
      %dma_wait3A_136 = tpu.memref_slice %arg2[%dma_wait3A_134, %dma_wait3A_135] : memref<64x1000000xf32, #tpu.memory_space<hbm>> -> memref<64x128xf32, #tpu.memory_space<hbm>>
      %dma_wait3A_137 = arith.constant 0 : i32
      %dma_wait3A_138 = arith.constant 0 : i32
      %dma_wait3A_139 = tpu.memref_slice %arg6[%rem3A_130, %dma_wait3A_137, %dma_wait3A_138] : memref<4x64x128xf32, #tpu.memory_space<vmem>> -> memref<1x64x128xf32, #tpu.memory_space<vmem>>
      %dma_wait3A_140 = tpu.memref_squeeze %dma_wait3A_139 : memref<1x64x128xf32, #tpu.memory_space<vmem>> -> memref<64x128xf32, #tpu.memory_space<vmem>>
      %dma_wait3A_141 = arith.constant 0 : i32
      %dma_wait3A_142 = arith.constant 0 : i32
      %dma_wait3A_143 = tpu.memref_slice %arg2[%dma_wait3A_141, %dma_wait3A_142] : memref<64x1000000xf32, #tpu.memory_space<hbm>> -> memref<64x128xf32, #tpu.memory_space<hbm>>
      tpu.wait_dma2 semaphore(%arg11 : memref<!tpu.dma_semaphore, #tpu.memory_space<semaphore_mem>>) src(%dma_wait3A_143 : memref<64x128xf32, #tpu.memory_space<hbm>>) dst(%dma_wait3A_140 : memref<64x128xf32, #tpu.memory_space<vmem>>)
      %add3A_144 = arith.constant 4 : i32
      %add3A_145 = arith.addi %while3A_127, %add3A_144 : i32
      %sub3A_146 = arith.constant 1 : i32
      %sub3A_147 = arith.subi %add3A_145, %sub3A_146 : i32
      %lt3A = arith.cmpi slt, %sub3A_147, %min3A_4 : i32
      %convert_element_type3A = arith.extui %lt3A : i1 to i32
      %cond3A = arith.constant 0 : i32
      %cond3A_148 = arith.cmpi ne, %convert_element_type3A, %cond3A : i32
      scf.if %cond3A_148 {
        %add3A_211 = arith.constant 4 : i32
        %add3A_212 = arith.addi %while3A_127, %add3A_211 : i32
        %sub3A_213 = arith.constant 1 : i32
        %sub3A_214 = arith.subi %add3A_212, %sub3A_213 : i32
        %add3A_215 = arith.addi %mul3A_2, %sub3A_214 : i32
        %mul3A_216 = arith.constant 128 : i32
        %mul3A_217 = arith.muli %add3A_215, %mul3A_216 : i32
        %rem3A_218 = arith.constant 4 : i32
        %rem3A_219 = arith.remsi %sub3A_214, %rem3A_218 : i32
        %dma_start3A_220 = arith.constant 0 : i32
        %dma_start3A_221 = arith.constant 0 : i32
        %dma_start3A_222 = tpu.memref_slice %arg6[%rem3A_219, %dma_start3A_220, %dma_start3A_221] : memref<4x64x128xf32, #tpu.memory_space<vmem>> -> memref<1x64x128xf32, #tpu.memory_space<vmem>>
        %dma_start3A_223 = tpu.memref_squeeze %dma_start3A_222 : memref<1x64x128xf32, #tpu.memory_space<vmem>> -> memref<64x128xf32, #tpu.memory_space<vmem>>
        %dma_start3A_224 = arith.constant 0 : i32
        %dma_start3A_225 = tpu.memref_slice %arg2[%dma_start3A_224, %mul3A_217] : memref<64x1000000xf32, #tpu.memory_space<hbm>> -> memref<64x128xf32, #tpu.memory_space<hbm>>
        %dma_start3A_226 = arith.constant 0 : i32
        %dma_start3A_227 = arith.constant 0 : i32
        %dma_start3A_228 = tpu.memref_slice %arg6[%rem3A_219, %dma_start3A_226, %dma_start3A_227] : memref<4x64x128xf32, #tpu.memory_space<vmem>> -> memref<1x64x128xf32, #tpu.memory_space<vmem>>
        %dma_start3A_229 = tpu.memref_squeeze %dma_start3A_228 : memref<1x64x128xf32, #tpu.memory_space<vmem>> -> memref<64x128xf32, #tpu.memory_space<vmem>>
        %dma_start3A_230 = arith.constant 0 : i32
        %dma_start3A_231 = tpu.memref_slice %arg2[%dma_start3A_230, %mul3A_217] : memref<64x1000000xf32, #tpu.memory_space<hbm>> -> memref<64x128xf32, #tpu.memory_space<hbm>>
        tpu.enqueue_dma source(%dma_start3A_231 : memref<64x128xf32, #tpu.memory_space<hbm>>) target(%dma_start3A_229 : memref<64x128xf32, #tpu.memory_space<vmem>>) target_semaphore(%arg11 : memref<!tpu.dma_semaphore, #tpu.memory_space<semaphore_mem>>)
      } else {
      }
      %shift_right_logical3A_149 = arith.constant 4 : i32
      %shift_right_logical3A_150 = arith.shrui %while3A_127, %shift_right_logical3A_149 : i32
      %eq3A = arith.constant 0 : i32
      %eq3A_151 = arith.cmpi eq, %shift_right_logical3A_150, %eq3A : i32
      %select_n3A = arith.select %eq3A_151, %while3A_47#0, %while3A_47#15 : i32
      %eq3A_152 = arith.constant 1 : i32
      %eq3A_153 = arith.cmpi eq, %shift_right_logical3A_150, %eq3A_152 : i32
      %select_n3A_154 = arith.select %eq3A_153, %while3A_47#1, %select_n3A : i32
      %eq3A_155 = arith.constant 2 : i32
      %eq3A_156 = arith.cmpi eq, %shift_right_logical3A_150, %eq3A_155 : i32
      %select_n3A_157 = arith.select %eq3A_156, %while3A_47#2, %select_n3A_154 : i32
      %eq3A_158 = arith.constant 3 : i32
      %eq3A_159 = arith.cmpi eq, %shift_right_logical3A_150, %eq3A_158 : i32
      %select_n3A_160 = arith.select %eq3A_159, %while3A_47#3, %select_n3A_157 : i32
      %eq3A_161 = arith.constant 4 : i32
      %eq3A_162 = arith.cmpi eq, %shift_right_logical3A_150, %eq3A_161 : i32
      %select_n3A_163 = arith.select %eq3A_162, %while3A_47#4, %select_n3A_160 : i32
      %eq3A_164 = arith.constant 5 : i32
      %eq3A_165 = arith.cmpi eq, %shift_right_logical3A_150, %eq3A_164 : i32
      %select_n3A_166 = arith.select %eq3A_165, %while3A_47#5, %select_n3A_163 : i32
      %eq3A_167 = arith.constant 6 : i32
      %eq3A_168 = arith.cmpi eq, %shift_right_logical3A_150, %eq3A_167 : i32
      %select_n3A_169 = arith.select %eq3A_168, %while3A_47#6, %select_n3A_166 : i32
      %eq3A_170 = arith.constant 7 : i32
      %eq3A_171 = arith.cmpi eq, %shift_right_logical3A_150, %eq3A_170 : i32
      %select_n3A_172 = arith.select %eq3A_171, %while3A_47#7, %select_n3A_169 : i32
      %eq3A_173 = arith.constant 8 : i32
      %eq3A_174 = arith.cmpi eq, %shift_right_logical3A_150, %eq3A_173 : i32
      %select_n3A_175 = arith.select %eq3A_174, %while3A_47#8, %select_n3A_172 : i32
      %eq3A_176 = arith.constant 9 : i32
      %eq3A_177 = arith.cmpi eq, %shift_right_logical3A_150, %eq3A_176 : i32
      %select_n3A_178 = arith.select %eq3A_177, %while3A_47#9, %select_n3A_175 : i32
      %eq3A_179 = arith.constant 10 : i32
      %eq3A_180 = arith.cmpi eq, %shift_right_logical3A_150, %eq3A_179 : i32
      %select_n3A_181 = arith.select %eq3A_180, %while3A_47#10, %select_n3A_178 : i32
      %eq3A_182 = arith.constant 11 : i32
      %eq3A_183 = arith.cmpi eq, %shift_right_logical3A_150, %eq3A_182 : i32
      %select_n3A_184 = arith.select %eq3A_183, %while3A_47#11, %select_n3A_181 : i32
      %eq3A_185 = arith.constant 12 : i32
      %eq3A_186 = arith.cmpi eq, %shift_right_logical3A_150, %eq3A_185 : i32
      %select_n3A_187 = arith.select %eq3A_186, %while3A_47#12, %select_n3A_184 : i32
      %eq3A_188 = arith.constant 13 : i32
      %eq3A_189 = arith.cmpi eq, %shift_right_logical3A_150, %eq3A_188 : i32
      %select_n3A_190 = arith.select %eq3A_189, %while3A_47#13, %select_n3A_187 : i32
      %eq3A_191 = arith.constant 14 : i32
      %eq3A_192 = arith.cmpi eq, %shift_right_logical3A_150, %eq3A_191 : i32
      %select_n3A_193 = arith.select %eq3A_192, %while3A_47#14, %select_n3A_190 : i32
      %add3A_194 = arith.constant 16 : i32
      %add3A_195 = arith.addi %select_n3A_193, %add3A_194 : i32
      %sub3A_196 = arith.constant 1 : i32
      %sub3A_197 = arith.subi %add3A_195, %sub3A_196 : i32
      %shift_right_logical3A_198 = arith.constant 4 : i32
      %shift_right_logical3A_199 = arith.shrui %sub3A_197, %shift_right_logical3A_198 : i32
      %while3A_200 = arith.constant 0 : i32
      %while3A_201 = arith.subi %shift_right_logical3A_199, %while3A_200 : i32
      %while3A_202 = arith.addi %while3A_200, %while3A_201 : i32
      %while3A_203 = arith.constant 1 : i32
      %while3A_204 = arith.divsi %while3A_201, %while3A_203 : i32
      %while3A_205 = arith.muli %while3A_204, %while3A_203 : i32
      %while3A_206 = arith.addi %while3A_200, %while3A_205 : i32
      %while3A_207 = arith.constant 1 : i32
      %while3A_208 = scf.for %while3A_211 = %while3A_200 to %while3A_206 step %while3A_207 iter_args(%while3A_212 = %while3A_128) -> (i32)  : i32 {
        %mul3A_213 = arith.constant 192 : i32
        %mul3A_214 = arith.muli %shift_right_logical3A_150, %mul3A_213 : i32
        %mul3A_215 = arith.constant 16 : i32
        %mul3A_216 = arith.muli %while3A_211, %mul3A_215 : i32
        %add3A_217 = arith.addi %mul3A_214, %mul3A_216 : i32
        %get3A = arith.index_cast %add3A_217 : i32 to index
        %get3A_218 = tpu.vector_load %arg8[%get3A] {strides = array<i32>} : memref<3072xi32, #tpu.memory_space<vmem>>, vector<16xi32>,
        %shift_right_logical3A_219 = arith.constant 22 : i32
        %shift_right_logical3A_220 = vector.broadcast %shift_right_logical3A_219 : i32 to vector<16xi32>
        %shift_right_logical3A_221 = arith.shrui %get3A_218, %shift_right_logical3A_220 : vector<16xi32>
        %eq3A_222 = vector.broadcast %while3A_127 : i32 to vector<16xi32>
        %eq3A_223 = arith.cmpi eq, %shift_right_logical3A_221, %eq3A_222 : vector<16xi32>
        %all_reduce_population_count3A = tpu.all_reduce %eq3A_223 {dim = 0 : i64, kind = #tpu.reduction_kind<sum>} : vector<16xi1> -> vector<16xi32>
        %slice3A = vector.extract_strided_slice %all_reduce_population_count3A {offsets = [0], sizes = [1], strides = [1]} : vector<16xi32> to vector<1xi32>
        %squeeze3A = vector.extract %slice3A[0] : i32 from vector<1xi32>
        %swap3A = arith.constant 0 : index
        %swap3A_224 = tpu.vector_load %arg10[%swap3A] {strides = array<i32>} : memref<32xi32, #tpu.memory_space<vmem>>, vector<16xi32>,
        tpu.vector_store %arg10[%swap3A], %get3A_218 {strides = array<i32>} : memref<32xi32, #tpu.memory_space<vmem>>, vector<16xi32>,
        %while3A_225 = arith.constant 0 : i32
        %while3A_226 = arith.subi %squeeze3A, %while3A_225 : i32
        %while3A_227 = arith.addi %while3A_225, %while3A_226 : i32
        %while3A_228 = arith.constant 1 : i32
        %while3A_229 = arith.divsi %while3A_226, %while3A_228 : i32
        %while3A_230 = arith.muli %while3A_229, %while3A_228 : i32
        %while3A_231 = arith.addi %while3A_225, %while3A_230 : i32
        %while3A_232 = arith.constant 1 : i32
        %while3A_233:2 = scf.for %while3A_236 = %while3A_225 to %while3A_231 step %while3A_232 iter_args(%while3A_237 = %eq3A_223, %while3A_238 = %while3A_212) -> (vector<16xi1>, i32)  : i32 {
          %all_reduce_ffs3A = tpu.all_reduce %while3A_237 {dim = 0 : i64, kind = #tpu.reduction_kind<find_first_set>} : vector<16xi1> -> vector<16xi32>
          %slice3A_239 = vector.extract_strided_slice %all_reduce_ffs3A {offsets = [0], sizes = [1], strides = [1]} : vector<16xi32> to vector<1xi32>
          %squeeze3A_240 = vector.extract %slice3A_239[0] : i32 from vector<1xi32>
          %ge3A = arith.constant 8 : i32
          %ge3A_241 = arith.cmpi sge, %while3A_238, %ge3A : i32
          %convert_element_type3A_242 = arith.extui %ge3A_241 : i1 to i32
          %cond3A_243 = arith.constant 0 : i32
          %cond3A_244 = arith.cmpi ne, %convert_element_type3A_242, %cond3A_243 : i32
          scf.if %cond3A_244 {
            %dma_wait3A_314 = arith.constant 0 : i32
            %dma_wait3A_315 = tpu.memref_slice %arg9[%dma_wait3A_314] : memref<512xf32, #tpu.memory_space<vmem>> -> memref<64xf32, #tpu.memory_space<vmem>>
            %dma_wait3A_316 = arith.constant 0 : i32
            %dma_wait3A_317 = tpu.memref_slice %arg4[%dma_wait3A_316] : memref<2097152xf32, #tpu.memory_space<hbm>> -> memref<64xf32, #tpu.memory_space<hbm>>
            %dma_wait3A_318 = arith.constant 0 : i32
            %dma_wait3A_319 = tpu.memref_slice %arg4[%dma_wait3A_318] : memref<2097152xf32, #tpu.memory_space<hbm>> -> memref<64xf32, #tpu.memory_space<hbm>>
            %dma_wait3A_320 = arith.constant 0 : i32
            %dma_wait3A_321 = tpu.memref_slice %arg9[%dma_wait3A_320] : memref<512xf32, #tpu.memory_space<vmem>> -> memref<64xf32, #tpu.memory_space<vmem>>
            tpu.wait_dma2 semaphore(%arg12 : memref<!tpu.dma_semaphore, #tpu.memory_space<semaphore_mem>>) src(%dma_wait3A_321 : memref<64xf32, #tpu.memory_space<vmem>>) dst(%dma_wait3A_319 : memref<64xf32, #tpu.memory_space<hbm>>)
          } else {
          }
          %get3A_245 = arith.index_cast %squeeze3A_240 : i32 to index
          %get3A_246 = tpu.vector_load %arg10[%get3A_245] {strides = array<i32>} : memref<32xi32, #tpu.memory_space<vmem>>, vector<16xi32>,
          %slice3A_247 = vector.extract_strided_slice %get3A_246 {offsets = [0], sizes = [1], strides = [1]} : vector<16xi32> to vector<1xi32>
          %squeeze3A_248 = vector.extract %slice3A_247[0] : i32 from vector<1xi32>
          %and3A = arith.constant 127 : i32
          %and3A_249 = arith.andi %squeeze3A_248, %and3A : i32
          %shift_right_logical3A_250 = arith.constant 7 : i32
          %shift_right_logical3A_251 = arith.shrui %squeeze3A_248, %shift_right_logical3A_250 : i32
          %and3A_252 = arith.constant 32767 : i32
          %and3A_253 = arith.andi %shift_right_logical3A_251, %and3A_252 : i32
          %rem3A_254 = arith.constant 8 : i32
          %rem3A_255 = arith.remsi %while3A_238, %rem3A_254 : i32
          %broadcast_in_dim3A = vector.broadcast %rem3A_130 : i32 to vector<16xi32>
          %add3A_256 = arith.constant 0 : i32
          %add3A_257 = vector.broadcast %add3A_256 : i32 to vector<16xi32>
          %add3A_258 = arith.addi %iota3A, %add3A_257 : vector<16xi32>
          %broadcast_in_dim3A_259 = vector.broadcast %and3A_249 : i32 to vector<16xi32>
          %gather3A = tpu.vector_load_idx %arg6[%broadcast_in_dim3A, %add3A_258, %broadcast_in_dim3A_259] : memref<4x64x128xf32, #tpu.memory_space<vmem>>[vector<16xi32>, vector<16xi32>, vector<16xi32>], vector<16xf32>,
          %mul3A_260 = arith.constant 64 : i32
          %mul3A_261 = arith.muli %rem3A_255, %mul3A_260 : i32
          %add3A_262 = arith.constant 0 : i32
          %add3A_263 = arith.addi %mul3A_261, %add3A_262 : i32
          %swap3A_264 = arith.index_cast %add3A_263 : i32 to index
          %swap3A_265 = tpu.vector_load %arg9[%swap3A_264] {strides = array<i32>} : memref<512xf32, #tpu.memory_space<vmem>>, vector<16xf32>,
          tpu.vector_store %arg9[%swap3A_264], %gather3A {strides = array<i32>} : memref<512xf32, #tpu.memory_space<vmem>>, vector<16xf32>,
          %broadcast_in_dim3A_266 = vector.broadcast %rem3A_130 : i32 to vector<16xi32>
          %add3A_267 = arith.constant 16 : i32
          %add3A_268 = vector.broadcast %add3A_267 : i32 to vector<16xi32>
          %add3A_269 = arith.addi %iota3A, %add3A_268 : vector<16xi32>
          %broadcast_in_dim3A_270 = vector.broadcast %and3A_249 : i32 to vector<16xi32>
          %gather3A_271 = tpu.vector_load_idx %arg6[%broadcast_in_dim3A_266, %add3A_269, %broadcast_in_dim3A_270] : memref<4x64x128xf32, #tpu.memory_space<vmem>>[vector<16xi32>, vector<16xi32>, vector<16xi32>], vector<16xf32>,
          %mul3A_272 = arith.constant 64 : i32
          %mul3A_273 = arith.muli %rem3A_255, %mul3A_272 : i32
          %add3A_274 = arith.constant 16 : i32
          %add3A_275 = arith.addi %mul3A_273, %add3A_274 : i32
          %swap3A_276 = arith.index_cast %add3A_275 : i32 to index
          %swap3A_277 = tpu.vector_load %arg9[%swap3A_276] {strides = array<i32>} : memref<512xf32, #tpu.memory_space<vmem>>, vector<16xf32>,
          tpu.vector_store %arg9[%swap3A_276], %gather3A_271 {strides = array<i32>} : memref<512xf32, #tpu.memory_space<vmem>>, vector<16xf32>,
          %broadcast_in_dim3A_278 = vector.broadcast %rem3A_130 : i32 to vector<16xi32>
          %add3A_279 = arith.constant 32 : i32
          %add3A_280 = vector.broadcast %add3A_279 : i32 to vector<16xi32>
          %add3A_281 = arith.addi %iota3A, %add3A_280 : vector<16xi32>
          %broadcast_in_dim3A_282 = vector.broadcast %and3A_249 : i32 to vector<16xi32>
          %gather3A_283 = tpu.vector_load_idx %arg6[%broadcast_in_dim3A_278, %add3A_281, %broadcast_in_dim3A_282] : memref<4x64x128xf32, #tpu.memory_space<vmem>>[vector<16xi32>, vector<16xi32>, vector<16xi32>], vector<16xf32>,
          %mul3A_284 = arith.constant 64 : i32
          %mul3A_285 = arith.muli %rem3A_255, %mul3A_284 : i32
          %add3A_286 = arith.constant 32 : i32
          %add3A_287 = arith.addi %mul3A_285, %add3A_286 : i32
          %swap3A_288 = arith.index_cast %add3A_287 : i32 to index
          %swap3A_289 = tpu.vector_load %arg9[%swap3A_288] {strides = array<i32>} : memref<512xf32, #tpu.memory_space<vmem>>, vector<16xf32>,
          tpu.vector_store %arg9[%swap3A_288], %gather3A_283 {strides = array<i32>} : memref<512xf32, #tpu.memory_space<vmem>>, vector<16xf32>,
          %broadcast_in_dim3A_290 = vector.broadcast %rem3A_130 : i32 to vector<16xi32>
          %add3A_291 = arith.constant 48 : i32
          %add3A_292 = vector.broadcast %add3A_291 : i32 to vector<16xi32>
          %add3A_293 = arith.addi %iota3A, %add3A_292 : vector<16xi32>
          %broadcast_in_dim3A_294 = vector.broadcast %and3A_249 : i32 to vector<16xi32>
          %gather3A_295 = tpu.vector_load_idx %arg6[%broadcast_in_dim3A_290, %add3A_293, %broadcast_in_dim3A_294] : memref<4x64x128xf32, #tpu.memory_space<vmem>>[vector<16xi32>, vector<16xi32>, vector<16xi32>], vector<16xf32>,
          %mul3A_296 = arith.constant 64 : i32
          %mul3A_297 = arith.muli %rem3A_255, %mul3A_296 : i32
          %add3A_298 = arith.constant 48 : i32
          %add3A_299 = arith.addi %mul3A_297, %add3A_298 : i32
          %swap3A_300 = arith.index_cast %add3A_299 : i32 to index
          %swap3A_301 = tpu.vector_load %arg9[%swap3A_300] {strides = array<i32>} : memref<512xf32, #tpu.memory_space<vmem>>, vector<16xf32>,
          tpu.vector_store %arg9[%swap3A_300], %gather3A_295 {strides = array<i32>} : memref<512xf32, #tpu.memory_space<vmem>>, vector<16xf32>,
          %mul3A_302 = arith.constant 64 : i32
          %mul3A_303 = arith.muli %rem3A_255, %mul3A_302 : i32
          %mul3A_304 = arith.constant 64 : i32
          %mul3A_305 = arith.muli %and3A_253, %mul3A_304 : i32
          %dma_start3A_306 = tpu.memref_slice %arg9[%mul3A_303] : memref<512xf32, #tpu.memory_space<vmem>> -> memref<64xf32, #tpu.memory_space<vmem>>
          %dma_start3A_307 = tpu.memref_slice %arg4[%mul3A_305] : memref<2097152xf32, #tpu.memory_space<hbm>> -> memref<64xf32, #tpu.memory_space<hbm>>
          %dma_start3A_308 = tpu.memref_slice %arg4[%mul3A_305] : memref<2097152xf32, #tpu.memory_space<hbm>> -> memref<64xf32, #tpu.memory_space<hbm>>
          %dma_start3A_309 = tpu.memref_slice %arg9[%mul3A_303] : memref<512xf32, #tpu.memory_space<vmem>> -> memref<64xf32, #tpu.memory_space<vmem>>
          tpu.enqueue_dma source(%dma_start3A_309 : memref<64xf32, #tpu.memory_space<vmem>>) target(%dma_start3A_308 : memref<64xf32, #tpu.memory_space<hbm>>) target_semaphore(%arg12 : memref<!tpu.dma_semaphore, #tpu.memory_space<semaphore_mem>>)
          %ne3A = vector.broadcast %squeeze3A_240 : i32 to vector<16xi32>
          %ne3A_310 = arith.cmpi ne, %iota3A, %ne3A : vector<16xi32>
          %and3A_311 = arith.andi %while3A_237, %ne3A_310 : vector<16xi1>
          %add3A_312 = arith.constant 1 : i32
          %add3A_313 = arith.addi %while3A_238, %add3A_312 : i32
          scf.yield %and3A_311, %add3A_313 : vector<16xi1>, i32
        }
        %while3A_234 = arith.constant 1 : i32
        %while3A_235:2 = scf.for %while3A_236 = %while3A_231 to %while3A_227 step %while3A_234 iter_args(%while3A_237 = %while3A_233#0, %while3A_238 = %while3A_233#1) -> (vector<16xi1>, i32)  : i32 {
          %all_reduce_ffs3A = tpu.all_reduce %while3A_237 {dim = 0 : i64, kind = #tpu.reduction_kind<find_first_set>} : vector<16xi1> -> vector<16xi32>
          %slice3A_239 = vector.extract_strided_slice %all_reduce_ffs3A {offsets = [0], sizes = [1], strides = [1]} : vector<16xi32> to vector<1xi32>
          %squeeze3A_240 = vector.extract %slice3A_239[0] : i32 from vector<1xi32>
          %ge3A = arith.constant 8 : i32
          %ge3A_241 = arith.cmpi sge, %while3A_238, %ge3A : i32
          %convert_element_type3A_242 = arith.extui %ge3A_241 : i1 to i32
          %cond3A_243 = arith.constant 0 : i32
          %cond3A_244 = arith.cmpi ne, %convert_element_type3A_242, %cond3A_243 : i32
          scf.if %cond3A_244 {
            %dma_wait3A_314 = arith.constant 0 : i32
            %dma_wait3A_315 = tpu.memref_slice %arg9[%dma_wait3A_314] : memref<512xf32, #tpu.memory_space<vmem>> -> memref<64xf32, #tpu.memory_space<vmem>>
            %dma_wait3A_316 = arith.constant 0 : i32
            %dma_wait3A_317 = tpu.memref_slice %arg4[%dma_wait3A_316] : memref<2097152xf32, #tpu.memory_space<hbm>> -> memref<64xf32, #tpu.memory_space<hbm>>
            %dma_wait3A_318 = arith.constant 0 : i32
            %dma_wait3A_319 = tpu.memref_slice %arg4[%dma_wait3A_318] : memref<2097152xf32, #tpu.memory_space<hbm>> -> memref<64xf32, #tpu.memory_space<hbm>>
            %dma_wait3A_320 = arith.constant 0 : i32
            %dma_wait3A_321 = tpu.memref_slice %arg9[%dma_wait3A_320] : memref<512xf32, #tpu.memory_space<vmem>> -> memref<64xf32, #tpu.memory_space<vmem>>
            tpu.wait_dma2 semaphore(%arg12 : memref<!tpu.dma_semaphore, #tpu.memory_space<semaphore_mem>>) src(%dma_wait3A_321 : memref<64xf32, #tpu.memory_space<vmem>>) dst(%dma_wait3A_319 : memref<64xf32, #tpu.memory_space<hbm>>)
          } else {
          }
          %get3A_245 = arith.index_cast %squeeze3A_240 : i32 to index
          %get3A_246 = tpu.vector_load %arg10[%get3A_245] {strides = array<i32>} : memref<32xi32, #tpu.memory_space<vmem>>, vector<16xi32>,
          %slice3A_247 = vector.extract_strided_slice %get3A_246 {offsets = [0], sizes = [1], strides = [1]} : vector<16xi32> to vector<1xi32>
          %squeeze3A_248 = vector.extract %slice3A_247[0] : i32 from vector<1xi32>
          %and3A = arith.constant 127 : i32
          %and3A_249 = arith.andi %squeeze3A_248, %and3A : i32
          %shift_right_logical3A_250 = arith.constant 7 : i32
          %shift_right_logical3A_251 = arith.shrui %squeeze3A_248, %shift_right_logical3A_250 : i32
          %and3A_252 = arith.constant 32767 : i32
          %and3A_253 = arith.andi %shift_right_logical3A_251, %and3A_252 : i32
          %rem3A_254 = arith.constant 8 : i32
          %rem3A_255 = arith.remsi %while3A_238, %rem3A_254 : i32
          %broadcast_in_dim3A = vector.broadcast %rem3A_130 : i32 to vector<16xi32>
          %add3A_256 = arith.constant 0 : i32
          %add3A_257 = vector.broadcast %add3A_256 : i32 to vector<16xi32>
          %add3A_258 = arith.addi %iota3A, %add3A_257 : vector<16xi32>
          %broadcast_in_dim3A_259 = vector.broadcast %and3A_249 : i32 to vector<16xi32>
          %gather3A = tpu.vector_load_idx %arg6[%broadcast_in_dim3A, %add3A_258, %broadcast_in_dim3A_259] : memref<4x64x128xf32, #tpu.memory_space<vmem>>[vector<16xi32>, vector<16xi32>, vector<16xi32>], vector<16xf32>,
          %mul3A_260 = arith.constant 64 : i32
          %mul3A_261 = arith.muli %rem3A_255, %mul3A_260 : i32
          %add3A_262 = arith.constant 0 : i32
          %add3A_263 = arith.addi %mul3A_261, %add3A_262 : i32
          %swap3A_264 = arith.index_cast %add3A_263 : i32 to index
          %swap3A_265 = tpu.vector_load %arg9[%swap3A_264] {strides = array<i32>} : memref<512xf32, #tpu.memory_space<vmem>>, vector<16xf32>,
          tpu.vector_store %arg9[%swap3A_264], %gather3A {strides = array<i32>} : memref<512xf32, #tpu.memory_space<vmem>>, vector<16xf32>,
          %broadcast_in_dim3A_266 = vector.broadcast %rem3A_130 : i32 to vector<16xi32>
          %add3A_267 = arith.constant 16 : i32
          %add3A_268 = vector.broadcast %add3A_267 : i32 to vector<16xi32>
          %add3A_269 = arith.addi %iota3A, %add3A_268 : vector<16xi32>
          %broadcast_in_dim3A_270 = vector.broadcast %and3A_249 : i32 to vector<16xi32>
          %gather3A_271 = tpu.vector_load_idx %arg6[%broadcast_in_dim3A_266, %add3A_269, %broadcast_in_dim3A_270] : memref<4x64x128xf32, #tpu.memory_space<vmem>>[vector<16xi32>, vector<16xi32>, vector<16xi32>], vector<16xf32>,
          %mul3A_272 = arith.constant 64 : i32
          %mul3A_273 = arith.muli %rem3A_255, %mul3A_272 : i32
          %add3A_274 = arith.constant 16 : i32
          %add3A_275 = arith.addi %mul3A_273, %add3A_274 : i32
          %swap3A_276 = arith.index_cast %add3A_275 : i32 to index
          %swap3A_277 = tpu.vector_load %arg9[%swap3A_276] {strides = array<i32>} : memref<512xf32, #tpu.memory_space<vmem>>, vector<16xf32>,
          tpu.vector_store %arg9[%swap3A_276], %gather3A_271 {strides = array<i32>} : memref<512xf32, #tpu.memory_space<vmem>>, vector<16xf32>,
          %broadcast_in_dim3A_278 = vector.broadcast %rem3A_130 : i32 to vector<16xi32>
          %add3A_279 = arith.constant 32 : i32
          %add3A_280 = vector.broadcast %add3A_279 : i32 to vector<16xi32>
          %add3A_281 = arith.addi %iota3A, %add3A_280 : vector<16xi32>
          %broadcast_in_dim3A_282 = vector.broadcast %and3A_249 : i32 to vector<16xi32>
          %gather3A_283 = tpu.vector_load_idx %arg6[%broadcast_in_dim3A_278, %add3A_281, %broadcast_in_dim3A_282] : memref<4x64x128xf32, #tpu.memory_space<vmem>>[vector<16xi32>, vector<16xi32>, vector<16xi32>], vector<16xf32>,
          %mul3A_284 = arith.constant 64 : i32
          %mul3A_285 = arith.muli %rem3A_255, %mul3A_284 : i32
          %add3A_286 = arith.constant 32 : i32
          %add3A_287 = arith.addi %mul3A_285, %add3A_286 : i32
          %swap3A_288 = arith.index_cast %add3A_287 : i32 to index
          %swap3A_289 = tpu.vector_load %arg9[%swap3A_288] {strides = array<i32>} : memref<512xf32, #tpu.memory_space<vmem>>, vector<16xf32>,
          tpu.vector_store %arg9[%swap3A_288], %gather3A_283 {strides = array<i32>} : memref<512xf32, #tpu.memory_space<vmem>>, vector<16xf32>,
          %broadcast_in_dim3A_290 = vector.broadcast %rem3A_130 : i32 to vector<16xi32>
          %add3A_291 = arith.constant 48 : i32
          %add3A_292 = vector.broadcast %add3A_291 : i32 to vector<16xi32>
          %add3A_293 = arith.addi %iota3A, %add3A_292 : vector<16xi32>
          %broadcast_in_dim3A_294 = vector.broadcast %and3A_249 : i32 to vector<16xi32>
          %gather3A_295 = tpu.vector_load_idx %arg6[%broadcast_in_dim3A_290, %add3A_293, %broadcast_in_dim3A_294] : memref<4x64x128xf32, #tpu.memory_space<vmem>>[vector<16xi32>, vector<16xi32>, vector<16xi32>], vector<16xf32>,
          %mul3A_296 = arith.constant 64 : i32
          %mul3A_297 = arith.muli %rem3A_255, %mul3A_296 : i32
          %add3A_298 = arith.constant 48 : i32
          %add3A_299 = arith.addi %mul3A_297, %add3A_298 : i32
          %swap3A_300 = arith.index_cast %add3A_299 : i32 to index
          %swap3A_301 = tpu.vector_load %arg9[%swap3A_300] {strides = array<i32>} : memref<512xf32, #tpu.memory_space<vmem>>, vector<16xf32>,
          tpu.vector_store %arg9[%swap3A_300], %gather3A_295 {strides = array<i32>} : memref<512xf32, #tpu.memory_space<vmem>>, vector<16xf32>,
          %mul3A_302 = arith.constant 64 : i32
          %mul3A_303 = arith.muli %rem3A_255, %mul3A_302 : i32
          %mul3A_304 = arith.constant 64 : i32
          %mul3A_305 = arith.muli %and3A_253, %mul3A_304 : i32
          %dma_start3A_306 = tpu.memref_slice %arg9[%mul3A_303] : memref<512xf32, #tpu.memory_space<vmem>> -> memref<64xf32, #tpu.memory_space<vmem>>
          %dma_start3A_307 = tpu.memref_slice %arg4[%mul3A_305] : memref<2097152xf32, #tpu.memory_space<hbm>> -> memref<64xf32, #tpu.memory_space<hbm>>
          %dma_start3A_308 = tpu.memref_slice %arg4[%mul3A_305] : memref<2097152xf32, #tpu.memory_space<hbm>> -> memref<64xf32, #tpu.memory_space<hbm>>
          %dma_start3A_309 = tpu.memref_slice %arg9[%mul3A_303] : memref<512xf32, #tpu.memory_space<vmem>> -> memref<64xf32, #tpu.memory_space<vmem>>
          tpu.enqueue_dma source(%dma_start3A_309 : memref<64xf32, #tpu.memory_space<vmem>>) target(%dma_start3A_308 : memref<64xf32, #tpu.memory_space<hbm>>) target_semaphore(%arg12 : memref<!tpu.dma_semaphore, #tpu.memory_space<semaphore_mem>>)
          %ne3A = vector.broadcast %squeeze3A_240 : i32 to vector<16xi32>
          %ne3A_310 = arith.cmpi ne, %iota3A, %ne3A : vector<16xi32>
          %and3A_311 = arith.andi %while3A_237, %ne3A_310 : vector<16xi1>
          %add3A_312 = arith.constant 1 : i32
          %add3A_313 = arith.addi %while3A_238, %add3A_312 : i32
          scf.yield %and3A_311, %add3A_313 : vector<16xi1>, i32
        }
        scf.yield %while3A_235#1 : i32
      }
      %while3A_209 = arith.constant 1 : i32
      %while3A_210 = scf.for %while3A_211 = %while3A_206 to %while3A_202 step %while3A_209 iter_args(%while3A_212 = %while3A_208) -> (i32)  : i32 {
        %mul3A_213 = arith.constant 192 : i32
        %mul3A_214 = arith.muli %shift_right_logical3A_150, %mul3A_213 : i32
        %mul3A_215 = arith.constant 16 : i32
        %mul3A_216 = arith.muli %while3A_211, %mul3A_215 : i32
        %add3A_217 = arith.addi %mul3A_214, %mul3A_216 : i32
        %get3A = arith.index_cast %add3A_217 : i32 to index
        %get3A_218 = tpu.vector_load %arg8[%get3A] {strides = array<i32>} : memref<3072xi32, #tpu.memory_space<vmem>>, vector<16xi32>,
        %shift_right_logical3A_219 = arith.constant 22 : i32
        %shift_right_logical3A_220 = vector.broadcast %shift_right_logical3A_219 : i32 to vector<16xi32>
        %shift_right_logical3A_221 = arith.shrui %get3A_218, %shift_right_logical3A_220 : vector<16xi32>
        %eq3A_222 = vector.broadcast %while3A_127 : i32 to vector<16xi32>
        %eq3A_223 = arith.cmpi eq, %shift_right_logical3A_221, %eq3A_222 : vector<16xi32>
        %all_reduce_population_count3A = tpu.all_reduce %eq3A_223 {dim = 0 : i64, kind = #tpu.reduction_kind<sum>} : vector<16xi1> -> vector<16xi32>
        %slice3A = vector.extract_strided_slice %all_reduce_population_count3A {offsets = [0], sizes = [1], strides = [1]} : vector<16xi32> to vector<1xi32>
        %squeeze3A = vector.extract %slice3A[0] : i32 from vector<1xi32>
        %swap3A = arith.constant 0 : index
        %swap3A_224 = tpu.vector_load %arg10[%swap3A] {strides = array<i32>} : memref<32xi32, #tpu.memory_space<vmem>>, vector<16xi32>,
        tpu.vector_store %arg10[%swap3A], %get3A_218 {strides = array<i32>} : memref<32xi32, #tpu.memory_space<vmem>>, vector<16xi32>,
        %while3A_225 = arith.constant 0 : i32
        %while3A_226 = arith.subi %squeeze3A, %while3A_225 : i32
        %while3A_227 = arith.addi %while3A_225, %while3A_226 : i32
        %while3A_228 = arith.constant 1 : i32
        %while3A_229 = arith.divsi %while3A_226, %while3A_228 : i32
        %while3A_230 = arith.muli %while3A_229, %while3A_228 : i32
        %while3A_231 = arith.addi %while3A_225, %while3A_230 : i32
        %while3A_232 = arith.constant 1 : i32
        %while3A_233:2 = scf.for %while3A_236 = %while3A_225 to %while3A_231 step %while3A_232 iter_args(%while3A_237 = %eq3A_223, %while3A_238 = %while3A_212) -> (vector<16xi1>, i32)  : i32 {
          %all_reduce_ffs3A = tpu.all_reduce %while3A_237 {dim = 0 : i64, kind = #tpu.reduction_kind<find_first_set>} : vector<16xi1> -> vector<16xi32>
          %slice3A_239 = vector.extract_strided_slice %all_reduce_ffs3A {offsets = [0], sizes = [1], strides = [1]} : vector<16xi32> to vector<1xi32>
          %squeeze3A_240 = vector.extract %slice3A_239[0] : i32 from vector<1xi32>
          %ge3A = arith.constant 8 : i32
          %ge3A_241 = arith.cmpi sge, %while3A_238, %ge3A : i32
          %convert_element_type3A_242 = arith.extui %ge3A_241 : i1 to i32
          %cond3A_243 = arith.constant 0 : i32
          %cond3A_244 = arith.cmpi ne, %convert_element_type3A_242, %cond3A_243 : i32
          scf.if %cond3A_244 {
            %dma_wait3A_314 = arith.constant 0 : i32
            %dma_wait3A_315 = tpu.memref_slice %arg9[%dma_wait3A_314] : memref<512xf32, #tpu.memory_space<vmem>> -> memref<64xf32, #tpu.memory_space<vmem>>
            %dma_wait3A_316 = arith.constant 0 : i32
            %dma_wait3A_317 = tpu.memref_slice %arg4[%dma_wait3A_316] : memref<2097152xf32, #tpu.memory_space<hbm>> -> memref<64xf32, #tpu.memory_space<hbm>>
            %dma_wait3A_318 = arith.constant 0 : i32
            %dma_wait3A_319 = tpu.memref_slice %arg4[%dma_wait3A_318] : memref<2097152xf32, #tpu.memory_space<hbm>> -> memref<64xf32, #tpu.memory_space<hbm>>
            %dma_wait3A_320 = arith.constant 0 : i32
            %dma_wait3A_321 = tpu.memref_slice %arg9[%dma_wait3A_320] : memref<512xf32, #tpu.memory_space<vmem>> -> memref<64xf32, #tpu.memory_space<vmem>>
            tpu.wait_dma2 semaphore(%arg12 : memref<!tpu.dma_semaphore, #tpu.memory_space<semaphore_mem>>) src(%dma_wait3A_321 : memref<64xf32, #tpu.memory_space<vmem>>) dst(%dma_wait3A_319 : memref<64xf32, #tpu.memory_space<hbm>>)
          } else {
          }
          %get3A_245 = arith.index_cast %squeeze3A_240 : i32 to index
          %get3A_246 = tpu.vector_load %arg10[%get3A_245] {strides = array<i32>} : memref<32xi32, #tpu.memory_space<vmem>>, vector<16xi32>,
          %slice3A_247 = vector.extract_strided_slice %get3A_246 {offsets = [0], sizes = [1], strides = [1]} : vector<16xi32> to vector<1xi32>
          %squeeze3A_248 = vector.extract %slice3A_247[0] : i32 from vector<1xi32>
          %and3A = arith.constant 127 : i32
          %and3A_249 = arith.andi %squeeze3A_248, %and3A : i32
          %shift_right_logical3A_250 = arith.constant 7 : i32
          %shift_right_logical3A_251 = arith.shrui %squeeze3A_248, %shift_right_logical3A_250 : i32
          %and3A_252 = arith.constant 32767 : i32
          %and3A_253 = arith.andi %shift_right_logical3A_251, %and3A_252 : i32
          %rem3A_254 = arith.constant 8 : i32
          %rem3A_255 = arith.remsi %while3A_238, %rem3A_254 : i32
          %broadcast_in_dim3A = vector.broadcast %rem3A_130 : i32 to vector<16xi32>
          %add3A_256 = arith.constant 0 : i32
          %add3A_257 = vector.broadcast %add3A_256 : i32 to vector<16xi32>
          %add3A_258 = arith.addi %iota3A, %add3A_257 : vector<16xi32>
          %broadcast_in_dim3A_259 = vector.broadcast %and3A_249 : i32 to vector<16xi32>
          %gather3A = tpu.vector_load_idx %arg6[%broadcast_in_dim3A, %add3A_258, %broadcast_in_dim3A_259] : memref<4x64x128xf32, #tpu.memory_space<vmem>>[vector<16xi32>, vector<16xi32>, vector<16xi32>], vector<16xf32>,
          %mul3A_260 = arith.constant 64 : i32
          %mul3A_261 = arith.muli %rem3A_255, %mul3A_260 : i32
          %add3A_262 = arith.constant 0 : i32
          %add3A_263 = arith.addi %mul3A_261, %add3A_262 : i32
          %swap3A_264 = arith.index_cast %add3A_263 : i32 to index
          %swap3A_265 = tpu.vector_load %arg9[%swap3A_264] {strides = array<i32>} : memref<512xf32, #tpu.memory_space<vmem>>, vector<16xf32>,
          tpu.vector_store %arg9[%swap3A_264], %gather3A {strides = array<i32>} : memref<512xf32, #tpu.memory_space<vmem>>, vector<16xf32>,
          %broadcast_in_dim3A_266 = vector.broadcast %rem3A_130 : i32 to vector<16xi32>
          %add3A_267 = arith.constant 16 : i32
          %add3A_268 = vector.broadcast %add3A_267 : i32 to vector<16xi32>
          %add3A_269 = arith.addi %iota3A, %add3A_268 : vector<16xi32>
          %broadcast_in_dim3A_270 = vector.broadcast %and3A_249 : i32 to vector<16xi32>
          %gather3A_271 = tpu.vector_load_idx %arg6[%broadcast_in_dim3A_266, %add3A_269, %broadcast_in_dim3A_270] : memref<4x64x128xf32, #tpu.memory_space<vmem>>[vector<16xi32>, vector<16xi32>, vector<16xi32>], vector<16xf32>,
          %mul3A_272 = arith.constant 64 : i32
          %mul3A_273 = arith.muli %rem3A_255, %mul3A_272 : i32
          %add3A_274 = arith.constant 16 : i32
          %add3A_275 = arith.addi %mul3A_273, %add3A_274 : i32
          %swap3A_276 = arith.index_cast %add3A_275 : i32 to index
          %swap3A_277 = tpu.vector_load %arg9[%swap3A_276] {strides = array<i32>} : memref<512xf32, #tpu.memory_space<vmem>>, vector<16xf32>,
          tpu.vector_store %arg9[%swap3A_276], %gather3A_271 {strides = array<i32>} : memref<512xf32, #tpu.memory_space<vmem>>, vector<16xf32>,
          %broadcast_in_dim3A_278 = vector.broadcast %rem3A_130 : i32 to vector<16xi32>
          %add3A_279 = arith.constant 32 : i32
          %add3A_280 = vector.broadcast %add3A_279 : i32 to vector<16xi32>
          %add3A_281 = arith.addi %iota3A, %add3A_280 : vector<16xi32>
          %broadcast_in_dim3A_282 = vector.broadcast %and3A_249 : i32 to vector<16xi32>
          %gather3A_283 = tpu.vector_load_idx %arg6[%broadcast_in_dim3A_278, %add3A_281, %broadcast_in_dim3A_282] : memref<4x64x128xf32, #tpu.memory_space<vmem>>[vector<16xi32>, vector<16xi32>, vector<16xi32>], vector<16xf32>,
          %mul3A_284 = arith.constant 64 : i32
          %mul3A_285 = arith.muli %rem3A_255, %mul3A_284 : i32
          %add3A_286 = arith.constant 32 : i32
          %add3A_287 = arith.addi %mul3A_285, %add3A_286 : i32
          %swap3A_288 = arith.index_cast %add3A_287 : i32 to index
          %swap3A_289 = tpu.vector_load %arg9[%swap3A_288] {strides = array<i32>} : memref<512xf32, #tpu.memory_space<vmem>>, vector<16xf32>,
          tpu.vector_store %arg9[%swap3A_288], %gather3A_283 {strides = array<i32>} : memref<512xf32, #tpu.memory_space<vmem>>, vector<16xf32>,
          %broadcast_in_dim3A_290 = vector.broadcast %rem3A_130 : i32 to vector<16xi32>
          %add3A_291 = arith.constant 48 : i32
          %add3A_292 = vector.broadcast %add3A_291 : i32 to vector<16xi32>
          %add3A_293 = arith.addi %iota3A, %add3A_292 : vector<16xi32>
          %broadcast_in_dim3A_294 = vector.broadcast %and3A_249 : i32 to vector<16xi32>
          %gather3A_295 = tpu.vector_load_idx %arg6[%broadcast_in_dim3A_290, %add3A_293, %broadcast_in_dim3A_294] : memref<4x64x128xf32, #tpu.memory_space<vmem>>[vector<16xi32>, vector<16xi32>, vector<16xi32>], vector<16xf32>,
          %mul3A_296 = arith.constant 64 : i32
          %mul3A_297 = arith.muli %rem3A_255, %mul3A_296 : i32
          %add3A_298 = arith.constant 48 : i32
          %add3A_299 = arith.addi %mul3A_297, %add3A_298 : i32
          %swap3A_300 = arith.index_cast %add3A_299 : i32 to index
          %swap3A_301 = tpu.vector_load %arg9[%swap3A_300] {strides = array<i32>} : memref<512xf32, #tpu.memory_space<vmem>>, vector<16xf32>,
          tpu.vector_store %arg9[%swap3A_300], %gather3A_295 {strides = array<i32>} : memref<512xf32, #tpu.memory_space<vmem>>, vector<16xf32>,
          %mul3A_302 = arith.constant 64 : i32
          %mul3A_303 = arith.muli %rem3A_255, %mul3A_302 : i32
          %mul3A_304 = arith.constant 64 : i32
          %mul3A_305 = arith.muli %and3A_253, %mul3A_304 : i32
          %dma_start3A_306 = tpu.memref_slice %arg9[%mul3A_303] : memref<512xf32, #tpu.memory_space<vmem>> -> memref<64xf32, #tpu.memory_space<vmem>>
          %dma_start3A_307 = tpu.memref_slice %arg4[%mul3A_305] : memref<2097152xf32, #tpu.memory_space<hbm>> -> memref<64xf32, #tpu.memory_space<hbm>>
          %dma_start3A_308 = tpu.memref_slice %arg4[%mul3A_305] : memref<2097152xf32, #tpu.memory_space<hbm>> -> memref<64xf32, #tpu.memory_space<hbm>>
          %dma_start3A_309 = tpu.memref_slice %arg9[%mul3A_303] : memref<512xf32, #tpu.memory_space<vmem>> -> memref<64xf32, #tpu.memory_space<vmem>>
          tpu.enqueue_dma source(%dma_start3A_309 : memref<64xf32, #tpu.memory_space<vmem>>) target(%dma_start3A_308 : memref<64xf32, #tpu.memory_space<hbm>>) target_semaphore(%arg12 : memref<!tpu.dma_semaphore, #tpu.memory_space<semaphore_mem>>)
          %ne3A = vector.broadcast %squeeze3A_240 : i32 to vector<16xi32>
          %ne3A_310 = arith.cmpi ne, %iota3A, %ne3A : vector<16xi32>
          %and3A_311 = arith.andi %while3A_237, %ne3A_310 : vector<16xi1>
          %add3A_312 = arith.constant 1 : i32
          %add3A_313 = arith.addi %while3A_238, %add3A_312 : i32
          scf.yield %and3A_311, %add3A_313 : vector<16xi1>, i32
        }
        %while3A_234 = arith.constant 1 : i32
        %while3A_235:2 = scf.for %while3A_236 = %while3A_231 to %while3A_227 step %while3A_234 iter_args(%while3A_237 = %while3A_233#0, %while3A_238 = %while3A_233#1) -> (vector<16xi1>, i32)  : i32 {
          %all_reduce_ffs3A = tpu.all_reduce %while3A_237 {dim = 0 : i64, kind = #tpu.reduction_kind<find_first_set>} : vector<16xi1> -> vector<16xi32>
          %slice3A_239 = vector.extract_strided_slice %all_reduce_ffs3A {offsets = [0], sizes = [1], strides = [1]} : vector<16xi32> to vector<1xi32>
          %squeeze3A_240 = vector.extract %slice3A_239[0] : i32 from vector<1xi32>
          %ge3A = arith.constant 8 : i32
          %ge3A_241 = arith.cmpi sge, %while3A_238, %ge3A : i32
          %convert_element_type3A_242 = arith.extui %ge3A_241 : i1 to i32
          %cond3A_243 = arith.constant 0 : i32
          %cond3A_244 = arith.cmpi ne, %convert_element_type3A_242, %cond3A_243 : i32
          scf.if %cond3A_244 {
            %dma_wait3A_314 = arith.constant 0 : i32
            %dma_wait3A_315 = tpu.memref_slice %arg9[%dma_wait3A_314] : memref<512xf32, #tpu.memory_space<vmem>> -> memref<64xf32, #tpu.memory_space<vmem>>
            %dma_wait3A_316 = arith.constant 0 : i32
            %dma_wait3A_317 = tpu.memref_slice %arg4[%dma_wait3A_316] : memref<2097152xf32, #tpu.memory_space<hbm>> -> memref<64xf32, #tpu.memory_space<hbm>>
            %dma_wait3A_318 = arith.constant 0 : i32
            %dma_wait3A_319 = tpu.memref_slice %arg4[%dma_wait3A_318] : memref<2097152xf32, #tpu.memory_space<hbm>> -> memref<64xf32, #tpu.memory_space<hbm>>
            %dma_wait3A_320 = arith.constant 0 : i32
            %dma_wait3A_321 = tpu.memref_slice %arg9[%dma_wait3A_320] : memref<512xf32, #tpu.memory_space<vmem>> -> memref<64xf32, #tpu.memory_space<vmem>>
            tpu.wait_dma2 semaphore(%arg12 : memref<!tpu.dma_semaphore, #tpu.memory_space<semaphore_mem>>) src(%dma_wait3A_321 : memref<64xf32, #tpu.memory_space<vmem>>) dst(%dma_wait3A_319 : memref<64xf32, #tpu.memory_space<hbm>>)
          } else {
          }
          %get3A_245 = arith.index_cast %squeeze3A_240 : i32 to index
          %get3A_246 = tpu.vector_load %arg10[%get3A_245] {strides = array<i32>} : memref<32xi32, #tpu.memory_space<vmem>>, vector<16xi32>,
          %slice3A_247 = vector.extract_strided_slice %get3A_246 {offsets = [0], sizes = [1], strides = [1]} : vector<16xi32> to vector<1xi32>
          %squeeze3A_248 = vector.extract %slice3A_247[0] : i32 from vector<1xi32>
          %and3A = arith.constant 127 : i32
          %and3A_249 = arith.andi %squeeze3A_248, %and3A : i32
          %shift_right_logical3A_250 = arith.constant 7 : i32
          %shift_right_logical3A_251 = arith.shrui %squeeze3A_248, %shift_right_logical3A_250 : i32
          %and3A_252 = arith.constant 32767 : i32
          %and3A_253 = arith.andi %shift_right_logical3A_251, %and3A_252 : i32
          %rem3A_254 = arith.constant 8 : i32
          %rem3A_255 = arith.remsi %while3A_238, %rem3A_254 : i32
          %broadcast_in_dim3A = vector.broadcast %rem3A_130 : i32 to vector<16xi32>
          %add3A_256 = arith.constant 0 : i32
          %add3A_257 = vector.broadcast %add3A_256 : i32 to vector<16xi32>
          %add3A_258 = arith.addi %iota3A, %add3A_257 : vector<16xi32>
          %broadcast_in_dim3A_259 = vector.broadcast %and3A_249 : i32 to vector<16xi32>
          %gather3A = tpu.vector_load_idx %arg6[%broadcast_in_dim3A, %add3A_258, %broadcast_in_dim3A_259] : memref<4x64x128xf32, #tpu.memory_space<vmem>>[vector<16xi32>, vector<16xi32>, vector<16xi32>], vector<16xf32>,
          %mul3A_260 = arith.constant 64 : i32
          %mul3A_261 = arith.muli %rem3A_255, %mul3A_260 : i32
          %add3A_262 = arith.constant 0 : i32
          %add3A_263 = arith.addi %mul3A_261, %add3A_262 : i32
          %swap3A_264 = arith.index_cast %add3A_263 : i32 to index
          %swap3A_265 = tpu.vector_load %arg9[%swap3A_264] {strides = array<i32>} : memref<512xf32, #tpu.memory_space<vmem>>, vector<16xf32>,
          tpu.vector_store %arg9[%swap3A_264], %gather3A {strides = array<i32>} : memref<512xf32, #tpu.memory_space<vmem>>, vector<16xf32>,
          %broadcast_in_dim3A_266 = vector.broadcast %rem3A_130 : i32 to vector<16xi32>
          %add3A_267 = arith.constant 16 : i32
          %add3A_268 = vector.broadcast %add3A_267 : i32 to vector<16xi32>
          %add3A_269 = arith.addi %iota3A, %add3A_268 : vector<16xi32>
          %broadcast_in_dim3A_270 = vector.broadcast %and3A_249 : i32 to vector<16xi32>
          %gather3A_271 = tpu.vector_load_idx %arg6[%broadcast_in_dim3A_266, %add3A_269, %broadcast_in_dim3A_270] : memref<4x64x128xf32, #tpu.memory_space<vmem>>[vector<16xi32>, vector<16xi32>, vector<16xi32>], vector<16xf32>,
          %mul3A_272 = arith.constant 64 : i32
          %mul3A_273 = arith.muli %rem3A_255, %mul3A_272 : i32
          %add3A_274 = arith.constant 16 : i32
          %add3A_275 = arith.addi %mul3A_273, %add3A_274 : i32
          %swap3A_276 = arith.index_cast %add3A_275 : i32 to index
          %swap3A_277 = tpu.vector_load %arg9[%swap3A_276] {strides = array<i32>} : memref<512xf32, #tpu.memory_space<vmem>>, vector<16xf32>,
          tpu.vector_store %arg9[%swap3A_276], %gather3A_271 {strides = array<i32>} : memref<512xf32, #tpu.memory_space<vmem>>, vector<16xf32>,
          %broadcast_in_dim3A_278 = vector.broadcast %rem3A_130 : i32 to vector<16xi32>
          %add3A_279 = arith.constant 32 : i32
          %add3A_280 = vector.broadcast %add3A_279 : i32 to vector<16xi32>
          %add3A_281 = arith.addi %iota3A, %add3A_280 : vector<16xi32>
          %broadcast_in_dim3A_282 = vector.broadcast %and3A_249 : i32 to vector<16xi32>
          %gather3A_283 = tpu.vector_load_idx %arg6[%broadcast_in_dim3A_278, %add3A_281, %broadcast_in_dim3A_282] : memref<4x64x128xf32, #tpu.memory_space<vmem>>[vector<16xi32>, vector<16xi32>, vector<16xi32>], vector<16xf32>,
          %mul3A_284 = arith.constant 64 : i32
          %mul3A_285 = arith.muli %rem3A_255, %mul3A_284 : i32
          %add3A_286 = arith.constant 32 : i32
          %add3A_287 = arith.addi %mul3A_285, %add3A_286 : i32
          %swap3A_288 = arith.index_cast %add3A_287 : i32 to index
          %swap3A_289 = tpu.vector_load %arg9[%swap3A_288] {strides = array<i32>} : memref<512xf32, #tpu.memory_space<vmem>>, vector<16xf32>,
          tpu.vector_store %arg9[%swap3A_288], %gather3A_283 {strides = array<i32>} : memref<512xf32, #tpu.memory_space<vmem>>, vector<16xf32>,
          %broadcast_in_dim3A_290 = vector.broadcast %rem3A_130 : i32 to vector<16xi32>
          %add3A_291 = arith.constant 48 : i32
          %add3A_292 = vector.broadcast %add3A_291 : i32 to vector<16xi32>
          %add3A_293 = arith.addi %iota3A, %add3A_292 : vector<16xi32>
          %broadcast_in_dim3A_294 = vector.broadcast %and3A_249 : i32 to vector<16xi32>
          %gather3A_295 = tpu.vector_load_idx %arg6[%broadcast_in_dim3A_290, %add3A_293, %broadcast_in_dim3A_294] : memref<4x64x128xf32, #tpu.memory_space<vmem>>[vector<16xi32>, vector<16xi32>, vector<16xi32>], vector<16xf32>,
          %mul3A_296 = arith.constant 64 : i32
          %mul3A_297 = arith.muli %rem3A_255, %mul3A_296 : i32
          %add3A_298 = arith.constant 48 : i32
          %add3A_299 = arith.addi %mul3A_297, %add3A_298 : i32
          %swap3A_300 = arith.index_cast %add3A_299 : i32 to index
          %swap3A_301 = tpu.vector_load %arg9[%swap3A_300] {strides = array<i32>} : memref<512xf32, #tpu.memory_space<vmem>>, vector<16xf32>,
          tpu.vector_store %arg9[%swap3A_300], %gather3A_295 {strides = array<i32>} : memref<512xf32, #tpu.memory_space<vmem>>, vector<16xf32>,
          %mul3A_302 = arith.constant 64 : i32
          %mul3A_303 = arith.muli %rem3A_255, %mul3A_302 : i32
          %mul3A_304 = arith.constant 64 : i32
          %mul3A_305 = arith.muli %and3A_253, %mul3A_304 : i32
          %dma_start3A_306 = tpu.memref_slice %arg9[%mul3A_303] : memref<512xf32, #tpu.memory_space<vmem>> -> memref<64xf32, #tpu.memory_space<vmem>>
          %dma_start3A_307 = tpu.memref_slice %arg4[%mul3A_305] : memref<2097152xf32, #tpu.memory_space<hbm>> -> memref<64xf32, #tpu.memory_space<hbm>>
          %dma_start3A_308 = tpu.memref_slice %arg4[%mul3A_305] : memref<2097152xf32, #tpu.memory_space<hbm>> -> memref<64xf32, #tpu.memory_space<hbm>>
          %dma_start3A_309 = tpu.memref_slice %arg9[%mul3A_303] : memref<512xf32, #tpu.memory_space<vmem>> -> memref<64xf32, #tpu.memory_space<vmem>>
          tpu.enqueue_dma source(%dma_start3A_309 : memref<64xf32, #tpu.memory_space<vmem>>) target(%dma_start3A_308 : memref<64xf32, #tpu.memory_space<hbm>>) target_semaphore(%arg12 : memref<!tpu.dma_semaphore, #tpu.memory_space<semaphore_mem>>)
          %ne3A = vector.broadcast %squeeze3A_240 : i32 to vector<16xi32>
          %ne3A_310 = arith.cmpi ne, %iota3A, %ne3A : vector<16xi32>
          %and3A_311 = arith.andi %while3A_237, %ne3A_310 : vector<16xi1>
          %add3A_312 = arith.constant 1 : i32
          %add3A_313 = arith.addi %while3A_238, %add3A_312 : i32
          scf.yield %and3A_311, %add3A_313 : vector<16xi1>, i32
        }
        scf.yield %while3A_235#1 : i32
      }
      scf.yield %while3A_210 : i32
    }
    %while3A_113 = arith.constant 1 : i32
    %while3A_114 = scf.for %while3A_127 = %while3A_110 to %while3A_106 step %while3A_113 iter_args(%while3A_128 = %while3A_112) -> (i32)  : i32 {
      %rem3A_129 = arith.constant 4 : i32
      %rem3A_130 = arith.remsi %while3A_127, %rem3A_129 : i32
      %dma_wait3A = arith.constant 0 : i32
      %dma_wait3A_131 = arith.constant 0 : i32
      %dma_wait3A_132 = tpu.memref_slice %arg6[%rem3A_130, %dma_wait3A, %dma_wait3A_131] : memref<4x64x128xf32, #tpu.memory_space<vmem>> -> memref<1x64x128xf32, #tpu.memory_space<vmem>>
      %dma_wait3A_133 = tpu.memref_squeeze %dma_wait3A_132 : memref<1x64x128xf32, #tpu.memory_space<vmem>> -> memref<64x128xf32, #tpu.memory_space<vmem>>
      %dma_wait3A_134 = arith.constant 0 : i32
      %dma_wait3A_135 = arith.constant 0 : i32
      %dma_wait3A_136 = tpu.memref_slice %arg2[%dma_wait3A_134, %dma_wait3A_135] : memref<64x1000000xf32, #tpu.memory_space<hbm>> -> memref<64x128xf32, #tpu.memory_space<hbm>>
      %dma_wait3A_137 = arith.constant 0 : i32
      %dma_wait3A_138 = arith.constant 0 : i32
      %dma_wait3A_139 = tpu.memref_slice %arg6[%rem3A_130, %dma_wait3A_137, %dma_wait3A_138] : memref<4x64x128xf32, #tpu.memory_space<vmem>> -> memref<1x64x128xf32, #tpu.memory_space<vmem>>
      %dma_wait3A_140 = tpu.memref_squeeze %dma_wait3A_139 : memref<1x64x128xf32, #tpu.memory_space<vmem>> -> memref<64x128xf32, #tpu.memory_space<vmem>>
      %dma_wait3A_141 = arith.constant 0 : i32
      %dma_wait3A_142 = arith.constant 0 : i32
      %dma_wait3A_143 = tpu.memref_slice %arg2[%dma_wait3A_141, %dma_wait3A_142] : memref<64x1000000xf32, #tpu.memory_space<hbm>> -> memref<64x128xf32, #tpu.memory_space<hbm>>
      tpu.wait_dma2 semaphore(%arg11 : memref<!tpu.dma_semaphore, #tpu.memory_space<semaphore_mem>>) src(%dma_wait3A_143 : memref<64x128xf32, #tpu.memory_space<hbm>>) dst(%dma_wait3A_140 : memref<64x128xf32, #tpu.memory_space<vmem>>)
      %add3A_144 = arith.constant 4 : i32
      %add3A_145 = arith.addi %while3A_127, %add3A_144 : i32
      %sub3A_146 = arith.constant 1 : i32
      %sub3A_147 = arith.subi %add3A_145, %sub3A_146 : i32
      %lt3A = arith.cmpi slt, %sub3A_147, %min3A_4 : i32
      %convert_element_type3A = arith.extui %lt3A : i1 to i32
      %cond3A = arith.constant 0 : i32
      %cond3A_148 = arith.cmpi ne, %convert_element_type3A, %cond3A : i32
      scf.if %cond3A_148 {
        %add3A_211 = arith.constant 4 : i32
        %add3A_212 = arith.addi %while3A_127, %add3A_211 : i32
        %sub3A_213 = arith.constant 1 : i32
        %sub3A_214 = arith.subi %add3A_212, %sub3A_213 : i32
        %add3A_215 = arith.addi %mul3A_2, %sub3A_214 : i32
        %mul3A_216 = arith.constant 128 : i32
        %mul3A_217 = arith.muli %add3A_215, %mul3A_216 : i32
        %rem3A_218 = arith.constant 4 : i32
        %rem3A_219 = arith.remsi %sub3A_214, %rem3A_218 : i32
        %dma_start3A_220 = arith.constant 0 : i32
        %dma_start3A_221 = arith.constant 0 : i32
        %dma_start3A_222 = tpu.memref_slice %arg6[%rem3A_219, %dma_start3A_220, %dma_start3A_221] : memref<4x64x128xf32, #tpu.memory_space<vmem>> -> memref<1x64x128xf32, #tpu.memory_space<vmem>>
        %dma_start3A_223 = tpu.memref_squeeze %dma_start3A_222 : memref<1x64x128xf32, #tpu.memory_space<vmem>> -> memref<64x128xf32, #tpu.memory_space<vmem>>
        %dma_start3A_224 = arith.constant 0 : i32
        %dma_start3A_225 = tpu.memref_slice %arg2[%dma_start3A_224, %mul3A_217] : memref<64x1000000xf32, #tpu.memory_space<hbm>> -> memref<64x128xf32, #tpu.memory_space<hbm>>
        %dma_start3A_226 = arith.constant 0 : i32
        %dma_start3A_227 = arith.constant 0 : i32
        %dma_start3A_228 = tpu.memref_slice %arg6[%rem3A_219, %dma_start3A_226, %dma_start3A_227] : memref<4x64x128xf32, #tpu.memory_space<vmem>> -> memref<1x64x128xf32, #tpu.memory_space<vmem>>
        %dma_start3A_229 = tpu.memref_squeeze %dma_start3A_228 : memref<1x64x128xf32, #tpu.memory_space<vmem>> -> memref<64x128xf32, #tpu.memory_space<vmem>>
        %dma_start3A_230 = arith.constant 0 : i32
        %dma_start3A_231 = tpu.memref_slice %arg2[%dma_start3A_230, %mul3A_217] : memref<64x1000000xf32, #tpu.memory_space<hbm>> -> memref<64x128xf32, #tpu.memory_space<hbm>>
        tpu.enqueue_dma source(%dma_start3A_231 : memref<64x128xf32, #tpu.memory_space<hbm>>) target(%dma_start3A_229 : memref<64x128xf32, #tpu.memory_space<vmem>>) target_semaphore(%arg11 : memref<!tpu.dma_semaphore, #tpu.memory_space<semaphore_mem>>)
      } else {
      }
      %shift_right_logical3A_149 = arith.constant 4 : i32
      %shift_right_logical3A_150 = arith.shrui %while3A_127, %shift_right_logical3A_149 : i32
      %eq3A = arith.constant 0 : i32
      %eq3A_151 = arith.cmpi eq, %shift_right_logical3A_150, %eq3A : i32
      %select_n3A = arith.select %eq3A_151, %while3A_47#0, %while3A_47#15 : i32
      %eq3A_152 = arith.constant 1 : i32
      %eq3A_153 = arith.cmpi eq, %shift_right_logical3A_150, %eq3A_152 : i32
      %select_n3A_154 = arith.select %eq3A_153, %while3A_47#1, %select_n3A : i32
      %eq3A_155 = arith.constant 2 : i32
      %eq3A_156 = arith.cmpi eq, %shift_right_logical3A_150, %eq3A_155 : i32
      %select_n3A_157 = arith.select %eq3A_156, %while3A_47#2, %select_n3A_154 : i32
      %eq3A_158 = arith.constant 3 : i32
      %eq3A_159 = arith.cmpi eq, %shift_right_logical3A_150, %eq3A_158 : i32
      %select_n3A_160 = arith.select %eq3A_159, %while3A_47#3, %select_n3A_157 : i32
      %eq3A_161 = arith.constant 4 : i32
      %eq3A_162 = arith.cmpi eq, %shift_right_logical3A_150, %eq3A_161 : i32
      %select_n3A_163 = arith.select %eq3A_162, %while3A_47#4, %select_n3A_160 : i32
      %eq3A_164 = arith.constant 5 : i32
      %eq3A_165 = arith.cmpi eq, %shift_right_logical3A_150, %eq3A_164 : i32
      %select_n3A_166 = arith.select %eq3A_165, %while3A_47#5, %select_n3A_163 : i32
      %eq3A_167 = arith.constant 6 : i32
      %eq3A_168 = arith.cmpi eq, %shift_right_logical3A_150, %eq3A_167 : i32
      %select_n3A_169 = arith.select %eq3A_168, %while3A_47#6, %select_n3A_166 : i32
      %eq3A_170 = arith.constant 7 : i32
      %eq3A_171 = arith.cmpi eq, %shift_right_logical3A_150, %eq3A_170 : i32
      %select_n3A_172 = arith.select %eq3A_171, %while3A_47#7, %select_n3A_169 : i32
      %eq3A_173 = arith.constant 8 : i32
      %eq3A_174 = arith.cmpi eq, %shift_right_logical3A_150, %eq3A_173 : i32
      %select_n3A_175 = arith.select %eq3A_174, %while3A_47#8, %select_n3A_172 : i32
      %eq3A_176 = arith.constant 9 : i32
      %eq3A_177 = arith.cmpi eq, %shift_right_logical3A_150, %eq3A_176 : i32
      %select_n3A_178 = arith.select %eq3A_177, %while3A_47#9, %select_n3A_175 : i32
      %eq3A_179 = arith.constant 10 : i32
      %eq3A_180 = arith.cmpi eq, %shift_right_logical3A_150, %eq3A_179 : i32
      %select_n3A_181 = arith.select %eq3A_180, %while3A_47#10, %select_n3A_178 : i32
      %eq3A_182 = arith.constant 11 : i32
      %eq3A_183 = arith.cmpi eq, %shift_right_logical3A_150, %eq3A_182 : i32
      %select_n3A_184 = arith.select %eq3A_183, %while3A_47#11, %select_n3A_181 : i32
      %eq3A_185 = arith.constant 12 : i32
      %eq3A_186 = arith.cmpi eq, %shift_right_logical3A_150, %eq3A_185 : i32
      %select_n3A_187 = arith.select %eq3A_186, %while3A_47#12, %select_n3A_184 : i32
      %eq3A_188 = arith.constant 13 : i32
      %eq3A_189 = arith.cmpi eq, %shift_right_logical3A_150, %eq3A_188 : i32
      %select_n3A_190 = arith.select %eq3A_189, %while3A_47#13, %select_n3A_187 : i32
      %eq3A_191 = arith.constant 14 : i32
      %eq3A_192 = arith.cmpi eq, %shift_right_logical3A_150, %eq3A_191 : i32
      %select_n3A_193 = arith.select %eq3A_192, %while3A_47#14, %select_n3A_190 : i32
      %add3A_194 = arith.constant 16 : i32
      %add3A_195 = arith.addi %select_n3A_193, %add3A_194 : i32
      %sub3A_196 = arith.constant 1 : i32
      %sub3A_197 = arith.subi %add3A_195, %sub3A_196 : i32
      %shift_right_logical3A_198 = arith.constant 4 : i32
      %shift_right_logical3A_199 = arith.shrui %sub3A_197, %shift_right_logical3A_198 : i32
      %while3A_200 = arith.constant 0 : i32
      %while3A_201 = arith.subi %shift_right_logical3A_199, %while3A_200 : i32
      %while3A_202 = arith.addi %while3A_200, %while3A_201 : i32
      %while3A_203 = arith.constant 1 : i32
      %while3A_204 = arith.divsi %while3A_201, %while3A_203 : i32
      %while3A_205 = arith.muli %while3A_204, %while3A_203 : i32
      %while3A_206 = arith.addi %while3A_200, %while3A_205 : i32
      %while3A_207 = arith.constant 1 : i32
      %while3A_208 = scf.for %while3A_211 = %while3A_200 to %while3A_206 step %while3A_207 iter_args(%while3A_212 = %while3A_128) -> (i32)  : i32 {
        %mul3A_213 = arith.constant 192 : i32
        %mul3A_214 = arith.muli %shift_right_logical3A_150, %mul3A_213 : i32
        %mul3A_215 = arith.constant 16 : i32
        %mul3A_216 = arith.muli %while3A_211, %mul3A_215 : i32
        %add3A_217 = arith.addi %mul3A_214, %mul3A_216 : i32
        %get3A = arith.index_cast %add3A_217 : i32 to index
        %get3A_218 = tpu.vector_load %arg8[%get3A] {strides = array<i32>} : memref<3072xi32, #tpu.memory_space<vmem>>, vector<16xi32>,
        %shift_right_logical3A_219 = arith.constant 22 : i32
        %shift_right_logical3A_220 = vector.broadcast %shift_right_logical3A_219 : i32 to vector<16xi32>
        %shift_right_logical3A_221 = arith.shrui %get3A_218, %shift_right_logical3A_220 : vector<16xi32>
        %eq3A_222 = vector.broadcast %while3A_127 : i32 to vector<16xi32>
        %eq3A_223 = arith.cmpi eq, %shift_right_logical3A_221, %eq3A_222 : vector<16xi32>
        %all_reduce_population_count3A = tpu.all_reduce %eq3A_223 {dim = 0 : i64, kind = #tpu.reduction_kind<sum>} : vector<16xi1> -> vector<16xi32>
        %slice3A = vector.extract_strided_slice %all_reduce_population_count3A {offsets = [0], sizes = [1], strides = [1]} : vector<16xi32> to vector<1xi32>
        %squeeze3A = vector.extract %slice3A[0] : i32 from vector<1xi32>
        %swap3A = arith.constant 0 : index
        %swap3A_224 = tpu.vector_load %arg10[%swap3A] {strides = array<i32>} : memref<32xi32, #tpu.memory_space<vmem>>, vector<16xi32>,
        tpu.vector_store %arg10[%swap3A], %get3A_218 {strides = array<i32>} : memref<32xi32, #tpu.memory_space<vmem>>, vector<16xi32>,
        %while3A_225 = arith.constant 0 : i32
        %while3A_226 = arith.subi %squeeze3A, %while3A_225 : i32
        %while3A_227 = arith.addi %while3A_225, %while3A_226 : i32
        %while3A_228 = arith.constant 1 : i32
        %while3A_229 = arith.divsi %while3A_226, %while3A_228 : i32
        %while3A_230 = arith.muli %while3A_229, %while3A_228 : i32
        %while3A_231 = arith.addi %while3A_225, %while3A_230 : i32
        %while3A_232 = arith.constant 1 : i32
        %while3A_233:2 = scf.for %while3A_236 = %while3A_225 to %while3A_231 step %while3A_232 iter_args(%while3A_237 = %eq3A_223, %while3A_238 = %while3A_212) -> (vector<16xi1>, i32)  : i32 {
          %all_reduce_ffs3A = tpu.all_reduce %while3A_237 {dim = 0 : i64, kind = #tpu.reduction_kind<find_first_set>} : vector<16xi1> -> vector<16xi32>
          %slice3A_239 = vector.extract_strided_slice %all_reduce_ffs3A {offsets = [0], sizes = [1], strides = [1]} : vector<16xi32> to vector<1xi32>
          %squeeze3A_240 = vector.extract %slice3A_239[0] : i32 from vector<1xi32>
          %ge3A = arith.constant 8 : i32
          %ge3A_241 = arith.cmpi sge, %while3A_238, %ge3A : i32
          %convert_element_type3A_242 = arith.extui %ge3A_241 : i1 to i32
          %cond3A_243 = arith.constant 0 : i32
          %cond3A_244 = arith.cmpi ne, %convert_element_type3A_242, %cond3A_243 : i32
          scf.if %cond3A_244 {
            %dma_wait3A_314 = arith.constant 0 : i32
            %dma_wait3A_315 = tpu.memref_slice %arg9[%dma_wait3A_314] : memref<512xf32, #tpu.memory_space<vmem>> -> memref<64xf32, #tpu.memory_space<vmem>>
            %dma_wait3A_316 = arith.constant 0 : i32
            %dma_wait3A_317 = tpu.memref_slice %arg4[%dma_wait3A_316] : memref<2097152xf32, #tpu.memory_space<hbm>> -> memref<64xf32, #tpu.memory_space<hbm>>
            %dma_wait3A_318 = arith.constant 0 : i32
            %dma_wait3A_319 = tpu.memref_slice %arg4[%dma_wait3A_318] : memref<2097152xf32, #tpu.memory_space<hbm>> -> memref<64xf32, #tpu.memory_space<hbm>>
            %dma_wait3A_320 = arith.constant 0 : i32
            %dma_wait3A_321 = tpu.memref_slice %arg9[%dma_wait3A_320] : memref<512xf32, #tpu.memory_space<vmem>> -> memref<64xf32, #tpu.memory_space<vmem>>
            tpu.wait_dma2 semaphore(%arg12 : memref<!tpu.dma_semaphore, #tpu.memory_space<semaphore_mem>>) src(%dma_wait3A_321 : memref<64xf32, #tpu.memory_space<vmem>>) dst(%dma_wait3A_319 : memref<64xf32, #tpu.memory_space<hbm>>)
          } else {
          }
          %get3A_245 = arith.index_cast %squeeze3A_240 : i32 to index
          %get3A_246 = tpu.vector_load %arg10[%get3A_245] {strides = array<i32>} : memref<32xi32, #tpu.memory_space<vmem>>, vector<16xi32>,
          %slice3A_247 = vector.extract_strided_slice %get3A_246 {offsets = [0], sizes = [1], strides = [1]} : vector<16xi32> to vector<1xi32>
          %squeeze3A_248 = vector.extract %slice3A_247[0] : i32 from vector<1xi32>
          %and3A = arith.constant 127 : i32
          %and3A_249 = arith.andi %squeeze3A_248, %and3A : i32
          %shift_right_logical3A_250 = arith.constant 7 : i32
          %shift_right_logical3A_251 = arith.shrui %squeeze3A_248, %shift_right_logical3A_250 : i32
          %and3A_252 = arith.constant 32767 : i32
          %and3A_253 = arith.andi %shift_right_logical3A_251, %and3A_252 : i32
          %rem3A_254 = arith.constant 8 : i32
          %rem3A_255 = arith.remsi %while3A_238, %rem3A_254 : i32
          %broadcast_in_dim3A = vector.broadcast %rem3A_130 : i32 to vector<16xi32>
          %add3A_256 = arith.constant 0 : i32
          %add3A_257 = vector.broadcast %add3A_256 : i32 to vector<16xi32>
          %add3A_258 = arith.addi %iota3A, %add3A_257 : vector<16xi32>
          %broadcast_in_dim3A_259 = vector.broadcast %and3A_249 : i32 to vector<16xi32>
          %gather3A = tpu.vector_load_idx %arg6[%broadcast_in_dim3A, %add3A_258, %broadcast_in_dim3A_259] : memref<4x64x128xf32, #tpu.memory_space<vmem>>[vector<16xi32>, vector<16xi32>, vector<16xi32>], vector<16xf32>,
          %mul3A_260 = arith.constant 64 : i32
          %mul3A_261 = arith.muli %rem3A_255, %mul3A_260 : i32
          %add3A_262 = arith.constant 0 : i32
          %add3A_263 = arith.addi %mul3A_261, %add3A_262 : i32
          %swap3A_264 = arith.index_cast %add3A_263 : i32 to index
          %swap3A_265 = tpu.vector_load %arg9[%swap3A_264] {strides = array<i32>} : memref<512xf32, #tpu.memory_space<vmem>>, vector<16xf32>,
          tpu.vector_store %arg9[%swap3A_264], %gather3A {strides = array<i32>} : memref<512xf32, #tpu.memory_space<vmem>>, vector<16xf32>,
          %broadcast_in_dim3A_266 = vector.broadcast %rem3A_130 : i32 to vector<16xi32>
          %add3A_267 = arith.constant 16 : i32
          %add3A_268 = vector.broadcast %add3A_267 : i32 to vector<16xi32>
          %add3A_269 = arith.addi %iota3A, %add3A_268 : vector<16xi32>
          %broadcast_in_dim3A_270 = vector.broadcast %and3A_249 : i32 to vector<16xi32>
          %gather3A_271 = tpu.vector_load_idx %arg6[%broadcast_in_dim3A_266, %add3A_269, %broadcast_in_dim3A_270] : memref<4x64x128xf32, #tpu.memory_space<vmem>>[vector<16xi32>, vector<16xi32>, vector<16xi32>], vector<16xf32>,
          %mul3A_272 = arith.constant 64 : i32
          %mul3A_273 = arith.muli %rem3A_255, %mul3A_272 : i32
          %add3A_274 = arith.constant 16 : i32
          %add3A_275 = arith.addi %mul3A_273, %add3A_274 : i32
          %swap3A_276 = arith.index_cast %add3A_275 : i32 to index
          %swap3A_277 = tpu.vector_load %arg9[%swap3A_276] {strides = array<i32>} : memref<512xf32, #tpu.memory_space<vmem>>, vector<16xf32>,
          tpu.vector_store %arg9[%swap3A_276], %gather3A_271 {strides = array<i32>} : memref<512xf32, #tpu.memory_space<vmem>>, vector<16xf32>,
          %broadcast_in_dim3A_278 = vector.broadcast %rem3A_130 : i32 to vector<16xi32>
          %add3A_279 = arith.constant 32 : i32
          %add3A_280 = vector.broadcast %add3A_279 : i32 to vector<16xi32>
          %add3A_281 = arith.addi %iota3A, %add3A_280 : vector<16xi32>
          %broadcast_in_dim3A_282 = vector.broadcast %and3A_249 : i32 to vector<16xi32>
          %gather3A_283 = tpu.vector_load_idx %arg6[%broadcast_in_dim3A_278, %add3A_281, %broadcast_in_dim3A_282] : memref<4x64x128xf32, #tpu.memory_space<vmem>>[vector<16xi32>, vector<16xi32>, vector<16xi32>], vector<16xf32>,
          %mul3A_284 = arith.constant 64 : i32
          %mul3A_285 = arith.muli %rem3A_255, %mul3A_284 : i32
          %add3A_286 = arith.constant 32 : i32
          %add3A_287 = arith.addi %mul3A_285, %add3A_286 : i32
          %swap3A_288 = arith.index_cast %add3A_287 : i32 to index
          %swap3A_289 = tpu.vector_load %arg9[%swap3A_288] {strides = array<i32>} : memref<512xf32, #tpu.memory_space<vmem>>, vector<16xf32>,
          tpu.vector_store %arg9[%swap3A_288], %gather3A_283 {strides = array<i32>} : memref<512xf32, #tpu.memory_space<vmem>>, vector<16xf32>,
          %broadcast_in_dim3A_290 = vector.broadcast %rem3A_130 : i32 to vector<16xi32>
          %add3A_291 = arith.constant 48 : i32
          %add3A_292 = vector.broadcast %add3A_291 : i32 to vector<16xi32>
          %add3A_293 = arith.addi %iota3A, %add3A_292 : vector<16xi32>
          %broadcast_in_dim3A_294 = vector.broadcast %and3A_249 : i32 to vector<16xi32>
          %gather3A_295 = tpu.vector_load_idx %arg6[%broadcast_in_dim3A_290, %add3A_293, %broadcast_in_dim3A_294] : memref<4x64x128xf32, #tpu.memory_space<vmem>>[vector<16xi32>, vector<16xi32>, vector<16xi32>], vector<16xf32>,
          %mul3A_296 = arith.constant 64 : i32
          %mul3A_297 = arith.muli %rem3A_255, %mul3A_296 : i32
          %add3A_298 = arith.constant 48 : i32
          %add3A_299 = arith.addi %mul3A_297, %add3A_298 : i32
          %swap3A_300 = arith.index_cast %add3A_299 : i32 to index
          %swap3A_301 = tpu.vector_load %arg9[%swap3A_300] {strides = array<i32>} : memref<512xf32, #tpu.memory_space<vmem>>, vector<16xf32>,
          tpu.vector_store %arg9[%swap3A_300], %gather3A_295 {strides = array<i32>} : memref<512xf32, #tpu.memory_space<vmem>>, vector<16xf32>,
          %mul3A_302 = arith.constant 64 : i32
          %mul3A_303 = arith.muli %rem3A_255, %mul3A_302 : i32
          %mul3A_304 = arith.constant 64 : i32
          %mul3A_305 = arith.muli %and3A_253, %mul3A_304 : i32
          %dma_start3A_306 = tpu.memref_slice %arg9[%mul3A_303] : memref<512xf32, #tpu.memory_space<vmem>> -> memref<64xf32, #tpu.memory_space<vmem>>
          %dma_start3A_307 = tpu.memref_slice %arg4[%mul3A_305] : memref<2097152xf32, #tpu.memory_space<hbm>> -> memref<64xf32, #tpu.memory_space<hbm>>
          %dma_start3A_308 = tpu.memref_slice %arg4[%mul3A_305] : memref<2097152xf32, #tpu.memory_space<hbm>> -> memref<64xf32, #tpu.memory_space<hbm>>
          %dma_start3A_309 = tpu.memref_slice %arg9[%mul3A_303] : memref<512xf32, #tpu.memory_space<vmem>> -> memref<64xf32, #tpu.memory_space<vmem>>
          tpu.enqueue_dma source(%dma_start3A_309 : memref<64xf32, #tpu.memory_space<vmem>>) target(%dma_start3A_308 : memref<64xf32, #tpu.memory_space<hbm>>) target_semaphore(%arg12 : memref<!tpu.dma_semaphore, #tpu.memory_space<semaphore_mem>>)
          %ne3A = vector.broadcast %squeeze3A_240 : i32 to vector<16xi32>
          %ne3A_310 = arith.cmpi ne, %iota3A, %ne3A : vector<16xi32>
          %and3A_311 = arith.andi %while3A_237, %ne3A_310 : vector<16xi1>
          %add3A_312 = arith.constant 1 : i32
          %add3A_313 = arith.addi %while3A_238, %add3A_312 : i32
          scf.yield %and3A_311, %add3A_313 : vector<16xi1>, i32
        }
        %while3A_234 = arith.constant 1 : i32
        %while3A_235:2 = scf.for %while3A_236 = %while3A_231 to %while3A_227 step %while3A_234 iter_args(%while3A_237 = %while3A_233#0, %while3A_238 = %while3A_233#1) -> (vector<16xi1>, i32)  : i32 {
          %all_reduce_ffs3A = tpu.all_reduce %while3A_237 {dim = 0 : i64, kind = #tpu.reduction_kind<find_first_set>} : vector<16xi1> -> vector<16xi32>
          %slice3A_239 = vector.extract_strided_slice %all_reduce_ffs3A {offsets = [0], sizes = [1], strides = [1]} : vector<16xi32> to vector<1xi32>
          %squeeze3A_240 = vector.extract %slice3A_239[0] : i32 from vector<1xi32>
          %ge3A = arith.constant 8 : i32
          %ge3A_241 = arith.cmpi sge, %while3A_238, %ge3A : i32
          %convert_element_type3A_242 = arith.extui %ge3A_241 : i1 to i32
          %cond3A_243 = arith.constant 0 : i32
          %cond3A_244 = arith.cmpi ne, %convert_element_type3A_242, %cond3A_243 : i32
          scf.if %cond3A_244 {
            %dma_wait3A_314 = arith.constant 0 : i32
            %dma_wait3A_315 = tpu.memref_slice %arg9[%dma_wait3A_314] : memref<512xf32, #tpu.memory_space<vmem>> -> memref<64xf32, #tpu.memory_space<vmem>>
            %dma_wait3A_316 = arith.constant 0 : i32
            %dma_wait3A_317 = tpu.memref_slice %arg4[%dma_wait3A_316] : memref<2097152xf32, #tpu.memory_space<hbm>> -> memref<64xf32, #tpu.memory_space<hbm>>
            %dma_wait3A_318 = arith.constant 0 : i32
            %dma_wait3A_319 = tpu.memref_slice %arg4[%dma_wait3A_318] : memref<2097152xf32, #tpu.memory_space<hbm>> -> memref<64xf32, #tpu.memory_space<hbm>>
            %dma_wait3A_320 = arith.constant 0 : i32
            %dma_wait3A_321 = tpu.memref_slice %arg9[%dma_wait3A_320] : memref<512xf32, #tpu.memory_space<vmem>> -> memref<64xf32, #tpu.memory_space<vmem>>
            tpu.wait_dma2 semaphore(%arg12 : memref<!tpu.dma_semaphore, #tpu.memory_space<semaphore_mem>>) src(%dma_wait3A_321 : memref<64xf32, #tpu.memory_space<vmem>>) dst(%dma_wait3A_319 : memref<64xf32, #tpu.memory_space<hbm>>)
          } else {
          }
          %get3A_245 = arith.index_cast %squeeze3A_240 : i32 to index
          %get3A_246 = tpu.vector_load %arg10[%get3A_245] {strides = array<i32>} : memref<32xi32, #tpu.memory_space<vmem>>, vector<16xi32>,
          %slice3A_247 = vector.extract_strided_slice %get3A_246 {offsets = [0], sizes = [1], strides = [1]} : vector<16xi32> to vector<1xi32>
          %squeeze3A_248 = vector.extract %slice3A_247[0] : i32 from vector<1xi32>
          %and3A = arith.constant 127 : i32
          %and3A_249 = arith.andi %squeeze3A_248, %and3A : i32
          %shift_right_logical3A_250 = arith.constant 7 : i32
          %shift_right_logical3A_251 = arith.shrui %squeeze3A_248, %shift_right_logical3A_250 : i32
          %and3A_252 = arith.constant 32767 : i32
          %and3A_253 = arith.andi %shift_right_logical3A_251, %and3A_252 : i32
          %rem3A_254 = arith.constant 8 : i32
          %rem3A_255 = arith.remsi %while3A_238, %rem3A_254 : i32
          %broadcast_in_dim3A = vector.broadcast %rem3A_130 : i32 to vector<16xi32>
          %add3A_256 = arith.constant 0 : i32
          %add3A_257 = vector.broadcast %add3A_256 : i32 to vector<16xi32>
          %add3A_258 = arith.addi %iota3A, %add3A_257 : vector<16xi32>
          %broadcast_in_dim3A_259 = vector.broadcast %and3A_249 : i32 to vector<16xi32>
          %gather3A = tpu.vector_load_idx %arg6[%broadcast_in_dim3A, %add3A_258, %broadcast_in_dim3A_259] : memref<4x64x128xf32, #tpu.memory_space<vmem>>[vector<16xi32>, vector<16xi32>, vector<16xi32>], vector<16xf32>,
          %mul3A_260 = arith.constant 64 : i32
          %mul3A_261 = arith.muli %rem3A_255, %mul3A_260 : i32
          %add3A_262 = arith.constant 0 : i32
          %add3A_263 = arith.addi %mul3A_261, %add3A_262 : i32
          %swap3A_264 = arith.index_cast %add3A_263 : i32 to index
          %swap3A_265 = tpu.vector_load %arg9[%swap3A_264] {strides = array<i32>} : memref<512xf32, #tpu.memory_space<vmem>>, vector<16xf32>,
          tpu.vector_store %arg9[%swap3A_264], %gather3A {strides = array<i32>} : memref<512xf32, #tpu.memory_space<vmem>>, vector<16xf32>,
          %broadcast_in_dim3A_266 = vector.broadcast %rem3A_130 : i32 to vector<16xi32>
          %add3A_267 = arith.constant 16 : i32
          %add3A_268 = vector.broadcast %add3A_267 : i32 to vector<16xi32>
          %add3A_269 = arith.addi %iota3A, %add3A_268 : vector<16xi32>
          %broadcast_in_dim3A_270 = vector.broadcast %and3A_249 : i32 to vector<16xi32>
          %gather3A_271 = tpu.vector_load_idx %arg6[%broadcast_in_dim3A_266, %add3A_269, %broadcast_in_dim3A_270] : memref<4x64x128xf32, #tpu.memory_space<vmem>>[vector<16xi32>, vector<16xi32>, vector<16xi32>], vector<16xf32>,
          %mul3A_272 = arith.constant 64 : i32
          %mul3A_273 = arith.muli %rem3A_255, %mul3A_272 : i32
          %add3A_274 = arith.constant 16 : i32
          %add3A_275 = arith.addi %mul3A_273, %add3A_274 : i32
          %swap3A_276 = arith.index_cast %add3A_275 : i32 to index
          %swap3A_277 = tpu.vector_load %arg9[%swap3A_276] {strides = array<i32>} : memref<512xf32, #tpu.memory_space<vmem>>, vector<16xf32>,
          tpu.vector_store %arg9[%swap3A_276], %gather3A_271 {strides = array<i32>} : memref<512xf32, #tpu.memory_space<vmem>>, vector<16xf32>,
          %broadcast_in_dim3A_278 = vector.broadcast %rem3A_130 : i32 to vector<16xi32>
          %add3A_279 = arith.constant 32 : i32
          %add3A_280 = vector.broadcast %add3A_279 : i32 to vector<16xi32>
          %add3A_281 = arith.addi %iota3A, %add3A_280 : vector<16xi32>
          %broadcast_in_dim3A_282 = vector.broadcast %and3A_249 : i32 to vector<16xi32>
          %gather3A_283 = tpu.vector_load_idx %arg6[%broadcast_in_dim3A_278, %add3A_281, %broadcast_in_dim3A_282] : memref<4x64x128xf32, #tpu.memory_space<vmem>>[vector<16xi32>, vector<16xi32>, vector<16xi32>], vector<16xf32>,
          %mul3A_284 = arith.constant 64 : i32
          %mul3A_285 = arith.muli %rem3A_255, %mul3A_284 : i32
          %add3A_286 = arith.constant 32 : i32
          %add3A_287 = arith.addi %mul3A_285, %add3A_286 : i32
          %swap3A_288 = arith.index_cast %add3A_287 : i32 to index
          %swap3A_289 = tpu.vector_load %arg9[%swap3A_288] {strides = array<i32>} : memref<512xf32, #tpu.memory_space<vmem>>, vector<16xf32>,
          tpu.vector_store %arg9[%swap3A_288], %gather3A_283 {strides = array<i32>} : memref<512xf32, #tpu.memory_space<vmem>>, vector<16xf32>,
          %broadcast_in_dim3A_290 = vector.broadcast %rem3A_130 : i32 to vector<16xi32>
          %add3A_291 = arith.constant 48 : i32
          %add3A_292 = vector.broadcast %add3A_291 : i32 to vector<16xi32>
          %add3A_293 = arith.addi %iota3A, %add3A_292 : vector<16xi32>
          %broadcast_in_dim3A_294 = vector.broadcast %and3A_249 : i32 to vector<16xi32>
          %gather3A_295 = tpu.vector_load_idx %arg6[%broadcast_in_dim3A_290, %add3A_293, %broadcast_in_dim3A_294] : memref<4x64x128xf32, #tpu.memory_space<vmem>>[vector<16xi32>, vector<16xi32>, vector<16xi32>], vector<16xf32>,
          %mul3A_296 = arith.constant 64 : i32
          %mul3A_297 = arith.muli %rem3A_255, %mul3A_296 : i32
          %add3A_298 = arith.constant 48 : i32
          %add3A_299 = arith.addi %mul3A_297, %add3A_298 : i32
          %swap3A_300 = arith.index_cast %add3A_299 : i32 to index
          %swap3A_301 = tpu.vector_load %arg9[%swap3A_300] {strides = array<i32>} : memref<512xf32, #tpu.memory_space<vmem>>, vector<16xf32>,
          tpu.vector_store %arg9[%swap3A_300], %gather3A_295 {strides = array<i32>} : memref<512xf32, #tpu.memory_space<vmem>>, vector<16xf32>,
          %mul3A_302 = arith.constant 64 : i32
          %mul3A_303 = arith.muli %rem3A_255, %mul3A_302 : i32
          %mul3A_304 = arith.constant 64 : i32
          %mul3A_305 = arith.muli %and3A_253, %mul3A_304 : i32
          %dma_start3A_306 = tpu.memref_slice %arg9[%mul3A_303] : memref<512xf32, #tpu.memory_space<vmem>> -> memref<64xf32, #tpu.memory_space<vmem>>
          %dma_start3A_307 = tpu.memref_slice %arg4[%mul3A_305] : memref<2097152xf32, #tpu.memory_space<hbm>> -> memref<64xf32, #tpu.memory_space<hbm>>
          %dma_start3A_308 = tpu.memref_slice %arg4[%mul3A_305] : memref<2097152xf32, #tpu.memory_space<hbm>> -> memref<64xf32, #tpu.memory_space<hbm>>
          %dma_start3A_309 = tpu.memref_slice %arg9[%mul3A_303] : memref<512xf32, #tpu.memory_space<vmem>> -> memref<64xf32, #tpu.memory_space<vmem>>
          tpu.enqueue_dma source(%dma_start3A_309 : memref<64xf32, #tpu.memory_space<vmem>>) target(%dma_start3A_308 : memref<64xf32, #tpu.memory_space<hbm>>) target_semaphore(%arg12 : memref<!tpu.dma_semaphore, #tpu.memory_space<semaphore_mem>>)
          %ne3A = vector.broadcast %squeeze3A_240 : i32 to vector<16xi32>
          %ne3A_310 = arith.cmpi ne, %iota3A, %ne3A : vector<16xi32>
          %and3A_311 = arith.andi %while3A_237, %ne3A_310 : vector<16xi1>
          %add3A_312 = arith.constant 1 : i32
          %add3A_313 = arith.addi %while3A_238, %add3A_312 : i32
          scf.yield %and3A_311, %add3A_313 : vector<16xi1>, i32
        }
        scf.yield %while3A_235#1 : i32
      }
      %while3A_209 = arith.constant 1 : i32
      %while3A_210 = scf.for %while3A_211 = %while3A_206 to %while3A_202 step %while3A_209 iter_args(%while3A_212 = %while3A_208) -> (i32)  : i32 {
        %mul3A_213 = arith.constant 192 : i32
        %mul3A_214 = arith.muli %shift_right_logical3A_150, %mul3A_213 : i32
        %mul3A_215 = arith.constant 16 : i32
        %mul3A_216 = arith.muli %while3A_211, %mul3A_215 : i32
        %add3A_217 = arith.addi %mul3A_214, %mul3A_216 : i32
        %get3A = arith.index_cast %add3A_217 : i32 to index
        %get3A_218 = tpu.vector_load %arg8[%get3A] {strides = array<i32>} : memref<3072xi32, #tpu.memory_space<vmem>>, vector<16xi32>,
        %shift_right_logical3A_219 = arith.constant 22 : i32
        %shift_right_logical3A_220 = vector.broadcast %shift_right_logical3A_219 : i32 to vector<16xi32>
        %shift_right_logical3A_221 = arith.shrui %get3A_218, %shift_right_logical3A_220 : vector<16xi32>
        %eq3A_222 = vector.broadcast %while3A_127 : i32 to vector<16xi32>
        %eq3A_223 = arith.cmpi eq, %shift_right_logical3A_221, %eq3A_222 : vector<16xi32>
        %all_reduce_population_count3A = tpu.all_reduce %eq3A_223 {dim = 0 : i64, kind = #tpu.reduction_kind<sum>} : vector<16xi1> -> vector<16xi32>
        %slice3A = vector.extract_strided_slice %all_reduce_population_count3A {offsets = [0], sizes = [1], strides = [1]} : vector<16xi32> to vector<1xi32>
        %squeeze3A = vector.extract %slice3A[0] : i32 from vector<1xi32>
        %swap3A = arith.constant 0 : index
        %swap3A_224 = tpu.vector_load %arg10[%swap3A] {strides = array<i32>} : memref<32xi32, #tpu.memory_space<vmem>>, vector<16xi32>,
        tpu.vector_store %arg10[%swap3A], %get3A_218 {strides = array<i32>} : memref<32xi32, #tpu.memory_space<vmem>>, vector<16xi32>,
        %while3A_225 = arith.constant 0 : i32
        %while3A_226 = arith.subi %squeeze3A, %while3A_225 : i32
        %while3A_227 = arith.addi %while3A_225, %while3A_226 : i32
        %while3A_228 = arith.constant 1 : i32
        %while3A_229 = arith.divsi %while3A_226, %while3A_228 : i32
        %while3A_230 = arith.muli %while3A_229, %while3A_228 : i32
        %while3A_231 = arith.addi %while3A_225, %while3A_230 : i32
        %while3A_232 = arith.constant 1 : i32
        %while3A_233:2 = scf.for %while3A_236 = %while3A_225 to %while3A_231 step %while3A_232 iter_args(%while3A_237 = %eq3A_223, %while3A_238 = %while3A_212) -> (vector<16xi1>, i32)  : i32 {
          %all_reduce_ffs3A = tpu.all_reduce %while3A_237 {dim = 0 : i64, kind = #tpu.reduction_kind<find_first_set>} : vector<16xi1> -> vector<16xi32>
          %slice3A_239 = vector.extract_strided_slice %all_reduce_ffs3A {offsets = [0], sizes = [1], strides = [1]} : vector<16xi32> to vector<1xi32>
          %squeeze3A_240 = vector.extract %slice3A_239[0] : i32 from vector<1xi32>
          %ge3A = arith.constant 8 : i32
          %ge3A_241 = arith.cmpi sge, %while3A_238, %ge3A : i32
          %convert_element_type3A_242 = arith.extui %ge3A_241 : i1 to i32
          %cond3A_243 = arith.constant 0 : i32
          %cond3A_244 = arith.cmpi ne, %convert_element_type3A_242, %cond3A_243 : i32
          scf.if %cond3A_244 {
            %dma_wait3A_314 = arith.constant 0 : i32
            %dma_wait3A_315 = tpu.memref_slice %arg9[%dma_wait3A_314] : memref<512xf32, #tpu.memory_space<vmem>> -> memref<64xf32, #tpu.memory_space<vmem>>
            %dma_wait3A_316 = arith.constant 0 : i32
            %dma_wait3A_317 = tpu.memref_slice %arg4[%dma_wait3A_316] : memref<2097152xf32, #tpu.memory_space<hbm>> -> memref<64xf32, #tpu.memory_space<hbm>>
            %dma_wait3A_318 = arith.constant 0 : i32
            %dma_wait3A_319 = tpu.memref_slice %arg4[%dma_wait3A_318] : memref<2097152xf32, #tpu.memory_space<hbm>> -> memref<64xf32, #tpu.memory_space<hbm>>
            %dma_wait3A_320 = arith.constant 0 : i32
            %dma_wait3A_321 = tpu.memref_slice %arg9[%dma_wait3A_320] : memref<512xf32, #tpu.memory_space<vmem>> -> memref<64xf32, #tpu.memory_space<vmem>>
            tpu.wait_dma2 semaphore(%arg12 : memref<!tpu.dma_semaphore, #tpu.memory_space<semaphore_mem>>) src(%dma_wait3A_321 : memref<64xf32, #tpu.memory_space<vmem>>) dst(%dma_wait3A_319 : memref<64xf32, #tpu.memory_space<hbm>>)
          } else {
          }
          %get3A_245 = arith.index_cast %squeeze3A_240 : i32 to index
          %get3A_246 = tpu.vector_load %arg10[%get3A_245] {strides = array<i32>} : memref<32xi32, #tpu.memory_space<vmem>>, vector<16xi32>,
          %slice3A_247 = vector.extract_strided_slice %get3A_246 {offsets = [0], sizes = [1], strides = [1]} : vector<16xi32> to vector<1xi32>
          %squeeze3A_248 = vector.extract %slice3A_247[0] : i32 from vector<1xi32>
          %and3A = arith.constant 127 : i32
          %and3A_249 = arith.andi %squeeze3A_248, %and3A : i32
          %shift_right_logical3A_250 = arith.constant 7 : i32
          %shift_right_logical3A_251 = arith.shrui %squeeze3A_248, %shift_right_logical3A_250 : i32
          %and3A_252 = arith.constant 32767 : i32
          %and3A_253 = arith.andi %shift_right_logical3A_251, %and3A_252 : i32
          %rem3A_254 = arith.constant 8 : i32
          %rem3A_255 = arith.remsi %while3A_238, %rem3A_254 : i32
          %broadcast_in_dim3A = vector.broadcast %rem3A_130 : i32 to vector<16xi32>
          %add3A_256 = arith.constant 0 : i32
          %add3A_257 = vector.broadcast %add3A_256 : i32 to vector<16xi32>
          %add3A_258 = arith.addi %iota3A, %add3A_257 : vector<16xi32>
          %broadcast_in_dim3A_259 = vector.broadcast %and3A_249 : i32 to vector<16xi32>
          %gather3A = tpu.vector_load_idx %arg6[%broadcast_in_dim3A, %add3A_258, %broadcast_in_dim3A_259] : memref<4x64x128xf32, #tpu.memory_space<vmem>>[vector<16xi32>, vector<16xi32>, vector<16xi32>], vector<16xf32>,
          %mul3A_260 = arith.constant 64 : i32
          %mul3A_261 = arith.muli %rem3A_255, %mul3A_260 : i32
          %add3A_262 = arith.constant 0 : i32
          %add3A_263 = arith.addi %mul3A_261, %add3A_262 : i32
          %swap3A_264 = arith.index_cast %add3A_263 : i32 to index
          %swap3A_265 = tpu.vector_load %arg9[%swap3A_264] {strides = array<i32>} : memref<512xf32, #tpu.memory_space<vmem>>, vector<16xf32>,
          tpu.vector_store %arg9[%swap3A_264], %gather3A {strides = array<i32>} : memref<512xf32, #tpu.memory_space<vmem>>, vector<16xf32>,
          %broadcast_in_dim3A_266 = vector.broadcast %rem3A_130 : i32 to vector<16xi32>
          %add3A_267 = arith.constant 16 : i32
          %add3A_268 = vector.broadcast %add3A_267 : i32 to vector<16xi32>
          %add3A_269 = arith.addi %iota3A, %add3A_268 : vector<16xi32>
          %broadcast_in_dim3A_270 = vector.broadcast %and3A_249 : i32 to vector<16xi32>
          %gather3A_271 = tpu.vector_load_idx %arg6[%broadcast_in_dim3A_266, %add3A_269, %broadcast_in_dim3A_270] : memref<4x64x128xf32, #tpu.memory_space<vmem>>[vector<16xi32>, vector<16xi32>, vector<16xi32>], vector<16xf32>,
          %mul3A_272 = arith.constant 64 : i32
          %mul3A_273 = arith.muli %rem3A_255, %mul3A_272 : i32
          %add3A_274 = arith.constant 16 : i32
          %add3A_275 = arith.addi %mul3A_273, %add3A_274 : i32
          %swap3A_276 = arith.index_cast %add3A_275 : i32 to index
          %swap3A_277 = tpu.vector_load %arg9[%swap3A_276] {strides = array<i32>} : memref<512xf32, #tpu.memory_space<vmem>>, vector<16xf32>,
          tpu.vector_store %arg9[%swap3A_276], %gather3A_271 {strides = array<i32>} : memref<512xf32, #tpu.memory_space<vmem>>, vector<16xf32>,
          %broadcast_in_dim3A_278 = vector.broadcast %rem3A_130 : i32 to vector<16xi32>
          %add3A_279 = arith.constant 32 : i32
          %add3A_280 = vector.broadcast %add3A_279 : i32 to vector<16xi32>
          %add3A_281 = arith.addi %iota3A, %add3A_280 : vector<16xi32>
          %broadcast_in_dim3A_282 = vector.broadcast %and3A_249 : i32 to vector<16xi32>
          %gather3A_283 = tpu.vector_load_idx %arg6[%broadcast_in_dim3A_278, %add3A_281, %broadcast_in_dim3A_282] : memref<4x64x128xf32, #tpu.memory_space<vmem>>[vector<16xi32>, vector<16xi32>, vector<16xi32>], vector<16xf32>,
          %mul3A_284 = arith.constant 64 : i32
          %mul3A_285 = arith.muli %rem3A_255, %mul3A_284 : i32
          %add3A_286 = arith.constant 32 : i32
          %add3A_287 = arith.addi %mul3A_285, %add3A_286 : i32
          %swap3A_288 = arith.index_cast %add3A_287 : i32 to index
          %swap3A_289 = tpu.vector_load %arg9[%swap3A_288] {strides = array<i32>} : memref<512xf32, #tpu.memory_space<vmem>>, vector<16xf32>,
          tpu.vector_store %arg9[%swap3A_288], %gather3A_283 {strides = array<i32>} : memref<512xf32, #tpu.memory_space<vmem>>, vector<16xf32>,
          %broadcast_in_dim3A_290 = vector.broadcast %rem3A_130 : i32 to vector<16xi32>
          %add3A_291 = arith.constant 48 : i32
          %add3A_292 = vector.broadcast %add3A_291 : i32 to vector<16xi32>
          %add3A_293 = arith.addi %iota3A, %add3A_292 : vector<16xi32>
          %broadcast_in_dim3A_294 = vector.broadcast %and3A_249 : i32 to vector<16xi32>
          %gather3A_295 = tpu.vector_load_idx %arg6[%broadcast_in_dim3A_290, %add3A_293, %broadcast_in_dim3A_294] : memref<4x64x128xf32, #tpu.memory_space<vmem>>[vector<16xi32>, vector<16xi32>, vector<16xi32>], vector<16xf32>,
          %mul3A_296 = arith.constant 64 : i32
          %mul3A_297 = arith.muli %rem3A_255, %mul3A_296 : i32
          %add3A_298 = arith.constant 48 : i32
          %add3A_299 = arith.addi %mul3A_297, %add3A_298 : i32
          %swap3A_300 = arith.index_cast %add3A_299 : i32 to index
          %swap3A_301 = tpu.vector_load %arg9[%swap3A_300] {strides = array<i32>} : memref<512xf32, #tpu.memory_space<vmem>>, vector<16xf32>,
          tpu.vector_store %arg9[%swap3A_300], %gather3A_295 {strides = array<i32>} : memref<512xf32, #tpu.memory_space<vmem>>, vector<16xf32>,
          %mul3A_302 = arith.constant 64 : i32
          %mul3A_303 = arith.muli %rem3A_255, %mul3A_302 : i32
          %mul3A_304 = arith.constant 64 : i32
          %mul3A_305 = arith.muli %and3A_253, %mul3A_304 : i32
          %dma_start3A_306 = tpu.memref_slice %arg9[%mul3A_303] : memref<512xf32, #tpu.memory_space<vmem>> -> memref<64xf32, #tpu.memory_space<vmem>>
          %dma_start3A_307 = tpu.memref_slice %arg4[%mul3A_305] : memref<2097152xf32, #tpu.memory_space<hbm>> -> memref<64xf32, #tpu.memory_space<hbm>>
          %dma_start3A_308 = tpu.memref_slice %arg4[%mul3A_305] : memref<2097152xf32, #tpu.memory_space<hbm>> -> memref<64xf32, #tpu.memory_space<hbm>>
          %dma_start3A_309 = tpu.memref_slice %arg9[%mul3A_303] : memref<512xf32, #tpu.memory_space<vmem>> -> memref<64xf32, #tpu.memory_space<vmem>>
          tpu.enqueue_dma source(%dma_start3A_309 : memref<64xf32, #tpu.memory_space<vmem>>) target(%dma_start3A_308 : memref<64xf32, #tpu.memory_space<hbm>>) target_semaphore(%arg12 : memref<!tpu.dma_semaphore, #tpu.memory_space<semaphore_mem>>)
          %ne3A = vector.broadcast %squeeze3A_240 : i32 to vector<16xi32>
          %ne3A_310 = arith.cmpi ne, %iota3A, %ne3A : vector<16xi32>
          %and3A_311 = arith.andi %while3A_237, %ne3A_310 : vector<16xi1>
          %add3A_312 = arith.constant 1 : i32
          %add3A_313 = arith.addi %while3A_238, %add3A_312 : i32
          scf.yield %and3A_311, %add3A_313 : vector<16xi1>, i32
        }
        %while3A_234 = arith.constant 1 : i32
        %while3A_235:2 = scf.for %while3A_236 = %while3A_231 to %while3A_227 step %while3A_234 iter_args(%while3A_237 = %while3A_233#0, %while3A_238 = %while3A_233#1) -> (vector<16xi1>, i32)  : i32 {
          %all_reduce_ffs3A = tpu.all_reduce %while3A_237 {dim = 0 : i64, kind = #tpu.reduction_kind<find_first_set>} : vector<16xi1> -> vector<16xi32>
          %slice3A_239 = vector.extract_strided_slice %all_reduce_ffs3A {offsets = [0], sizes = [1], strides = [1]} : vector<16xi32> to vector<1xi32>
          %squeeze3A_240 = vector.extract %slice3A_239[0] : i32 from vector<1xi32>
          %ge3A = arith.constant 8 : i32
          %ge3A_241 = arith.cmpi sge, %while3A_238, %ge3A : i32
          %convert_element_type3A_242 = arith.extui %ge3A_241 : i1 to i32
          %cond3A_243 = arith.constant 0 : i32
          %cond3A_244 = arith.cmpi ne, %convert_element_type3A_242, %cond3A_243 : i32
          scf.if %cond3A_244 {
            %dma_wait3A_314 = arith.constant 0 : i32
            %dma_wait3A_315 = tpu.memref_slice %arg9[%dma_wait3A_314] : memref<512xf32, #tpu.memory_space<vmem>> -> memref<64xf32, #tpu.memory_space<vmem>>
            %dma_wait3A_316 = arith.constant 0 : i32
            %dma_wait3A_317 = tpu.memref_slice %arg4[%dma_wait3A_316] : memref<2097152xf32, #tpu.memory_space<hbm>> -> memref<64xf32, #tpu.memory_space<hbm>>
            %dma_wait3A_318 = arith.constant 0 : i32
            %dma_wait3A_319 = tpu.memref_slice %arg4[%dma_wait3A_318] : memref<2097152xf32, #tpu.memory_space<hbm>> -> memref<64xf32, #tpu.memory_space<hbm>>
            %dma_wait3A_320 = arith.constant 0 : i32
            %dma_wait3A_321 = tpu.memref_slice %arg9[%dma_wait3A_320] : memref<512xf32, #tpu.memory_space<vmem>> -> memref<64xf32, #tpu.memory_space<vmem>>
            tpu.wait_dma2 semaphore(%arg12 : memref<!tpu.dma_semaphore, #tpu.memory_space<semaphore_mem>>) src(%dma_wait3A_321 : memref<64xf32, #tpu.memory_space<vmem>>) dst(%dma_wait3A_319 : memref<64xf32, #tpu.memory_space<hbm>>)
          } else {
          }
          %get3A_245 = arith.index_cast %squeeze3A_240 : i32 to index
          %get3A_246 = tpu.vector_load %arg10[%get3A_245] {strides = array<i32>} : memref<32xi32, #tpu.memory_space<vmem>>, vector<16xi32>,
          %slice3A_247 = vector.extract_strided_slice %get3A_246 {offsets = [0], sizes = [1], strides = [1]} : vector<16xi32> to vector<1xi32>
          %squeeze3A_248 = vector.extract %slice3A_247[0] : i32 from vector<1xi32>
          %and3A = arith.constant 127 : i32
          %and3A_249 = arith.andi %squeeze3A_248, %and3A : i32
          %shift_right_logical3A_250 = arith.constant 7 : i32
          %shift_right_logical3A_251 = arith.shrui %squeeze3A_248, %shift_right_logical3A_250 : i32
          %and3A_252 = arith.constant 32767 : i32
          %and3A_253 = arith.andi %shift_right_logical3A_251, %and3A_252 : i32
          %rem3A_254 = arith.constant 8 : i32
          %rem3A_255 = arith.remsi %while3A_238, %rem3A_254 : i32
          %broadcast_in_dim3A = vector.broadcast %rem3A_130 : i32 to vector<16xi32>
          %add3A_256 = arith.constant 0 : i32
          %add3A_257 = vector.broadcast %add3A_256 : i32 to vector<16xi32>
          %add3A_258 = arith.addi %iota3A, %add3A_257 : vector<16xi32>
          %broadcast_in_dim3A_259 = vector.broadcast %and3A_249 : i32 to vector<16xi32>
          %gather3A = tpu.vector_load_idx %arg6[%broadcast_in_dim3A, %add3A_258, %broadcast_in_dim3A_259] : memref<4x64x128xf32, #tpu.memory_space<vmem>>[vector<16xi32>, vector<16xi32>, vector<16xi32>], vector<16xf32>,
          %mul3A_260 = arith.constant 64 : i32
          %mul3A_261 = arith.muli %rem3A_255, %mul3A_260 : i32
          %add3A_262 = arith.constant 0 : i32
          %add3A_263 = arith.addi %mul3A_261, %add3A_262 : i32
          %swap3A_264 = arith.index_cast %add3A_263 : i32 to index
          %swap3A_265 = tpu.vector_load %arg9[%swap3A_264] {strides = array<i32>} : memref<512xf32, #tpu.memory_space<vmem>>, vector<16xf32>,
          tpu.vector_store %arg9[%swap3A_264], %gather3A {strides = array<i32>} : memref<512xf32, #tpu.memory_space<vmem>>, vector<16xf32>,
          %broadcast_in_dim3A_266 = vector.broadcast %rem3A_130 : i32 to vector<16xi32>
          %add3A_267 = arith.constant 16 : i32
          %add3A_268 = vector.broadcast %add3A_267 : i32 to vector<16xi32>
          %add3A_269 = arith.addi %iota3A, %add3A_268 : vector<16xi32>
          %broadcast_in_dim3A_270 = vector.broadcast %and3A_249 : i32 to vector<16xi32>
          %gather3A_271 = tpu.vector_load_idx %arg6[%broadcast_in_dim3A_266, %add3A_269, %broadcast_in_dim3A_270] : memref<4x64x128xf32, #tpu.memory_space<vmem>>[vector<16xi32>, vector<16xi32>, vector<16xi32>], vector<16xf32>,
          %mul3A_272 = arith.constant 64 : i32
          %mul3A_273 = arith.muli %rem3A_255, %mul3A_272 : i32
          %add3A_274 = arith.constant 16 : i32
          %add3A_275 = arith.addi %mul3A_273, %add3A_274 : i32
          %swap3A_276 = arith.index_cast %add3A_275 : i32 to index
          %swap3A_277 = tpu.vector_load %arg9[%swap3A_276] {strides = array<i32>} : memref<512xf32, #tpu.memory_space<vmem>>, vector<16xf32>,
          tpu.vector_store %arg9[%swap3A_276], %gather3A_271 {strides = array<i32>} : memref<512xf32, #tpu.memory_space<vmem>>, vector<16xf32>,
          %broadcast_in_dim3A_278 = vector.broadcast %rem3A_130 : i32 to vector<16xi32>
          %add3A_279 = arith.constant 32 : i32
          %add3A_280 = vector.broadcast %add3A_279 : i32 to vector<16xi32>
          %add3A_281 = arith.addi %iota3A, %add3A_280 : vector<16xi32>
          %broadcast_in_dim3A_282 = vector.broadcast %and3A_249 : i32 to vector<16xi32>
          %gather3A_283 = tpu.vector_load_idx %arg6[%broadcast_in_dim3A_278, %add3A_281, %broadcast_in_dim3A_282] : memref<4x64x128xf32, #tpu.memory_space<vmem>>[vector<16xi32>, vector<16xi32>, vector<16xi32>], vector<16xf32>,
          %mul3A_284 = arith.constant 64 : i32
          %mul3A_285 = arith.muli %rem3A_255, %mul3A_284 : i32
          %add3A_286 = arith.constant 32 : i32
          %add3A_287 = arith.addi %mul3A_285, %add3A_286 : i32
          %swap3A_288 = arith.index_cast %add3A_287 : i32 to index
          %swap3A_289 = tpu.vector_load %arg9[%swap3A_288] {strides = array<i32>} : memref<512xf32, #tpu.memory_space<vmem>>, vector<16xf32>,
          tpu.vector_store %arg9[%swap3A_288], %gather3A_283 {strides = array<i32>} : memref<512xf32, #tpu.memory_space<vmem>>, vector<16xf32>,
          %broadcast_in_dim3A_290 = vector.broadcast %rem3A_130 : i32 to vector<16xi32>
          %add3A_291 = arith.constant 48 : i32
          %add3A_292 = vector.broadcast %add3A_291 : i32 to vector<16xi32>
          %add3A_293 = arith.addi %iota3A, %add3A_292 : vector<16xi32>
          %broadcast_in_dim3A_294 = vector.broadcast %and3A_249 : i32 to vector<16xi32>
          %gather3A_295 = tpu.vector_load_idx %arg6[%broadcast_in_dim3A_290, %add3A_293, %broadcast_in_dim3A_294] : memref<4x64x128xf32, #tpu.memory_space<vmem>>[vector<16xi32>, vector<16xi32>, vector<16xi32>], vector<16xf32>,
          %mul3A_296 = arith.constant 64 : i32
          %mul3A_297 = arith.muli %rem3A_255, %mul3A_296 : i32
          %add3A_298 = arith.constant 48 : i32
          %add3A_299 = arith.addi %mul3A_297, %add3A_298 : i32
          %swap3A_300 = arith.index_cast %add3A_299 : i32 to index
          %swap3A_301 = tpu.vector_load %arg9[%swap3A_300] {strides = array<i32>} : memref<512xf32, #tpu.memory_space<vmem>>, vector<16xf32>,
          tpu.vector_store %arg9[%swap3A_300], %gather3A_295 {strides = array<i32>} : memref<512xf32, #tpu.memory_space<vmem>>, vector<16xf32>,
          %mul3A_302 = arith.constant 64 : i32
          %mul3A_303 = arith.muli %rem3A_255, %mul3A_302 : i32
          %mul3A_304 = arith.constant 64 : i32
          %mul3A_305 = arith.muli %and3A_253, %mul3A_304 : i32
          %dma_start3A_306 = tpu.memref_slice %arg9[%mul3A_303] : memref<512xf32, #tpu.memory_space<vmem>> -> memref<64xf32, #tpu.memory_space<vmem>>
          %dma_start3A_307 = tpu.memref_slice %arg4[%mul3A_305] : memref<2097152xf32, #tpu.memory_space<hbm>> -> memref<64xf32, #tpu.memory_space<hbm>>
          %dma_start3A_308 = tpu.memref_slice %arg4[%mul3A_305] : memref<2097152xf32, #tpu.memory_space<hbm>> -> memref<64xf32, #tpu.memory_space<hbm>>
          %dma_start3A_309 = tpu.memref_slice %arg9[%mul3A_303] : memref<512xf32, #tpu.memory_space<vmem>> -> memref<64xf32, #tpu.memory_space<vmem>>
          tpu.enqueue_dma source(%dma_start3A_309 : memref<64xf32, #tpu.memory_space<vmem>>) target(%dma_start3A_308 : memref<64xf32, #tpu.memory_space<hbm>>) target_semaphore(%arg12 : memref<!tpu.dma_semaphore, #tpu.memory_space<semaphore_mem>>)
          %ne3A = vector.broadcast %squeeze3A_240 : i32 to vector<16xi32>
          %ne3A_310 = arith.cmpi ne, %iota3A, %ne3A : vector<16xi32>
          %and3A_311 = arith.andi %while3A_237, %ne3A_310 : vector<16xi1>
          %add3A_312 = arith.constant 1 : i32
          %add3A_313 = arith.addi %while3A_238, %add3A_312 : i32
          scf.yield %and3A_311, %add3A_313 : vector<16xi1>, i32
        }
        scf.yield %while3A_235#1 : i32
      }
      scf.yield %while3A_210 : i32
    }
    %min3A_115 = arith.constant 8 : i32
    %min3A_116 = arith.minsi %while3A_114, %min3A_115 : i32
    %while3A_117 = arith.constant 0 : i32
    %while3A_118 = arith.constant 0 : i32
    %while3A_119 = arith.subi %min3A_116, %while3A_118 : i32
    %while3A_120 = arith.addi %while3A_118, %while3A_119 : i32
    %while3A_121 = arith.constant 1 : i32
    %while3A_122 = arith.divsi %while3A_119, %while3A_121 : i32
    %while3A_123 = arith.muli %while3A_122, %while3A_121 : i32
    %while3A_124 = arith.addi %while3A_118, %while3A_123 : i32
    %while3A_125 = arith.constant 1 : i32
    scf.for %while3A_127 = %while3A_118 to %while3A_124 step %while3A_125  : i32 {
      %dma_wait3A = arith.constant 0 : i32
      %dma_wait3A_128 = tpu.memref_slice %arg9[%dma_wait3A] : memref<512xf32, #tpu.memory_space<vmem>> -> memref<64xf32, #tpu.memory_space<vmem>>
      %dma_wait3A_129 = arith.constant 0 : i32
      %dma_wait3A_130 = tpu.memref_slice %arg4[%dma_wait3A_129] : memref<2097152xf32, #tpu.memory_space<hbm>> -> memref<64xf32, #tpu.memory_space<hbm>>
      %dma_wait3A_131 = arith.constant 0 : i32
      %dma_wait3A_132 = tpu.memref_slice %arg4[%dma_wait3A_131] : memref<2097152xf32, #tpu.memory_space<hbm>> -> memref<64xf32, #tpu.memory_space<hbm>>
      %dma_wait3A_133 = arith.constant 0 : i32
      %dma_wait3A_134 = tpu.memref_slice %arg9[%dma_wait3A_133] : memref<512xf32, #tpu.memory_space<vmem>> -> memref<64xf32, #tpu.memory_space<vmem>>
      tpu.wait_dma2 semaphore(%arg12 : memref<!tpu.dma_semaphore, #tpu.memory_space<semaphore_mem>>) src(%dma_wait3A_134 : memref<64xf32, #tpu.memory_space<vmem>>) dst(%dma_wait3A_132 : memref<64xf32, #tpu.memory_space<hbm>>)
    }
    %while3A_126 = arith.constant 1 : i32
    scf.for %while3A_127 = %while3A_124 to %while3A_120 step %while3A_126  : i32 {
      %dma_wait3A = arith.constant 0 : i32
      %dma_wait3A_128 = tpu.memref_slice %arg9[%dma_wait3A] : memref<512xf32, #tpu.memory_space<vmem>> -> memref<64xf32, #tpu.memory_space<vmem>>
      %dma_wait3A_129 = arith.constant 0 : i32
      %dma_wait3A_130 = tpu.memref_slice %arg4[%dma_wait3A_129] : memref<2097152xf32, #tpu.memory_space<hbm>> -> memref<64xf32, #tpu.memory_space<hbm>>
      %dma_wait3A_131 = arith.constant 0 : i32
      %dma_wait3A_132 = tpu.memref_slice %arg4[%dma_wait3A_131] : memref<2097152xf32, #tpu.memory_space<hbm>> -> memref<64xf32, #tpu.memory_space<hbm>>
      %dma_wait3A_133 = arith.constant 0 : i32
      %dma_wait3A_134 = tpu.memref_slice %arg9[%dma_wait3A_133] : memref<512xf32, #tpu.memory_space<vmem>> -> memref<64xf32, #tpu.memory_space<vmem>>
      tpu.wait_dma2 semaphore(%arg12 : memref<!tpu.dma_semaphore, #tpu.memory_space<semaphore_mem>>) src(%dma_wait3A_134 : memref<64xf32, #tpu.memory_space<vmem>>) dst(%dma_wait3A_132 : memref<64xf32, #tpu.memory_space<hbm>>)
    }
    return
  }
}

module attributes {stable_mosaic.version = 14 : i64} {
  func.func @_tc_body(%arg0: i32, %arg1: memref<1024x64xf32, #tpu.memory_space<vmem>>, %arg2: memref<1024x64xf32, #tpu.memory_space<vmem>>, %arg3: memref<64x64xf32, #tpu.memory_space<vmem>>, %arg4: memref<1x64xf32, #tpu.memory_space<vmem>>, %arg5: memref<1024x64xf32, #tpu.memory_space<vmem>>) attributes {dimension_semantics = [#tpu.dimension_semantics<arbitrary>], iteration_bounds = array<i64: 16>, scalar_prefetch = 0 : i64, scratch_operands = 0 : i64, tpu.core_type = #tpu.core_type<tc>, window_params = [{transform_indices = @transform_0, window_bounds = array<i64: 1024, 64>}, {transform_indices = @transform_1, window_bounds = array<i64: 1024, 64>}, {pipeline_mode = #tpu.pipeline_mode<synchronous>, transform_indices = @transform_2, window_bounds = array<i64: 64, 64>}, {pipeline_mode = #tpu.pipeline_mode<synchronous>, transform_indices = @transform_3, window_bounds = array<i64: 1, 64>}, {transform_indices = @transform_4, window_bounds = array<i64: 1024, 64>}]} {
    %get3A = arith.constant 0 : index
    %get3A_0 = arith.constant 0 : index
    %get3A_1 = vector.load %arg1[%get3A, %get3A_0] : memref<1024x64xf32, #tpu.memory_space<vmem>>, vector<1024x64xf32>
    %get3A_2 = arith.constant 0 : index
    %get3A_3 = arith.constant 0 : index
    %get3A_4 = vector.load %arg2[%get3A_2, %get3A_3] : memref<1024x64xf32, #tpu.memory_space<vmem>>, vector<1024x64xf32>
    %sub3A = arith.subf %get3A_1, %get3A_4 : vector<1024x64xf32>
    %get3A_5 = arith.constant 0 : index
    %get3A_6 = arith.constant 0 : index
    %get3A_7 = vector.load %arg3[%get3A_5, %get3A_6] : memref<64x64xf32, #tpu.memory_space<vmem>>, vector<64x64xf32>
    %dot_general3A = arith.constant dense<0.000000e+00> : vector<1024x64xf32>
    %dot_general3A_8 = tpu.matmul %sub3A, %get3A_7, %dot_general3A {dimension_numbers = #tpu.dot_dimension_numbers<[1], [0], [0], [1], [0, 0, 1, 1], [], []>, transpose_lhs_hint = false} : vector<1024x64xf32>, vector<64x64xf32>, vector<1024x64xf32> -> vector<1024x64xf32>
    %get3A_9 = arith.constant 0 : index
    %get3A_10 = arith.constant 0 : index
    %get3A_11 = vector.load %arg4[%get3A_9, %get3A_10] : memref<1x64xf32, #tpu.memory_space<vmem>>, vector<1x64xf32>
    %add3A = vector.broadcast %get3A_11 : vector<1x64xf32> to vector<1024x64xf32>
    %add3A_12 = arith.addf %dot_general3A_8, %add3A : vector<1024x64xf32>
    %swap3A = arith.constant 0 : index
    %swap3A_13 = arith.constant 0 : index
    %swap3A_14 = vector.load %arg5[%swap3A, %swap3A_13] : memref<1024x64xf32, #tpu.memory_space<vmem>>, vector<1024x64xf32>
    tpu.vector_store %arg5[%swap3A, %swap3A_13], %add3A_12 {strides = array<i32>} : memref<1024x64xf32, #tpu.memory_space<vmem>>, vector<1024x64xf32>,
    return
  }
  func.func @transform_0(%arg0: i32) -> (i32, i32) {
    %c0_i32 = arith.constant 0 : i32
    %c0_i32_0 = arith.constant 0 : i32
    return %arg0, %c0_i32 : i32, i32
  }
  func.func @transform_1(%arg0: i32) -> (i32, i32) {
    %add3A = arith.constant 16 : i32
    %add3A_0 = arith.addi %arg0, %add3A : i32
    %c0_i32 = arith.constant 0 : i32
    %c0_i32_1 = arith.constant 0 : i32
    return %add3A_0, %c0_i32 : i32, i32
  }
  func.func @transform_2(%arg0: i32) -> (i32, i32) {
    %c0_i32 = arith.constant 0 : i32
    %c0_i32_0 = arith.constant 0 : i32
    %c0_i32_1 = arith.constant 0 : i32
    return %c0_i32, %c0_i32_0 : i32, i32
  }
  func.func @transform_3(%arg0: i32) -> (i32, i32) {
    %c0_i32 = arith.constant 0 : i32
    %c0_i32_0 = arith.constant 0 : i32
    %c0_i32_1 = arith.constant 0 : i32
    return %c0_i32, %c0_i32_0 : i32, i32
  }
  func.func @transform_4(%arg0: i32) -> (i32, i32) {
    %c0_i32 = arith.constant 0 : i32
    %c0_i32_0 = arith.constant 0 : i32
    return %arg0, %c0_i32 : i32, i32
  }
}

</mosaic_0001>

<sc_bundles>
// kernel: kernel.4.cloned.1.call-start
scs
__scs_entry_jumppad:
0x0: {  	(pc) =	sbr.rel $0x88, $3  }
0x1: {  	(tag) =	ssettag $0x0;
	lr =	simm.s32 $0x1  }
0x2: {  	[smem:$0x3F9C] =	sst lr;
	_ =	strace $0xD0000000  }
0x3: {  	_ = 	snop  }
0x4: {  	_ = 	snop  }
0x5: {  	_ = 	snop  }
0x6: {  	_ = 	snop  }
0x7: {  	_ = 	snop  }
__scs_overlays_trampoline_lowered:
0x8: {  	[smem:$0x3FAB] =	sst s0  }
0x9: {  	[smem:$0x3FAC] =	sst s1  }
0xa: {  	[smem:$0x3FAD] =	sst s2  }
0xb: {  	[smem:$0x3FAE] =	sst s3  }
0xc: {  	[smem:$0x3FAF] =	sst s4  }
0xd: {  	[smem:$0x3FB0] =	sst s5  }
0xe: {  	[smem:$0x3FB1] =	sst s6  }
0xf: {  	[smem:$0x3FB2] =	sst s7  }
0x10: {  	[smem:$0x3FB3] =	sst s8  }
0x11: {  	[smem:$0x3FB4] =	sst s9;
	s0 =	simm.s32 @!p0 $0x0  }
0x12: {  	s1 =	sld [smem:$0x3F9A];
	s0 =	simm.s32 @p0 $0x1  }
0x13: {  	[smem:$0x3FB5] =	sst s0;
	s0 =	simm.s32 @!p1 $0x0  }
0x14: {  	s2 =	sld [smem:$0x3F99];
	s0 =	simm.s32 @p1 $0x1  }
0x15: {  	[smem:$0x3FB6] =	sst s0;
	s0 =	simm.s32 @!p2 $0x0  }
0x16: {  	s3 =	sld [smem:$0x3FDB];
	s0 =	simm.s32 @p2 $0x1  }
0x17: {  	s4 =	simm.s32 $0x1BF5;
	[smem:$0x3FB8] =	sst s0  }
0x18: {  	s0 =	sld [smem:$0x3F9B];
	_ =	swait.ge [sflag:s4], $0x0  }
0x19: {  	s7 =	sld [smem:$0x3F9C]  }
0x1a: {  	s8 =	sadd.s32 $0xFFFFE003, lr  }
0x1b: {  	s9 =	sadd.s32 $0xFFFFFEF7, lr;
	s5 =	simm.s32 $0xFFFFFFFF;
	p2 =	slt.u32 s8, $0xFFFFF086  }
0x1c: {  	p1 =	slt.u32 s9, $0xF7A;
	s5 =	simm.s32 @!p2 $0x0  }
0x1d: {  	s5 =	simm.s32 @p1 $0x1;
	p0 =	seq.s32 s7, s2  }
0x1e: {  	s7 =	smul.u32 @!p0 $0xF7A, s2;
	p2 =	seq.s32 @!p0 s5, $0x0  }
0x1f: {  	s9 =	smul.u32 $0xF7A, s1;
	s8 =	simm.s32 @!p0 $0x1BF5;
	p2 =	por !p2, p0  }
0x20: {  	[sflag:s8] =	ssyncset.s32 @!p0 $0xFFFFF086;
	s6 =	sadd.s32 @!p0 s3, s7;
	s7 =	simm.s32 @!p0 $0x108  }
0x21: {  	s3 =	sadd.s32 s3, s9;
	s6 =	sadd.s32 @!p0 $0x88, s6;
	s7 =	simm.s32 @p2 $0x1082  }
0x22: {  	[simem:s7], [sflag:s8] =	dma.local @!p0 [hbm:s6], $0xF7A  }
0x23: {  	s9 =	sor.u32 $0xD0000000, s2;
	s6 =	simm.s32 $0x108;
	_ =	swait.ge @!p0 [sflag:s8], $0x0  }
0x24: {  	s3 =	sadd.s32 $0x88, s3;
	s6 =	simm.s32 @!p1 $0x1082;
	[sflag:s4] =	ssyncset.s32 $0xFFFFF086  }
0x25: {  	[simem:s6], [sflag:s4] =	dma.local [hbm:s3], $0xF7A  }
0x26: {  	[smem:$0x3F9C] =	sst s1;
	(tag) =	ssettag s2;
	_ =	strace s9  }
0x27: {  	s1 =	sld [smem:$0x3FAC]  }
0x28: {  	s2 =	sld [smem:$0x3FAD]  }
0x29: {  	s4 =	sld [smem:$0x3FAF]  }
0x2a: {  	p0 =	seq.s32 s5, $0x0;
	s5 =	sld [smem:$0x3FB0]  }
0x2b: {  	s6 =	sld [smem:$0x3FB1]  }
0x2c: {  	s7 =	sld [smem:$0x3FB2]  }
0x2d: {  	s3 =	simm.s32 $0x108;
	s8 =	sld [smem:$0x3FB3]  }
0x2e: {  	s3 =	simm.s32 @!p0 $0x1082;
	s9 =	sld [smem:$0x3FB4]  }
0x2f: {  	lr =	sadd.s32 s0, s3;
	s0 =	sld [smem:$0x3FAB]  }
0x30: {  	s3 =	sld [smem:$0x3FAE]  }
0x31: {  	[smem:$0x3FB7] =	sst s10  }
0x32: {  	s10 =	sld [smem:$0x3FB5];
	_ =	sdelay $0x3  }
0x33: {  	p0 =	seq.s32 s10, $0x1;
	s10 =	sld [smem:$0x3FB7];
	_ =	sdelay $0x3  }
0x34: {  	[smem:$0x3FB7] =	sst s10  }
0x35: {  	s10 =	sld [smem:$0x3FB6];
	_ =	sdelay $0x3  }
0x36: {  	p1 =	seq.s32 s10, $0x1;
	s10 =	sld [smem:$0x3FB7];
	_ =	sdelay $0x3  }
0x37: {  	[smem:$0x3FB7] =	sst s10  }
0x38: {  	s10 =	sld [smem:$0x3FB8]  }
0x39: {  	_ = 	snop;
	(pc) =	sbr.ind lr, $3  }
0x3a: {  	_ = 	snop  }
0x3b: {  	_ = 	snop  }
0x3c: {  	p2 =	seq.s32 s10, $0x1;
	s10 =	sld [smem:$0x3FB7]  }
0x3d: {  	_ =	shalt  }
0x3e: {  	_ =	shalt  }
0x3f: {  	_ =	shalt  }
0x40: {  	_ =	shalt  }
0x41: {  	_ =	shalt  }
0x42: {  	_ =	shalt  }
0x43: {  	_ =	shalt  }
0x44: {  	_ =	shalt  }
0x45: {  	_ =	shalt  }
0x46: {  	_ =	shalt  }
0x47: {  	_ =	shalt  }
0x48: {  	_ =	shalt  }
0x49: {  	_ =	shalt  }
0x4a: {  	_ =	shalt  }
0x4b: {  	_ =	shalt  }
0x4c: {  	_ =	shalt  }
0x4d: {  	_ =	shalt  }
0x4e: {  	_ =	shalt  }
0x4f: {  	_ =	shalt  }
0x50: {  	_ =	shalt  }
0x51: {  	_ =	shalt  }
0x52: {  	_ =	shalt  }
0x53: {  	_ =	shalt  }
0x54: {  	_ =	shalt  }
0x55: {  	_ =	shalt  }
0x56: {  	_ =	shalt  }
0x57: {  	_ =	shalt  }
0x58: {  	_ =	shalt  }
0x59: {  	_ =	shalt  }
0x5a: {  	_ =	shalt  }
0x5b: {  	_ =	shalt  }
0x5c: {  	_ =	shalt  }
0x5d: {  	_ =	shalt  }
0x5e: {  	_ =	shalt  }
0x5f: {  	_ =	shalt  }
0x60: {  	_ =	shalt  }
0x61: {  	_ =	shalt  }
0x62: {  	_ =	shalt  }
0x63: {  	_ =	shalt  }
0x64: {  	_ =	shalt  }
0x65: {  	_ =	shalt  }
0x66: {  	_ =	shalt  }
0x67: {  	_ =	shalt  }
0x68: {  	_ =	shalt  }
0x69: {  	_ =	shalt  }
0x6a: {  	_ =	shalt  }
0x6b: {  	_ =	shalt  }
0x6c: {  	_ =	shalt  }
0x6d: {  	_ =	shalt  }
0x6e: {  	_ =	shalt  }
0x6f: {  	_ =	shalt  }
0x70: {  	_ =	shalt  }
0x71: {  	_ =	shalt  }
0x72: {  	_ =	shalt  }
0x73: {  	_ =	shalt  }
0x74: {  	_ =	shalt  }
0x75: {  	_ =	shalt  }
0x76: {  	_ =	shalt  }
0x77: {  	_ =	shalt  }
0x78: {  	_ =	shalt  }
0x79: {  	_ =	shalt  }
0x7a: {  	_ =	shalt  }
0x7b: {  	_ =	shalt  }
0x7c: {  	_ =	shalt  }
0x7d: {  	_ =	shalt  }
0x7e: {  	_ =	shalt  }
0x7f: {  	_ =	shalt  }
0x80: {  	_ =	shalt  }
0x81: {  	_ =	shalt  }
0x82: {  	_ =	shalt  }
0x83: {  	_ =	shalt  }
0x84: {  	_ =	shalt  }
0x85: {  	_ =	shalt  }
0x86: {  	_ =	shalt  }
0x87: {  	_ =	shalt  }
.Lfunc_end0:
.L_simem_size_0:
called_computation_lowered:
.L_overlay_start_0:
0x88: {  	s2 =	sld [smem:$0x3FD9]  }
0x89: {  	s3 =	sld [smem:$0x3FFE];
	_ =	sdelay $0x1  }
0x8a: {  	s1 =	srdreg.scid  }
0x8b: {  	s0 =	sand.u32 $0x1, s1  }
0x8c: {  	s17 =	sshll.u32 s0, $0xA;
	s2 =	sadd.s32 s3, s2  }
0x8d: {  	s2 =	sadd.s32 s2, s17  }
0x8e: {  	[smem:$0x3FC3] =	sst s2  }
0x8f: {  	_ = 	snop  }
0x90: {  	s2 =	sld [smem:$0x3FC7]  }
0x91: {  	s18 =	sld [smem:$0x3FD0];
	(tm) =	ssettm $0x1  }
0x92: {  	s4 =	sld [smem:$0x3FFB];
	_ =	sdelay $0x3  }
0x93: {  	_ =	strace s4  }
0x94: {  	s4 =	sld [smem:$0x3FFC];
	_ =	sdelay $0x3  }
0x95: {  	_ =	strace s4  }
0x96: {  	s4 =	sld [smem:$0x3FFD];
	_ =	sdelay $0x3  }
0x97: {  	_ =	strace s4  }
0x98: {  	_ =	strace $0x8FFFFFFF  }
0x99: {  	s19 =	sld [smem:$0x3FDB];
	_ =	sdelay $0x1  }
0x9a: {  	s5 =	simm.s32 $_scs_section_size  }
0x9b: {  	s6 =	simm.s32 $_size__tile_overlayer_lowered;
	s7 =	simm.s32 $_tile_overlayer_lowered  }
0x9c: {  	s22 =	simm.s32 $0x1BFF;
	s21 =	sshll.u32 s7, $0x1;
	s4 =	sadd.s32 s5, s19  }
0x9d: {  	s8 =	simm.s32 $0x0;
	s20 =	sshll.u32 s6, $0x1;
	s6 =	sadd.s32 s21, s4  }
0x9e: {  	[timem:s8], [sflag:s22] =	dma.local [hbm:s6], s20  }
0x9f: {  	_ =	swait.ge [sflag:s22], s20  }
0xa0: {  	s5 =	ssub.s32 $0x0, s20;
	[sflag:s22] =	ssyncset.done $0x0  }
0xa1: {  	[sflag:s22] =	ssyncadd.s32 s5;
	_ =	sdelay $0x1  }
0xa2: {  	s23 =	simm.s32 $0x1B8B  }
0xa3: {  	_ =	swait.ge [sflag:s23], $0x1  }
0xa4: {  	[sflag:s23] =	ssyncset.done $0x0  }
0xa5: {  	s25 =	simm.s32 $0x1B8E;
	s24 =	sld [smem:$0x3FFE];
	[sflag:s23] =	ssyncadd.s32 $0xFFFFFFFF  }
0xa6: {  	s26 =	simm.s32 $execute0_lowered;
	[smem:$0x3FD2] =	sst s25  }
0xa7: {  	s6 =	sshll.u32 s26, $0x1;
	_ =	strace $0x80000046;
	[dreg:$0x1] =	wrdreg $0xFFFFFFFF  }
0xa8: {  	s28 =	simm.s32 $_size_execute0_lowered;
	s4 =	sadd.s32 s4, s6;
	[dreg:$0x0] =	wrdreg $0x0  }
0xa9: {  	s6 =	sshll.u32 s28, $0x1;
	[dreg:$0x2] =	wrdreg s4  }
0xaa: {  	[dreg:$0x3] =	wrdreg s6  }
0xab: {  	[dreg:$0x4] =	wrdreg $0xC0  }
0xac: {  	_ =	task [dreg:s8], $0x5FFFF  }
0xad: {  	[dreg:$0x1] =	wrdreg $0xFFFFFFFF  }
0xae: {  	[dreg:$0x0] =	wrdreg $0x60  }
0xaf: {  	[dreg:$0x2] =	wrdreg s2  }
0xb0: {  	[dreg:$0x3] =	wrdreg s18  }
0xb1: {  	[dreg:$0x4] =	wrdreg s24  }
0xb2: {  	[dreg:$0x5] =	wrdreg $0x9  }
0xb3: {  	_ =	task.clear_ibuf [dreg:s8], $0x6FFFF;
	_ =	strace $0x90000046  }
0xb4: {  	s29 =	simm.s32 $0x9;
	_ =	strace $0x80000048  }
0xb5: {  	_ =	swait.ge [sflag:s29], $0x1  }
0xb6: {  	[sflag:s29] =	ssyncadd.s32 $0xFFFFFFFF  }
0xb7: {  	_ =	strace $0x90000048  }
0xb8: {  	_ =	sfence  }
0xb9: {  	s30 =	sld [smem:$0x0];
	_ =	sdelay $0x2  }
0xba: {  	s31 =	sshll.u32 s1, $0xD;
	s1 =	sshrl.u32 s1, $0x2  }
0xbb: {  	s3 =	sand.u32 $0x4000, s31;
	s1 =	sadd.s32 s1, s30  }
0xbc: {  	s0 =	sor.u32 s3, s0;
	s1 =	sshll.u32 s1, $0x11  }
0xbd: {  	s0 =	sor.u32 s1, s0  }
0xbe: {  	s0 =	sadd.s32 $0x8F2B, s0  }
0xbf: {  	[sflag:s0] =	ssyncadd.remote.s32 $0x1  }
0xc0: {  	_ =	sfence.sel $0xFFFF  }
0xc1: {  	[dreg:$0x0] =	wrdreg $0xFFFFFFFF;
	(pc) =	sbr.abs _section_cstart, $3  }
0xc2: {  	[dreg:$0x1] =	wrdreg $0xFFFFFFFF  }
0xc3: {  	_ =	task.clear_ibuf [dreg:s8], $0x2FFFF;
	_ =	strace $0x9FFFFFFF  }
0xc4: {  	(tm) =	ssettm $0x7FFFFFFF  }
0xc5: {  	_ =	shalt  }
tec
execute0_lowered:
.L_overlay_start_1:
0x0: {  	(tag) =	ssettag $0x1  }
0x1: {  	s8 =	rddreg [dreg:$0x0];
	s0 =	srdreg.scid  }
0x2: {  	s7 =	stileid.u32;
	s2 =	rddreg [dreg:$0x2]  }
0x3: {  	s0 =	sand.u32 $0x1, s0;
	s1 =	sshll.u32 s7, $0x1;
	s7 =	smul.u32 $0xFFFFFE16, s7  }
0x4: {  	s1 =	sor.u32 s0, s1;
	s5 =	ssub.s32 $0x2, s0;
	s0 =	smul.u32 $0xFFFFFF0B, s0  }
0x5: {  	s4 =	simm.s32 $0x0;
	s14 =	simm.s32 $0x10000;
	s9 =	smul.u32 $0xF5, s1  }
0x6: {  	[smem:$0x7FF] =	sst s4;
	s6 =	sadd.s32 $0x800, s2;
	s3 =	smul.u32 $0x3D400, s1  }
0x7: {  	_ =	strace $0x80000047;
	s28 =	sshrl.u32 s5, $0x1;
	s1 =	smul.u32 $0x7A80, s1  }
0x8: {  	s2 =	ssub.s32 s5, s28;
	s0 =	sadd.s32 s7, s0;
	s29 =	ssub.s32 $0x1E85, s9  }
0x9: {  	s3 =	sshrl.u32 s3, $0x3;
	s1 =	sadd.s32 s8, s1;
	[dreg:$0x4] =	wrdreg s9  }
0xa: {  	s0 =	sadd.s32 $0x1E85, s0;
	s31 =	smax.u32 s2, $0x1;
	[dreg:$0x6] =	wrdreg s1  }
.Ltmp0:
0xb: {  	v0 =	vlaneseq.u32;
	s0 =	smin.u32 s0, $0xF5;
	[dreg:$0xa] =	wrdreg s31;
	(pc) =	sbr.rel .LBB2_1-.Ltmp0, $4  }
0xc: {  	v2 =	vmul.u32 $0x80, v0;
	s5 =	smin.u32 s29, $0xF5;
	s30 =	sadd.s32 s8, s3;
	[dreg:$0x9] =	wrdreg s0  }
0xd: {  	s17 =	simm.s32 $0x8000;
	v4 =	vimm.s32 $0x0;
	s3 =	sadd.s32 $0x80, s30;
	[dreg:$0x5] =	wrdreg s5  }
0xe: {  	v5 =	vimm.s32 $0x7FFFFFFF;
	s21 =	simm.s32 $0x2;
	v6 =	vor.u32 $0x800, v2;
	v7 =	vor.u32 $0x1000, v2;
	s1 =	sadd.s32 $0x100, s30;
	[dreg:$0x7] =	wrdreg s3  }
0xf: {  	s22 =	simm.s32 $0x10700;
	v8 =	vor.u32 $0x1800, v2;
	v1 =	vmov s9;
	v3 =	vmov s5;
	[dreg:$0x8] =	wrdreg s1;
	s1 =	simm.s32 $0x0  }
.LBB2_23:
0x10: {  	[sflag:s21] =	ssyncadd.s32 $0xFFFFFFC0  }
.LBB2_24:
0x11: {  	s1 =	sadd.s32 $0x1, s1;
	s0 =	rddreg [dreg:$0xa]  }
0x12: {  	p0 =	sne.s32 s1, s0  }
.Ltmp1:
0x13: {  	_ = 	snop;
	(pc) =	sbr.rel @!p0 .LBB2_25-.Ltmp1, $1  }
0x14: {  	_ =	sdelay $0x3  }
.LBB2_1:
0x15: {  	[dreg:$0xb] =	wrdreg s1  }
0x16: {  	s0 =	rddreg [dreg:$0x1];
	s31 =	simm.s32 $0x3  }
0x17: {  	[tilespmem:s4], [sflag:$0x3] =	stream.linear.gather [hbm4b:s0+s4], $0x8000, $0x38;
	[tilespmem:$0x11580] =	vst v63  }
0x18: {  	_ =	swait.ge [sflag:s31], $0x8000  }
0x19: {  	[sflag:s31] =	ssyncset.done $0x0  }
0x1a: {  	[sflag:s31] =	ssyncadd.s32 $0xFFFF8000  }
0x1b: {  	v9 =	vld [tilespmem:s4+$0x0];
	_ =	sdelay $0x4  }
0x1c: {  	v10 =	vshrl.u32 v9, $0x7  }
0x1d: {  	v10 =	vsub.s32 v10, v1  }
0x1e: {  	vm0 =	vgt.s32 v10, $0xFFFFFFFF;
	vm1 =	vlt.s32 v10, v3  }
0x1f: {  	vm0 =	vmand vm0, vm1  }
0x20: {  	v11 =	vsel vm0, $0x1, v4  }
0x21: {  	(xrf0) =	vadd.scan.msk.s32 $0xffff, v11;
	_ =	sdelay $0x2  }
0x22: {  	v11 =	vmov s4  }
0x23: {  	v11 =	vadd.s32 $0xFFFFFFFF, v11  }
0x24: {  	v11 =	vbroadcast v11, $0x0  }
0x25: {  	v12, _, _ =	vpop (xrf0)  }
0x26: {  	v13 =	vmov s4;
	v11 =	vadd.s32 v12, v11;
	(v2sf) =	vpush v12, $0xF  }
0x27: {  	v13 =	vshll.u32 v13, $0x7  }
0x28: {  	v13 =	vor.u32 v2, v13;
	v10 =	vshll.u32 v10, $0x16  }
0x29: {  	v9 =	vand.u32 $0x7F, v9;
	v10 =	vadd.s32 v13, v10  }
0x2a: {  	v9 =	vor.u32 v9, v10  }
0x2b: {  	s0 =	simm.s32 $0x10;
	[tilespmem:v11+s14+$0x0] =	vst.idx.msk vm0, v9  }
0x2c: {  	s2 =	simm.s32 $0x20;
	s1 =	simm.s32 $0x0;
	s3 =	simm.s32 $0x10;
	v9 =	vld [tilespmem:s0+$0x0]  }
.LBB2_2:
0x2d: {  	p0 =	sne.s32 s2, $0x7FF0;
	_ =	sdelay $0x3  }
0x2e: {  	v10 =	vshrl.u32 v9, $0x7;
	v9 =	vand.u32 $0x7F, v9  }
0x2f: {  	v10 =	vsub.s32 v10, v1  }
0x30: {  	vm0 =	vgt.s32 v10, $0xFFFFFFFF;
	vm1 =	vlt.s32 v10, v3;
	v10 =	vshll.u32 v10, $0x16  }
0x31: {  	vm0 =	vmand vm0, vm1  }
0x32: {  	v11 =	vsel vm0, $0x1, v4;
	s5 =	spop (v2sf)  }
0x33: {  	(xrf0) =	vadd.scan.msk.s32 $0xffff, v11;
	s1 =	sadd.s32 s1, s5  }
0x34: {  	v11 =	vmov s1  }
0x35: {  	v11 =	vadd.s32 $0xFFFFFFFF, v11  }
0x36: {  	v11 =	vbroadcast v11, $0x0;
	_ =	sdelay $0x2  }
0x37: {  	v12, _, _ =	vpop (xrf0)  }
0x38: {  	v13 =	vmov s0;
	s0 =	smov.u32 s2;
	v11 =	vadd.s32 v12, v11;
	(v2sf) =	vpush v12, $0xF  }
0x39: {  	v12 =	vshll.u32 v13, $0x7  }
.Ltmp2:
0x3a: {  	v12 =	vor.u32 v2, v12;
	(pc) =	sbr.rel @p0 .LBB2_2-.Ltmp2, $4  }
0x3b: {  	v10 =	vadd.s32 v12, v10  }
0x3c: {  	v9 =	vor.u32 v9, v10  }
0x3d: {  	s3 =	sadd.s32 $0x10, s3;
	[tilespmem:v11+s14+$0x0] =	vst.idx.msk vm0, v9  }
0x3e: {  	s2 =	sadd.s32 $0x10, s2;
	v9 =	vld [tilespmem:s3+$0x0]  }
0x3f: {  	_ =	sdelay $0x3  }
0x40: {  	v10 =	vshrl.u32 v9, $0x7  }
0x41: {  	v10 =	vsub.s32 v10, v1  }
0x42: {  	vm0 =	vgt.s32 v10, $0xFFFFFFFF;
	vm1 =	vlt.s32 v10, v3  }
0x43: {  	vm0 =	vmand vm0, vm1  }
0x44: {  	v11 =	vsel vm0, $0x1, v4  }
0x45: {  	(xrf0) =	vadd.scan.msk.s32 $0xffff, v11;
	_ =	sdelay $0x5  }
0x46: {  	v11, _, _ =	vpop (xrf0)  }
0x47: {  	(v2sf) =	vpush v11, $0xF;
	_ =	sdelay $0x4  }
0x48: {  	s2 =	spop (v2sf)  }
0x49: {  	s1 =	sadd.s32 s1, s2  }
0x4a: {  	v12 =	vmov s1  }
0x4b: {  	v12 =	vadd.s32 $0xFFFFFFFF, v12  }
0x4c: {  	v12 =	vbroadcast v12, $0x0;
	_ =	sdelay $0x1  }
0x4d: {  	v13 =	vmov s0;
	v11 =	vadd.s32 v11, v12  }
0x4e: {  	v63 =	vshll.u32 v13, $0x7  }
0x4f: {  	v10 =	vshll.u32 v10, $0x16;
	v12 =	vor.u32 v2, v63  }
0x50: {  	v9 =	vand.u32 $0x7F, v9;
	v10 =	vadd.s32 v12, v10  }
0x51: {  	v9 =	vor.u32 v9, v10;
	s31 =	spop (v2sf)  }
0x52: {  	s0 =	simm.s32 $0x40;
	s7 =	simm.s32 $0x0;
	[tilespmem:v11+s14+$0x0] =	vst.idx.msk vm0, v9;
	s5 =	sadd.s32 s1, s31  }
.LBB2_4:
0x53: {  	p0 =	sne.s32 s0, $0x2FC0;
	[tilespmem:s7+$0x10700] =	vst v5;
	s1 =	smov.u32 s0;
	s0 =	sadd.s32 $0x40, s0  }
.Ltmp3:
0x54: {  	(pc) =	sbr.rel @p0 .LBB2_4-.Ltmp3, $2  }
0x55: {  	_ =	sdelay $0x2  }
0x56: {  	s7 =	sshra.s32 s1, $0x2  }
0x57: {  	s0 =	sadd.s32 $0xF, s5  }
0x58: {  	s24 =	simm.s32 $0x0;
	s1 =	sshrl.u32 s0, $0x4  }
0x59: {  	s25 =	simm.s32 $0x0;
	s2 =	simm.s32 $0x0;
	p0 =	seq.s32 s1, $0x0  }
.Ltmp4:
0x5a: {  	s3 =	simm.s32 $0x0;
	s8 =	simm.s32 $0x0;
	(pc) =	sbr.rel @p0 .LBB2_9-.Ltmp4, $4  }
0x5b: {  	s9 =	simm.s32 $0x0;
	s10 =	simm.s32 $0x0;
	s26 =	simm.s32 $0x0  }
0x5c: {  	s15 =	simm.s32 $0x0;
	s28 =	simm.s32 $0x0;
	s31 =	simm.s32 $0x0  }
0x5d: {  	s19 =	simm.s32 $0x0;
	s16 =	simm.s32 $0x0;
	s18 =	simm.s32 $0x0  }
0x5e: {  	[tilespmem:s7+$0x10700] =	vst v5;
	s23 =	simm.s32 $0x0;
	s13 =	simm.s32 $0x0;
	s0 =	simm.s32 $0x0  }
0x5f: {  	s26 =	simm.s32 $0x10000  }
0x60: {  	v9 =	vld [tilespmem:s26+$0x0];
	_ =	sdelay $0x1  }
0x61: {  	s25 =	simm.s32 $0x0;
	v10 =	vmov s5;
	v14 =	vimm.s32 $0x0;
	s11 =	simm.s32 $0x3C0  }
0x62: {  	s15 =	simm.s32 $0x300;
	s23 =	simm.s32 $0x9C0;
	v11 =	vor.u32 s25, v0;
	v12 =	vmov s25;
	v16 =	vmov s11  }
0x63: {  	v21 =	vmov s15;
	v33 =	vmov s23;
	vm0 =	vlt.s32 v11, v10  }
0x64: {  	v20 =	vadd.s32 $0xFFFFFFFF, v16;
	v25 =	vadd.s32 $0xFFFFFFFF, v21;
	v11 =	vshrl.u32 v9, $0x1A  }
0x65: {  	v25 =	vbroadcast v25, $0x0;
	vm1 =	veq.s32 v11, $0x0;
	vm2 =	veq.s32 v11, $0x3  }
0x66: {  	vm4 =	veq.s32 v11, $0xB;
	vm5 =	veq.s32 v11, $0x9;
	vm3 =	veq.s32 v11, $0x2  }
0x67: {  	vm7 =	veq.s32 v11, $0xC;
	vm11 =	veq.s32 v11, $0x6;
	vm8 =	veq.s32 v11, $0x8  }
0x68: {  	vm10 =	veq.s32 v11, $0x5;
	vm15 =	vmand vm0, vm1;
	vm1 =	veq.s32 v11, $0x1  }
0x69: {  	vm2 =	vmand vm0, vm2;
	vm13 =	vmand vm0, vm3;
	vm3 =	vmand vm0, vm4  }
0x6a: {  	vm10 =	vmand vm0, vm10;
	vm8 =	vmand vm0, vm8;
	vm11 =	vmand vm0, vm11  }
0x6b: {  	vm4 =	veq.s32 v11, $0xD;
	v13 =	vsel vm15, $0x1, v4;
	vm14 =	vmand vm0, vm1  }
0x6c: {  	vm1 =	veq.s32 v11, $0x7;
	v14 =	vsel vm2, $0xFFFFFFFF, v14;
	vm4 =	vmand vm0, vm4  }
0x6d: {  	v27 =	vsel vm8, $0x1, v4;
	v28 =	vsel vm10, $0x1, v4;
	[tilespmem:$0x1FFF0] =	vst v14;
	v14 =	vsel vm2, $0x1, v4  }
0x6e: {  	s2 =	simm.s32 $0x6C0;
	vm9 =	vmand vm0, vm1;
	vm2 =	veq.s32 v11, $0xE;
	vm1 =	veq.s32 v11, $0xA  }
0x6f: {  	(xrf0) =	vadd.scan.msk.s32 $0xffff, v13;
	v13 =	vadd.s32 $0xFFFFFFFF, v12;
	v12 =	vmov s2;
	v23 =	vsel vm14, $0x1, v4  }
0x70: {  	vm6 =	vmand vm0, vm1;
	vm1 =	vmand vm0, vm7;
	vm7 =	vmand vm0, vm5;
	(xrf0) =	vadd.scan.msk.s32 $0xffff, v14  }
0x71: {  	s10 =	simm.s32 $0x780;
	vm2 =	vmand vm0, vm2;
	vm5 =	veq.s32 v11, $0x4;
	v22 =	vadd.s32 $0xFFFFFFFF, v12  }
0x72: {  	s0 =	simm.s32 $0xC0;
	v12 =	vmov s10;
	v17 =	vsel vm9, $0x1, v4;
	v13 =	vbroadcast v13, $0x0  }
0x73: {  	s12 =	simm.s32 $0x840;
	vm12 =	vmand vm0, vm5;
	vm5 =	veq.s32 v11, $0xF;
	v11 =	vmov s0  }
0x74: {  	v24 =	vadd.s32 $0xFFFFFFFF, v12;
	v12 =	vmov s12;
	vm5 =	vmand vm0, vm5  }
0x75: {  	s8 =	simm.s32 $0x180;
	(xrf0) =	vadd.scan.msk.s32 $0xffff, v17;
	vm0 =	vmmov vm1;
	vm1 =	vmmov vm3;
	vm3 =	vmmov vm6;
	v18, _, _ =	vpop (xrf0)  }
0x76: {  	s13 =	simm.s32 $0x240;
	v14 =	vadd.s32 $0xFFFFFFFF, v11;
	v11 =	vmov s8;
	v19 =	vsel vm3, $0x1, v4;
	v16, _, _ =	vpop (xrf0)  }
0x77: {  	s16 =	simm.s32 $0x600;
	v17 =	vmov s13;
	v15 =	vadd.s32 $0xFFFFFFFF, v11;
	(xrf0) =	vadd.scan.msk.s32 $0xffff, v19;
	(v2sf) =	vpush v16, $0xF  }
0x78: {  	v21 =	vsel vm7, $0x1, v4;
	v19 =	vmov s16;
	(xrf0) =	vadd.scan.msk.s32 $0xffff, v23;
	v23 =	vbroadcast v15, $0x0  }
0x79: {  	v15 =	vadd.s32 $0xFFFFFFFF, v17;
	v17 =	vsel vm13, $0x1, v4;
	v26 =	vadd.s32 $0xFFFFFFFF, v19;
	(xrf0) =	vadd.scan.msk.s32 $0xffff, v21  }
0x7a: {  	v19 =	vsel vm0, $0x1, v4;
	(xrf0) =	vadd.scan.msk.s32 $0xffff, v17;
	v17 =	vbroadcast v15, $0x0;
	v15 =	vsel vm2, $0x1, v4  }
0x7b: {  	s18 =	simm.s32 $0x480;
	v34 =	vbroadcast v22, $0x0;
	vm6 =	vmmov vm9;
	v14 =	vbroadcast v14, $0x0;
	v30, _, _ =	vpop (xrf0);
	(xrf0) =	vadd.scan.msk.s32 $0xffff, v19  }
0x7c: {  	v21 =	vmov s18;
	v19 =	vsel vm4, $0x1, v4;
	(v2sf) =	vpush v30, $0xF;
	(xrf0) =	vadd.scan.msk.s32 $0xffff, v15  }
0x7d: {  	v13 =	vadd.s32 v18, v13;
	(v2sf) =	vpush v18, $0xF;
	v18 =	vsel vm11, $0x1, v4;
	v15, _, _ =	vpop (xrf0);
	(xrf0) =	vadd.scan.msk.s32 $0xffff, v19  }
0x7e: {  	v17 =	vadd.s32 v16, v17;
	v19 =	vsel vm1, $0x1, v4;
	v29, _, _ =	vpop (xrf0);
	(xrf0) =	vadd.scan.msk.s32 $0xffff, v28;
	(v2sf) =	vpush v15, $0xF  }
0x7f: {  	v16 =	vsel vm12, $0x1, v4;
	(v2sf) =	vpush v29, $0xF;
	v31, _, _ =	vpop (xrf0);
	(xrf0) =	vadd.scan.msk.s32 $0xffff, v19;
	v14 =	vadd.s32 v29, v14  }
0x80: {  	s20 =	simm.s32 $0xB40;
	v19 =	vsel vm5, $0x1, v4;
	v29 =	vadd.s32 $0xFFFFFFFF, v21;
	v28, _, _ =	vpop (xrf0);
	(xrf0) =	vadd.scan.msk.s32 $0xffff, v27;
	(v2sf) =	vpush v31, $0xF  }
0x81: {  	s9 =	simm.s32 $0x900;
	s19 =	simm.s32 $0x540;
	v27 =	vadd.s32 v28, v23;
	(v2sf) =	vpush v28, $0xF;
	(xrf0) =	vadd.scan.msk.s32 $0xffff, v16;
	v21, _, _ =	vpop (xrf0);
	v28 =	vmov s20  }
0x82: {  	v11 =	vmov s9;
	v23 =	vmov s19;
	(v2sf) =	vpush v21, $0xF;
	v16, _, _ =	vpop (xrf0);
	(xrf0) =	vadd.scan.msk.s32 $0xffff, v19  }
0x83: {  	v11 =	vadd.s32 $0xFFFFFFFF, v11;
	v32 =	vadd.s32 $0xFFFFFFFF, v23;
	(xrf0) =	vadd.scan.msk.s32 $0xffff, v18;
	v18, _, _ =	vpop (xrf0);
	(v2sf) =	vpush v16, $0xF  }
0x84: {  	p0 =	sne.s32 s1, $0x1;
	s31 =	simm.s32 $0x0;
	s28 =	simm.s32 $0x0;
	v19 =	vadd.s32 $0xFFFFFFFF, v28;
	v23 =	vbroadcast v20, $0x0;
	v28, _, _ =	vpop (xrf0);
	(v2sf) =	vpush v18, $0xF  }
0x85: {  	s3 =	simm.s32 $0x0;
	s29 =	simm.s32 $0x0;
	s30 =	simm.s32 $0x0;
	v12 =	vadd.s32 $0xFFFFFFFF, v12;
	v11 =	vbroadcast v11, $0x0;
	(v2sf) =	vpush v28, $0xF;
	v20, _, _ =	vpop (xrf0)  }
.Ltmp5:
0x86: {  	s23 =	simm.s32 $0x0;
	v26 =	vbroadcast v26, $0x0;
	[tilespmem:v13+s22+$0x0] =	vst.idx.msk vm15, v9;
	v23 =	vadd.s32 v28, v23;
	v28, _, _ =	vpop (xrf0);
	s5 =	spop (v2sf);
	(v2sf) =	vpush v20, $0xF;
	(pc) =	sbr.rel @!p0 .LBB2_8-.Ltmp5, $4  }
0x87: {  	s15 =	simm.s32 $0x0;
	s2 =	simm.s32 $0x0;
	s10 =	simm.s32 $0x0;
	v32 =	vbroadcast v32, $0x0;
	[tilespmem:v14+s22+$0x0] =	vst.idx.msk vm14, v9;
	v14 =	vbroadcast v29, $0x0;
	v13, _, _ =	vpop (xrf0);
	(v2sf) =	vpush v28, $0xF  }
0x88: {  	s0 =	simm.s32 $0x0;
	s13 =	simm.s32 $0x0;
	s12 =	simm.s32 $0x0;
	v22 =	vadd.s32 v28, v26;
	v26 =	vadd.s32 v13, v25;
	(v2sf) =	vpush v13, $0xF;
	v13, _, _ =	vpop (xrf0)  }
0x89: {  	s8 =	simm.s32 $0x0;
	s9 =	simm.s32 $0x0;
	s16 =	sadd.s32 $0xFFFFFFFF, s1;
	v25 =	vadd.s32 v30, v32;
	v28 =	vbroadcast v24, $0x0;
	v24 =	vadd.s32 $0xFFFFFFFF, v33;
	v29, _, _ =	vpop (xrf0)  }
0x8a: {  	s1 =	simm.s32 $0xA80;
	s18 =	simm.s32 $0x0;
	s19 =	simm.s32 $0x0;
	[tilespmem:v27+s22+$0x0] =	vst.idx.msk vm13, v9;
	(v2sf) =	vpush v13, $0xF;
	v27 =	vadd.s32 v29, v14;
	v14 =	vadd.s32 v31, v34  }
.LBB2_7:
0x8b: {  	(v2sf) =	vpush v29, $0xF;
	v29 =	vld [tilespmem:$0x1FFF0];
	_ =	sdelay $0x4  }
0x8c: {  	vm9 =	vnez.u8 v29;
	_ =	sdelay $0x5  }
0x8d: {  	s7 =	spop (v2sf);
	[tilespmem:v17+s22+$0x0] =	vst.idx.msk vm9, v9  }
0x8e: {  	v12 =	vbroadcast v12, $0x0;
	s11 =	spop (v2sf);
	[tilespmem:v26+s22+$0x0] =	vst.idx.msk vm12, v9  }
0x8f: {  	v30 =	vmov s1;
	v15 =	vadd.s32 v15, v28;
	s20 =	spop (v2sf);
	[tilespmem:v23+s22+$0x0] =	vst.idx.msk vm10, v9  }
0x90: {  	s25 =	sadd.s32 s25, s7;
	v12 =	vadd.s32 v20, v12;
	v20 =	vbroadcast v24, $0x0;
	s7 =	spop (v2sf);
	v17 =	vadd.s32 $0xFFFFFFFF, v30;
	[tilespmem:v27+s22+$0x0] =	vst.idx.msk vm11, v9  }
0x91: {  	v11 =	vadd.s32 v21, v11;
	s31 =	sadd.s32 s31, s11;
	s28 =	sadd.s32 s28, s7;
	s11 =	spop (v2sf);
	v17 =	vbroadcast v17, $0x0;
	[tilespmem:v25+s22+$0x0] =	vst.idx.msk vm6, v9  }
0x92: {  	v19 =	vbroadcast v19, $0x0;
	s2 =	sadd.s32 s2, s20;
	v18 =	vadd.s32 v18, v20;
	s7 =	sadd.s32 $0xC0, s28;
	s20 =	spop (v2sf);
	[tilespmem:v22+s22+$0x0] =	vst.idx.msk vm8, v9  }
0x93: {  	s3 =	sadd.s32 s3, s11;
	s29 =	sadd.s32 s29, s20;
	s11 =	spop (v2sf);
	v16 =	vadd.s32 v16, v17;
	[tilespmem:v14+s22+$0x0] =	vst.idx.msk vm7, v9  }
0x94: {  	s20 =	sadd.s32 $0x180, s29;
	s30 =	sadd.s32 s30, s11;
	s11 =	spop (v2sf);
	[tilespmem:v15+s22+$0x0] =	vst.idx.msk vm3, v9;
	v15 =	vadd.s32 v13, v19  }
0x95: {  	s18 =	sadd.s32 s18, s11;
	s11 =	spop (v2sf);
	v14 =	vmov s20;
	s20 =	sadd.s32 $0x6C0, s3;
	[tilespmem:v12+s22+$0x0] =	vst.idx.msk vm1, v9  }
0x96: {  	v21 =	vmov s31;
	s19 =	sadd.s32 s19, s11;
	s11 =	sadd.s32 $0x780, s2;
	v23 =	vmov s7;
	v13 =	vmov s20;
	s20 =	spop (v2sf);
	[tilespmem:v11+s22+$0x0] =	vst.idx.msk vm0, v9  }
0x97: {  	v21 =	vadd.s32 $0xFFFFFFFF, v21;
	s7 =	sadd.s32 $0x900, s30;
	v17 =	vadd.s32 $0xFFFFFFFF, v23;
	v19 =	vadd.s32 $0xFFFFFFFF, v14;
	s0 =	sadd.s32 s0, s20;
	s20 =	spop (v2sf);
	[tilespmem:v18+s22+$0x0] =	vst.idx.msk vm4, v9  }
0x98: {  	v13 =	vadd.s32 $0xFFFFFFFF, v13;
	v12 =	vmov s7;
	v19 =	vbroadcast v19, $0x0;
	s7 =	sadd.s32 $0x3C0, s0;
	s15 =	sadd.s32 s15, s20;
	s20 =	spop (v2sf);
	[tilespmem:v16+s22+$0x0] =	vst.idx.msk vm2, v9  }
0x99: {  	s26 =	sadd.s32 $0x10, s26;
	v11 =	vmov s11;
	v12 =	vadd.s32 $0xFFFFFFFF, v12;
	v18 =	vmov s7;
	s9 =	sadd.s32 s9, s20;
	s20 =	spop (v2sf);
	[tilespmem:v15+s22+$0x0] =	vst.idx.msk vm5, v9  }
0x9a: {  	s8 =	sadd.s32 s8, s5;
	v14 =	vadd.s32 $0xFFFFFFFF, v11;
	s11 =	sadd.s32 $0x840, s15;
	v11 =	vbroadcast v12, $0x0;
	v20 =	vadd.s32 $0xFFFFFFFF, v18;
	s13 =	sadd.s32 s13, s20;
	v9 =	vld [tilespmem:s26+$0x0]  }
0x9b: {  	s5 =	sadd.s32 $0x240, s8;
	v12 =	vmov s11;
	s11 =	spop (v2sf);
	v18 =	vbroadcast v17, $0x0;
	v17 =	vbroadcast v21, $0x0;
	s20 =	sadd.s32 $0x300, s13  }
0x9c: {  	v12 =	vadd.s32 $0xFFFFFFFF, v12;
	s10 =	sadd.s32 s10, s11;
	v15 =	vmov s5;
	s11 =	sadd.s32 $0x600, s9;
	v16 =	vmov s20;
	s20 =	spop (v2sf)  }
0x9d: {  	s23 =	sadd.s32 $0x10, s23;
	v15 =	vadd.s32 $0xFFFFFFFF, v15;
	v22 =	vadd.s32 $0xFFFFFFFF, v16;
	v16 =	vmov s11;
	s12 =	sadd.s32 s12, s20  }
0x9e: {  	v15 =	vbroadcast v15, $0x0;
	s20 =	sadd.s32 $0x480, s12;
	v23 =	vadd.s32 $0xFFFFFFFF, v16;
	v16 =	vor.u32 s23, v0  }
0x9f: {  	v24 =	vmov s20;
	vm5 =	vlt.s32 v16, v10;
	v16 =	vshrl.u32 v9, $0x1A  }
0xa0: {  	v24 =	vadd.s32 $0xFFFFFFFF, v24;
	vm0 =	veq.s32 v16, $0x0;
	vm1 =	veq.s32 v16, $0x3  }
0xa1: {  	vm7 =	veq.s32 v16, $0xB;
	vm4 =	veq.s32 v16, $0x9;
	vm3 =	veq.s32 v16, $0x2  }
0xa2: {  	vm8 =	veq.s32 v16, $0xC;
	vm2 =	veq.s32 v16, $0xE;
	vm13 =	vmand vm5, vm0  }
0xa3: {  	vm11 =	veq.s32 v16, $0x6;
	vm12 =	veq.s32 v16, $0x8;
	v21 =	vsel vm13, $0x1, v4  }
0xa4: {  	vm0 =	veq.s32 v16, $0x1;
	vm1 =	vmand vm5, vm1;
	(xrf0) =	vadd.scan.msk.s32 $0xffff, v21;
	v21 =	vimm.s32 $0x0  }
0xa5: {  	vm14 =	vmand vm5, vm0;
	vm0 =	veq.s32 v16, $0x7;
	v21 =	vsel vm1, $0xFFFFFFFF, v21  }
0xa6: {  	vm9 =	veq.s32 v16, $0xF;
	vm6 =	vmand vm5, vm0;
	[tilespmem:$0x1FFF0] =	vst v21;
	v21 =	vsel vm1, $0x1, v4  }
0xa7: {  	vm15 =	vmand vm5, vm3;
	vm0 =	veq.s32 v16, $0xA;
	v26 =	vsel vm6, $0x1, v4;
	(xrf0) =	vadd.scan.msk.s32 $0xffff, v21  }
0xa8: {  	vm11 =	vmand vm5, vm11;
	vm2 =	vmand vm5, vm2;
	vm3 =	vmand vm5, vm0;
	(xrf0) =	vadd.scan.msk.s32 $0xffff, v26  }
0xa9: {  	vm1 =	vmand vm5, vm7;
	vm7 =	veq.s32 v16, $0x5;
	v21 =	vsel vm3, $0x1, v4  }
0xaa: {  	v25 =	vsel vm14, $0x1, v4;
	vm10 =	vmand vm5, vm7;
	vm7 =	vmand vm5, vm4;
	v26, _, _ =	vpop (xrf0);
	(xrf0) =	vadd.scan.msk.s32 $0xffff, v21  }
0xab: {  	v29 =	vsel vm15, $0x1, v4;
	v27 =	vadd.s32 v26, v17;
	v17 =	vsel vm7, $0x1, v4;
	(xrf0) =	vadd.scan.msk.s32 $0xffff, v25  }
0xac: {  	v31 =	vsel vm11, $0x1, v4;
	vm0 =	vmand vm5, vm8;
	vm8 =	vmand vm5, vm12;
	(xrf0) =	vadd.scan.msk.s32 $0xffff, v17  }
0xad: {  	vm12 =	veq.s32 v16, $0x4;
	vm4 =	veq.s32 v16, $0xD;
	v17 =	vsel vm0, $0x1, v4;
	(xrf0) =	vadd.scan.msk.s32 $0xffff, v29;
	v25, _, _ =	vpop (xrf0)  }
0xae: {  	vm4 =	vmand vm5, vm4;
	v29 =	vsel vm2, $0x1, v4;
	(v2sf) =	vpush v25, $0xF;
	v30, _, _ =	vpop (xrf0);
	(xrf0) =	vadd.scan.msk.s32 $0xffff, v17  }
0xaf: {  	vm12 =	vmand vm5, vm12;
	v32 =	vsel vm4, $0x1, v4;
	(v2sf) =	vpush v30, $0xF;
	(xrf0) =	vadd.scan.msk.s32 $0xffff, v29  }
0xb0: {  	v28 =	vsel vm10, $0x1, v4;
	v17 =	vadd.s32 v25, v15;
	(v2sf) =	vpush v26, $0xF;
	v15, _, _ =	vpop (xrf0);
	(xrf0) =	vadd.scan.msk.s32 $0xffff, v32  }
0xb1: {  	v21 =	vsel vm8, $0x1, v4;
	v29 =	vsel vm1, $0x1, v4;
	v25, _, _ =	vpop (xrf0);
	(xrf0) =	vadd.scan.msk.s32 $0xffff, v28;
	(v2sf) =	vpush v15, $0xF  }
0xb2: {  	vm5 =	vmand vm5, vm9;
	v26 =	vsel vm12, $0x1, v4;
	(v2sf) =	vpush v25, $0xF;
	v63, _, _ =	vpop (xrf0);
	(xrf0) =	vadd.scan.msk.s32 $0xffff, v29  }
0xb3: {  	s5 =	sadd.s32 $0x9C0, s19;
	v25 =	vadd.s32 v25, v18;
	v18 =	vsel vm5, $0x1, v4;
	v16, _, _ =	vpop (xrf0);
	(xrf0) =	vadd.scan.msk.s32 $0xffff, v21;
	(v2sf) =	vpush v63, $0xF  }
0xb4: {  	s7 =	sadd.s32 $0x540, s25;
	[tilespmem:v27+s22+$0x0] =	vst.idx.msk vm13, v9;
	v27 =	vmov s5;
	(v2sf) =	vpush v16, $0xF;
	(xrf0) =	vadd.scan.msk.s32 $0xffff, v26;
	v21, _, _ =	vpop (xrf0)  }
0xb5: {  	s11 =	sadd.s32 $0xB40, s10;
	v28 =	vadd.s32 v16, v19;
	v19 =	vmov s7;
	(v2sf) =	vpush v21, $0xF;
	v16, _, _ =	vpop (xrf0);
	(xrf0) =	vadd.scan.msk.s32 $0xffff, v18  }
0xb6: {  	v26 =	vmov s11;
	v29 =	vadd.s32 $0xFFFFFFFF, v19;
	(xrf0) =	vadd.scan.msk.s32 $0xffff, v31;
	v18, _, _ =	vpop (xrf0);
	(v2sf) =	vpush v16, $0xF  }
0xb7: {  	v19 =	vadd.s32 $0xFFFFFFFF, v26;
	v26 =	vbroadcast v20, $0x0;
	v31, _, _ =	vpop (xrf0);
	(v2sf) =	vpush v18, $0xF  }
0xb8: {  	p0 =	sne.s32 s16, $0x1;
	[tilespmem:v25+s22+$0x0] =	vst.idx.msk vm14, v9;
	v25 =	vbroadcast v22, $0x0;
	v22 =	vbroadcast v23, $0x0;
	(v2sf) =	vpush v31, $0xF;
	v20, _, _ =	vpop (xrf0)  }
.Ltmp6:
0xb9: {  	v23 =	vadd.s32 v31, v26;
	v31 =	vbroadcast v13, $0x0;
	v13, _, _ =	vpop (xrf0);
	(v2sf) =	vpush v20, $0xF;
	(pc) =	sbr.rel @p0 .LBB2_7-.Ltmp6, $4  }
0xba: {  	v33 =	vbroadcast v29, $0x0;
	[tilespmem:v28+s22+$0x0] =	vst.idx.msk vm15, v9;
	v22 =	vadd.s32 v13, v22;
	v28, _, _ =	vpop (xrf0);
	(v2sf) =	vpush v13, $0xF  }
0xbb: {  	v26 =	vadd.s32 v28, v25;
	v25 =	vbroadcast v24, $0x0;
	(v2sf) =	vpush v28, $0xF;
	v13, _, _ =	vpop (xrf0)  }
0xbc: {  	v28 =	vbroadcast v14, $0x0;
	v24 =	vadd.s32 $0xFFFFFFFF, v27;
	v14 =	vadd.s32 v63, v31;
	v29, _, _ =	vpop (xrf0)  }
0xbd: {  	s16 =	sadd.s32 $0xFFFFFFFF, s16;
	s1 =	sadd.s32 $0xA80, s18;
	(v2sf) =	vpush v13, $0xF;
	v27 =	vadd.s32 v29, v25;
	v25 =	vadd.s32 v30, v33;
	s5 =	spop (v2sf)  }
.LBB2_8:
0xbe: {  	v10 =	vld [tilespmem:$0x1FFF0];
	_ =	sdelay $0x4  }
0xbf: {  	vm9 =	vnez.u8 v10;
	_ =	sdelay $0x1  }
0xc0: {  	(v2sf) =	vpush v29, $0xF  }
0xc1: {  	s7 =	spop (v2sf)  }
0xc2: {  	s11 =	spop (v2sf)  }
0xc3: {  	[dreg:$0xd] =	wrdreg s11;
	s26 =	spop (v2sf)  }
0xc4: {  	[dreg:$0xe] =	wrdreg s26;
	s16 =	spop (v2sf);
	[tilespmem:v17+s22+$0x0] =	vst.idx.msk vm9, v9  }
0xc5: {  	s26 =	sadd.s32 s25, s7;
	s25 =	rddreg [dreg:$0xd];
	s23 =	spop (v2sf);
	v10 =	vbroadcast v12, $0x0;
	[tilespmem:v26+s22+$0x0] =	vst.idx.msk vm12, v9  }
0xc6: {  	v62 =	vmov s1;
	v15 =	vadd.s32 v15, v28;
	[dreg:$0xc] =	wrdreg s16;
	s20 =	spop (v2sf);
	[tilespmem:v23+s22+$0x0] =	vst.idx.msk vm10, v9  }
0xc7: {  	v63 =	vbroadcast v24, $0x0;
	s7 =	rddreg [dreg:$0xe];
	v12 =	vadd.s32 $0xFFFFFFFF, v62;
	s16 =	spop (v2sf);
	v10 =	vadd.s32 v20, v10;
	[tilespmem:v27+s22+$0x0] =	vst.idx.msk vm11, v9  }
0xc8: {  	v11 =	vadd.s32 v21, v11;
	s25 =	sadd.s32 s31, s25;
	[dreg:$0xf] =	wrdreg s20;
	v12 =	vbroadcast v12, $0x0;
	s20 =	spop (v2sf);
	[tilespmem:v25+s22+$0x0] =	vst.idx.msk vm6, v9  }
0xc9: {  	v19 =	vbroadcast v19, $0x0;
	s31 =	sadd.s32 s2, s7;
	s2 =	rddreg [dreg:$0xc];
	s11 =	spop (v2sf);
	v17 =	vadd.s32 v18, v63;
	[tilespmem:v22+s22+$0x0] =	vst.idx.msk vm8, v9  }
0xca: {  	s2 =	sadd.s32 s28, s2;
	v12 =	vadd.s32 v16, v12;
	s7 =	spop (v2sf);
	[tilespmem:v14+s22+$0x0] =	vst.idx.msk vm7, v9  }
0xcb: {  	v13 =	vadd.s32 v13, v19;
	s28 =	sadd.s32 s3, s23;
	s23 =	rddreg [dreg:$0xf];
	s1 =	spop (v2sf);
	[tilespmem:v15+s22+$0x0] =	vst.idx.msk vm3, v9  }
0xcc: {  	s16 =	sadd.s32 s30, s16;
	s3 =	sadd.s32 s29, s23;
	s30 =	spop (v2sf);
	[tilespmem:v10+s22+$0x0] =	vst.idx.msk vm1, v9  }
0xcd: {  	s23 =	sadd.s32 s18, s20;
	s18 =	sadd.s32 s19, s11;
	s11 =	spop (v2sf);
	[tilespmem:v11+s22+$0x0] =	vst.idx.msk vm0, v9  }
0xce: {  	s8 =	sadd.s32 s8, s5;
	s0 =	sadd.s32 s0, s7;
	s20 =	spop (v2sf);
	[tilespmem:v17+s22+$0x0] =	vst.idx.msk vm4, v9  }
0xcf: {  	s19 =	sadd.s32 s15, s1;
	s15 =	sadd.s32 s9, s30;
	s30 =	spop (v2sf);
	[tilespmem:v12+s22+$0x0] =	vst.idx.msk vm2, v9  }
0xd0: {  	s9 =	sadd.s32 s13, s11;
	s13 =	sadd.s32 s10, s20;
	s10 =	sadd.s32 s12, s30;
	[tilespmem:v13+s22+$0x0] =	vst.idx.msk vm5, v9  }
.LBB2_9:
0xd1: {  	s1 =	rddreg [dreg:$0x6];
	s5 =	simm.s32 $0x400;
	s7 =	simm.s32 $0x7A1400  }
0xd2: {  	[tilespmem:s17], [sflag:$0x1] =	stream.strided.gather [hbm4b:s1+s5], $0x2000, s7, s5, $0x38;
	[tilespmem:$0x11580] =	vst v63  }
.Ltmp7:
0xd3: {  	_ = 	snop;
	(pc) =	sbr.rel .LBB2_10-.Ltmp7, $4  }
0xd4: {  	s20 =	rddreg [dreg:$0x7];
	s11 =	simm.s32 $0xA000  }
0xd5: {  	[tilespmem:s11], [sflag:$0x1] =	stream.strided.gather [hbm4b:s20+s5], $0x2000, s7, s5, $0x38;
	[tilespmem:$0x11580] =	vst v63  }
0xd6: {  	s29 =	rddreg [dreg:$0x8];
	s30 =	simm.s32 $0xC000;
	s12 =	simm.s32 $0x0  }
0xd7: {  	[tilespmem:s30], [sflag:$0x1] =	stream.strided.gather [hbm4b:s29+s5], $0x2000, s7, s5, $0x38;
	[tilespmem:$0x11580] =	vst v63  }
.LBB2_19:
0xd8: {  	s12 =	sadd.s32 $0x1, s12;
	s1 =	rddreg [dreg:$0x9]  }
0xd9: {  	p0 =	sne.s32 s12, s1  }
.Ltmp8:
0xda: {  	_ = 	snop;
	(pc) =	sbr.rel @!p0 .LBB2_20-.Ltmp8, $1  }
0xdb: {  	_ =	sdelay $0x3  }
.LBB2_10:
0xdc: {  	s11 =	simm.s32 $0x1  }
0xdd: {  	s1 =	sadd.s32 $0x3, s12;
	s5 =	rddreg [dreg:$0x5];
	_ =	swait.ge [sflag:s11], $0x2000  }
0xde: {  	p0 =	sge.u32 s1, s5;
	s7 =	rddreg [dreg:$0x4]  }
0xdf: {  	s5 =	sshll.u32 @!p0 s1, $0xD;
	[sflag:s11] =	ssyncset.done $0x0;
	s1 =	sadd.s32 @!p0 s7, s1  }
0xe0: {  	s5 =	sand.u32 @!p0 $0x6000, s5;
	[sflag:s11] =	ssyncadd.s32 $0xFFFFE000;
	s1 =	sshll.u32 @!p0 s1, $0x7  }
0xe1: {  	s11 =	simm.s32 @!p0 $0x7A1400;
	s7 =	rddreg [dreg:$0x0];
	s1 =	sand.u32 @!p0 $0x1FFFFF80, s1  }
0xe2: {  	s5 =	sor.u32 @!p0 $0x8000, s5;
	s1 =	sadd.s32 @!p0 s7, s1;
	s7 =	simm.s32 @!p0 $0x400  }
0xe3: {  	[tilespmem:s5], [sflag:$0x1] =	stream.strided.gather @!p0 [hbm4b:s1+s7], $0x2000, s11, s7, $0x38;
	[tilespmem:$0x11580] =	vst v63  }
0xe4: {  	s1 =	sshrl.u32 s12, $0x4  }
0xe5: {  	s5 =	smov.u32 s13;
	p0 =	seq.s32 s1, $0x0  }
0xe6: {  	s5 =	smov.u32 @p0 s25;
	p0 =	seq.s32 s1, $0x1  }
0xe7: {  	s5 =	smov.u32 @p0 s2;
	p0 =	seq.s32 s1, $0x2  }
0xe8: {  	s5 =	smov.u32 @p0 s3;
	p0 =	seq.s32 s1, $0x3  }
0xe9: {  	s5 =	smov.u32 @p0 s8;
	p0 =	seq.s32 s1, $0x4  }
0xea: {  	s5 =	smov.u32 @p0 s9;
	p0 =	seq.s32 s1, $0x5  }
0xeb: {  	s5 =	smov.u32 @p0 s0;
	p0 =	seq.s32 s1, $0x6  }
0xec: {  	s5 =	smov.u32 @p0 s10;
	p0 =	seq.s32 s1, $0x7  }
0xed: {  	s5 =	smov.u32 @p0 s26;
	p0 =	seq.s32 s1, $0x8  }
0xee: {  	s5 =	smov.u32 @p0 s15;
	p0 =	seq.s32 s1, $0x9  }
0xef: {  	s5 =	smov.u32 @p0 s28;
	p0 =	seq.s32 s1, $0xA  }
0xf0: {  	s5 =	smov.u32 @p0 s31;
	p0 =	seq.s32 s1, $0xB  }
0xf1: {  	s5 =	smov.u32 @p0 s19;
	p0 =	seq.s32 s1, $0xC  }
0xf2: {  	s5 =	smov.u32 @p0 s16;
	p0 =	seq.s32 s1, $0xD  }
0xf3: {  	s5 =	smov.u32 @p0 s18;
	p0 =	seq.s32 s1, $0xE  }
0xf4: {  	s5 =	smov.u32 @p0 s23  }
0xf5: {  	s5 =	sadd.s32 $0xF, s5  }
0xf6: {  	s29 =	sshrl.u32 s5, $0x4  }
0xf7: {  	p0 =	seq.s32 s29, $0x0  }
.Ltmp9:
0xf8: {  	_ = 	snop;
	(pc) =	sbr.rel @p0 .LBB2_19-.Ltmp9, $1  }
0xf9: {  	_ =	sdelay $0x3  }
0xfa: {  	s1 =	smul.u32 $0x300, s1  }
.Ltmp10:
0xfb: {  	_ = 	snop;
	(pc) =	sbr.rel .LBB2_12-.Ltmp10, $4  }
0xfc: {  	s5 =	sand.u32 $0x3, s12  }
0xfd: {  	s5 =	sshll.u32 s5, $0xD;
	s1 =	sshra.s32 s1, $0x2  }
0xfe: {  	v9 =	vmov s12;
	v10 =	vor.u32 s5, v2;
	v11 =	vor.u32 s5, v6;
	s1 =	sadd.s32 $0x10700, s1  }
0xff: {  	s30 =	simm.s32 $0x0;
	v12 =	vor.u32 s5, v7;
	v13 =	vor.u32 s5, v8;
	v14 =	vmov s1  }
.LBB2_14:
0x100: {  	_ = 	snop  }
.LBB2_17:
0x101: {  	s1 =	simm.s32 @!p2 $0x2;
	[tilespmem:s5+$0x11330] =	vst @p0 v15  }
0x102: {  	[hbm4b:s11+s4] =	stream.linear.scatter @p0 [tilespmem:s7], [sflag:$0x2], $0x40, $0x38;
	[tilespmem:$0x11580] =	vst v63  }
0x103: {  	_ =	swait.ge @!p2 [sflag:s1], $0x40  }
0x104: {  	[sflag:s1] =	ssyncset.done @!p2 $0x0  }
0x105: {  	s11 =	spop (v2sf);
	[sflag:s1] =	ssyncadd.s32 @!p2 $0xFFFFFFC0  }
0x106: {  	v15 =	vld [tilespmem:s11+$0x11500];
	_ =	sdelay $0x4  }
0x107: {  	(v2sf) =	vpush v15, $0x0;
	_ =	sdelay $0xe  }
0x108: {  	s1 =	spop (v2sf)  }
0x109: {  	s20 =	sand.u32 $0x7F, s1  }
0x10a: {  	v15 =	vor.u32 s20, v10;
	_ =	sdelay $0x2  }
0x10b: {  	s11 =	sshra.s32 s24, $0x1F  }
0x10c: {  	s7 =	sshrl.u32 s11, $0x1D  }
0x10d: {  	s7 =	sadd.s32 s7, s24;
	v15 =	vld.idx.msk [tilespmem:v15+s17+$0x0], $0xffff  }
0x10e: {  	s7 =	sand.u32 $0xFFFFF8, s7;
	v16 =	vor.u32 s20, v11  }
0x10f: {  	s7 =	ssub.s32 s24, s7  }
0x110: {  	s7 =	sshll.u32 s7, $0x8  }
0x111: {  	s7 =	sshra.s32 s7, $0x2  }
0x112: {  	[tilespmem:s7+$0x11300] =	vst v15  }
0x113: {  	v15 =	vld.idx.msk [tilespmem:v16+s17+$0x0], $0xffff  }
0x114: {  	v62 =	vor.u32 s20, v12;
	_ =	sdelay $0x3  }
0x115: {  	[tilespmem:s7+$0x11310] =	vst v15  }
0x116: {  	v15 =	vld.idx.msk [tilespmem:v62+s17+$0x0], $0xffff  }
0x117: {  	v63 =	vor.u32 s20, v13;
	_ =	sdelay $0x3  }
0x118: {  	[tilespmem:s7+$0x11320] =	vst v15  }
0x119: {  	v15 =	vld.idx.msk [tilespmem:v63+s17+$0x0], $0xffff;
	_ =	sdelay $0x2  }
0x11a: {  	s1 =	sshrl.u32 s1, $0x4  }
0x11b: {  	s1 =	sand.u32 $0x3FFF8, s1  }
0x11c: {  	s24 =	sadd.s32 $0x1, s24;
	s20 =	sadd.s32 $0x11300, s7;
	s1 =	sadd.s32 s6, s1;
	[tilespmem:s7+$0x11330] =	vst v15  }
0x11d: {  	[hbm4b:s1+s4] =	stream.linear.scatter [tilespmem:s20], [sflag:$0x2], $0x40, $0x38;
	[tilespmem:$0x11580] =	vst v63  }
.LBB2_18:
0x11e: {  	s30 =	sadd.s32 $0x1, s30  }
0x11f: {  	p0 =	sne.s32 s30, s29  }
.Ltmp11:
0x120: {  	_ = 	snop;
	(pc) =	sbr.rel @!p0 .LBB2_19-.Ltmp11, $1  }
0x121: {  	_ =	sdelay $0x3  }
.LBB2_12:
0x122: {  	_ =	sdelay $0x1  }
0x123: {  	s1 =	sshll.u32 s30, $0x6  }
0x124: {  	s1 =	sshra.s32 s1, $0x2  }
0x125: {  	v15 =	vld.idx.msk [tilespmem:v14+s1+$0x0 ss:$0x1], $0xffff;
	_ =	sdelay $0x4  }
0x126: {  	v16 =	vshrl.u32 v15, $0x16  }
0x127: {  	vm0 =	veq.s32 v16, v9  }
0x128: {  	v16 =	vmpcnt.ones.xlane vm0;
	_ =	sdelay $0x1  }
0x129: {  	(v2sf) =	vpush v16, $0x0;
	_ =	sdelay $0xe  }
0x12a: {  	s1 =	spop (v2sf)  }
0x12b: {  	p0 =	slt.s32 s1, $0x1  }
.Ltmp12:
0x12c: {  	_ = 	snop;
	(pc) =	sbr.rel @p0 .LBB2_18-.Ltmp12, $2  }
0x12d: {  	_ =	sdelay $0x2  }
0x12e: {  	[tilespmem:$0x11500] =	vst v15  }
0x12f: {  	v15 =	vmctz.xlane vm0;
	_ =	sdelay $0x1  }
0x130: {  	(v2sf) =	vpush v15, $0x0;
	_ =	sdelay $0x3  }
0x131: {  	s1 =	sadd.s32 $0xFFFFFFFF, s1  }
0x132: {  	p1 =	sne.s32 s1, $0x0  }
.Ltmp13:
0x133: {  	_ = 	snop;
	(pc) =	sbr.rel @!p1 .LBB2_14-.Ltmp13, $3  }
0x134: {  	v16 =	vbroadcast v15, $0x0;
	_ =	sdelay $0x1  }
0x135: {  	vm1 =	vne.s32 v16, v0  }
0x136: {  	p2 =	slt.s32 s24, $0x8;
	p0 =	por $0x0, $0x0;
	vm0 =	vmand vm0, vm1  }
0x137: {  	_ = 	snop  }
0x138: {  	s5 =	simm.s32 @!p2 $0x2  }
0x139: {  	_ =	swait.ge @!p2 [sflag:s5], $0x40  }
0x13a: {  	[sflag:s5] =	ssyncset.done @!p2 $0x0  }
0x13b: {  	[sflag:s5] =	ssyncadd.s32 @!p2 $0xFFFFFFC0;
	s7 =	spop (v2sf)  }
0x13c: {  	v15 =	vld [tilespmem:s7+$0x11500];
	_ =	sdelay $0x4  }
0x13d: {  	(v2sf) =	vpush v15, $0x0;
	_ =	sdelay $0xe  }
0x13e: {  	s7 =	spop (v2sf)  }
0x13f: {  	s11 =	sand.u32 $0x7F, s7  }
0x140: {  	v15 =	vor.u32 s11, v10;
	_ =	sdelay $0x2  }
0x141: {  	s20 =	sshra.s32 s24, $0x1F  }
0x142: {  	s5 =	sshrl.u32 s20, $0x1D  }
0x143: {  	s5 =	sadd.s32 s5, s24;
	v15 =	vld.idx.msk [tilespmem:v15+s17+$0x0], $0xffff  }
0x144: {  	s5 =	sand.u32 $0xFFFFF8, s5;
	v16 =	vor.u32 s11, v11  }
0x145: {  	s5 =	ssub.s32 s24, s5  }
0x146: {  	s5 =	sshll.u32 s5, $0x8  }
0x147: {  	s5 =	sshra.s32 s5, $0x2  }
0x148: {  	[tilespmem:s5+$0x11300] =	vst v15  }
0x149: {  	v15 =	vld.idx.msk [tilespmem:v16+s17+$0x0], $0xffff  }
0x14a: {  	v16 =	vor.u32 s11, v12;
	_ =	sdelay $0x3  }
0x14b: {  	[tilespmem:s5+$0x11310] =	vst v15  }
0x14c: {  	v15 =	vld.idx.msk [tilespmem:v16+s17+$0x0], $0xffff;
	v16 =	vmctz.xlane vm0;
	_ =	sdelay $0x1  }
0x14d: {  	(v2sf) =	vpush v16, $0x0;
	_ =	sdelay $0x1  }
0x14e: {  	v17 =	vor.u32 s11, v13;
	_ =	sdelay $0x2  }
0x14f: {  	s1 =	sadd.s32 $0xFFFFFFFF, s1  }
0x150: {  	p1 =	sne.s32 s1, $0x0;
	[tilespmem:s5+$0x11320] =	vst v15  }
.Ltmp14:
0x151: {  	v15 =	vld.idx.msk [tilespmem:v17+s17+$0x0], $0xffff;
	(pc) =	sbr.rel @!p1 .LBB2_17-.Ltmp14, $4  }
0x152: {  	v18 =	vbroadcast v16, $0x0  }
0x153: {  	s7 =	sshrl.u32 s7, $0x4  }
0x154: {  	p0 =	por $0x1, $0x1;
	s24 =	sadd.s32 $0x1, s24;
	s20 =	sand.u32 $0x3FFF8, s7;
	vm1 =	vne.s32 v18, v0  }
0x155: {  	p2 =	slt.s32 s24, $0x8;
	s7 =	sadd.s32 $0x11300, s5;
	s11 =	sadd.s32 s6, s20;
	vm0 =	vmand vm0, vm1  }
.LBB2_16:
0x156: {  	s1 =	sadd.s32 $0xFFFFFFFF, s1;
	s20 =	simm.s32 @!p2 $0x2;
	[tilespmem:s5+$0x11330] =	vst v15  }
0x157: {  	[hbm4b:s11+s4] =	stream.linear.scatter [tilespmem:s7], [sflag:$0x2], $0x40, $0x38;
	[tilespmem:$0x11580] =	vst v63  }
0x158: {  	p1 =	sne.s32 s1, $0x0;
	_ =	swait.ge @!p2 [sflag:s20], $0x40  }
0x159: {  	[sflag:s20] =	ssyncset.done @!p2 $0x0;
	s5 =	spop (v2sf)  }
0x15a: {  	[sflag:s20] =	ssyncadd.s32 @!p2 $0xFFFFFFC0  }
0x15b: {  	v15 =	vld [tilespmem:s5+$0x11500];
	_ =	sdelay $0x4  }
0x15c: {  	(v2sf) =	vpush v15, $0x0;
	_ =	sdelay $0xe  }
0x15d: {  	s5 =	spop (v2sf)  }
0x15e: {  	s7 =	sand.u32 $0x7F, s5;
	s5 =	sshrl.u32 s5, $0x4  }
0x15f: {  	v15 =	vor.u32 s7, v10;
	s11 =	sand.u32 $0x3FFF8, s5;
	_ =	sdelay $0x2  }
0x160: {  	s5 =	sshra.s32 s24, $0x1F  }
0x161: {  	s5 =	sshrl.u32 s5, $0x1D  }
0x162: {  	s5 =	sadd.s32 s5, s24;
	v15 =	vld.idx.msk [tilespmem:v15+s17+$0x0], $0xffff  }
0x163: {  	v16 =	vor.u32 s7, v11;
	s5 =	sand.u32 $0xFFFFF8, s5  }
0x164: {  	s5 =	ssub.s32 s24, s5  }
0x165: {  	s5 =	sshll.u32 s5, $0x8  }
0x166: {  	s5 =	sshra.s32 s5, $0x2;
	_ =	sdelay $0x1  }
0x167: {  	[tilespmem:s5+$0x11300] =	vst v15  }
0x168: {  	v15 =	vld.idx.msk [tilespmem:v16+s17+$0x0], $0xffff  }
0x169: {  	v16 =	vor.u32 s7, v12;
	_ =	sdelay $0x4  }
0x16a: {  	v17 =	vmctz.xlane vm0;
	[tilespmem:s5+$0x11310] =	vst v15  }
0x16b: {  	v15 =	vld.idx.msk [tilespmem:v16+s17+$0x0], $0xffff  }
0x16c: {  	v16 =	vbroadcast v17, $0x0;
	(v2sf) =	vpush v17, $0x0;
	v17 =	vor.u32 s7, v13;
	_ =	sdelay $0x1  }
0x16d: {  	vm1 =	vne.s32 v16, v0  }
0x16e: {  	vm0 =	vmand vm0, vm1;
	_ =	sdelay $0x1  }
0x16f: {  	[tilespmem:s5+$0x11320] =	vst v15  }
0x170: {  	v15 =	vld.idx.msk [tilespmem:v17+s17+$0x0], $0xffff  }
.Ltmp15:
0x171: {  	(pc) =	sbr.rel @p1 .LBB2_16-.Ltmp15, $3  }
0x172: {  	_ =	sdelay $0x1  }
0x173: {  	s24 =	sadd.s32 $0x1, s24  }
0x174: {  	s11 =	sadd.s32 s6, s11;
	p2 =	slt.s32 s24, $0x8;
	s7 =	sadd.s32 $0x11300, s5  }
.Ltmp16:
0x175: {  	_ = 	snop;
	(pc) =	sbr.rel .LBB2_17-.Ltmp16, $1  }
0x176: {  	_ =	sdelay $0x3  }
.LBB2_20:
0x177: {  	p0 =	slt.s32 s24, $0x1  }
.Ltmp17:
0x178: {  	_ = 	snop;
	(pc) =	sbr.rel @p0 .LBB2_24-.Ltmp17, $2  }
0x179: {  	_ =	sdelay $0x2  }
0x17a: {  	s1 =	rddreg [dreg:$0xb]  }
0x17b: {  	p0 =	slt.s32 s24, $0x8  }
0x17c: {  	s24 =	simm.s32 @!p0 $0x8  }
0x17d: {  	p0 =	sne.s32 s24, $0x1  }
.Ltmp18:
0x17e: {  	_ = 	snop;
	(pc) =	sbr.rel @!p0 .LBB2_23-.Ltmp18, $3  }
0x17f: {  	_ =	sdelay $0x1  }
0x180: {  	_ =	swait.ge [sflag:s21], $0x40  }
0x181: {  	[sflag:s21] =	ssyncset.done $0x0;
	s0 =	sadd.s32 $0xFFFFFFFF, s24  }
.LBB2_22:
0x182: {  	p0 =	sne.s32 s0, $0x1;
	s0 =	sadd.s32 $0xFFFFFFFF, s0;
	[sflag:s21] =	ssyncadd.s32 $0xFFFFFFC0  }
.Ltmp19:
0x183: {  	(pc) =	sbr.rel @p0 .LBB2_22-.Ltmp19, $3  }
0x184: {  	_ =	sdelay $0x1  }
0x185: {  	_ =	swait.ge [sflag:s21], $0x40  }
0x186: {  	[sflag:s21] =	ssyncset.done $0x0  }
.Ltmp20:
0x187: {  	_ = 	snop;
	(pc) =	sbr.rel .LBB2_23-.Ltmp20, $1  }
0x188: {  	_ =	sdelay $0x3  }
.LBB2_25:
0x189: {  	_ =	sfence.sel $0x180000  }
0x18a: {  	[bflag:$0x0] =	sbarrier.arrive $0xFFFF  }
0x18b: {  	_ =	strace $0x90000047  }
0x18c: {  	s0 =	stileid.u32;
	[bflag:$0x2] =	sbarrier.arrive $0xFFFF  }
0x18d: {  	p0 =	sne.s32 s0, $0x0;
	s0 =	rddreg [dreg:$0x3]  }
0x18e: {  	s0 =	sadd.s32 @!p0 $0x100000, s0  }
0x18f: {  	[sflag:s0] =	ssyncadd.tile.s32 @!p0 $0x1;
	_ =	shalt  }
.Lfunc_end2:
_tile_overlayer_lowered:
.L_overlay_start_2:
0x190: {  	(tag) =	ssettag $0x2  }
0x191: {  	s0 =	rddreg [dreg:$0x0];
	s2 =	stileid.u32  }
0x192: {  	s1 =	rddreg [dreg:$0x1];
	p0 =	sne.s32 s2, $0x0  }
0x193: {  	s3 =	rddreg [dreg:$0x2];
	[bflag:$0x3] =	sbarrier.arrive $0xFFFF;
	s2 =	simm.s32 @!p0 $0x1C03  }
0x194: {  	[timem:s3], [sflag:s2] =	dma.local @!p0 [hbm:s0], s1  }
0x195: {  	s0 =	simm.s32 @!p0 $0x3  }
0x196: {  	_ =	swait.ge @!p0 [sflag:s0], s1  }
0x197: {  	s1 =	ssub.s32 @!p0 $0x0, s1;
	[sflag:s0] =	ssyncset.done @!p0 $0x0  }
0x198: {  	[sflag:s0] =	ssyncadd.s32 @!p0 s1  }
0x199: {  	[bflag:$0x3] =	sbarrier.arrive $0xFFFF  }
0x19a: {  	_ =	shalt  }

</sc_bundles>
